<compile_context>
chip_gen: v7x
topology: tpu7x:2x2x1
jax: 0.10.2.dev20260603
libtpu: 0.0.44.dev20260713+nightly
codegen_flags: <defaults>
</compile_context>

<pallas_src>
import jax
import jax.numpy as jnp
from jax import lax
from jax.experimental import pallas as pl

N = 10000
E = 320000
NFEAT = 128
NHID = 16
HEADS = 8
NCLASS = 40

N_PAD = 10016
E2 = E + N


def _proj_kernel(x_ref, w_ref, asrc_ref, adst_ref, g_ref, hp_ref, as_ref,
                 ad_ref, mx_ref):
    hp = jnp.dot(x_ref[...], w_ref[...], preferred_element_type=jnp.float32)
    hp_ref[...] = hp
    g = g_ref[...]
    a_s = jnp.dot(hp * asrc_ref[...], g, preferred_element_type=jnp.float32)
    a_d = jnp.dot(hp * adst_ref[...], g, preferred_element_type=jnp.float32)
    as_ref[...] = a_s
    ad_ref[...] = a_d
    rows = lax.broadcasted_iota(jnp.int32, (N_PAD, 1), 0)
    valid = rows < N
    neg = jnp.float32(-3e38)
    mx_s = jnp.max(jnp.where(valid, a_s, neg), axis=0, keepdims=True)
    mx_d = jnp.max(jnp.where(valid, a_d, neg), axis=0, keepdims=True)
    mx_ref[...] = jnp.concatenate([mx_s, mx_d], axis=1)


def _project(x_pad, w, a_src, a_dst, heads, dim):
    hd = heads * dim
    g = (lax.broadcasted_iota(jnp.int32, (hd, heads), 0) // dim ==
         lax.broadcasted_iota(jnp.int32, (hd, heads), 1)).astype(jnp.float32)
    return pl.pallas_call(
        _proj_kernel,
        out_shape=(
            jax.ShapeDtypeStruct((N_PAD, hd), jnp.float32),
            jax.ShapeDtypeStruct((N_PAD, heads), jnp.float32),
            jax.ShapeDtypeStruct((N_PAD, heads), jnp.float32),
            jax.ShapeDtypeStruct((1, 2 * heads), jnp.float32),
        ),
    )(x_pad, w, a_src, a_dst, g)


def kernel(x, edge_index, W1, att_src1, att_dst1, b1, W2, att_src2, att_dst2, b2):
    x_pad = jnp.zeros((N_PAD, NFEAT), jnp.float32).at[:N].set(x)
    loop = jnp.arange(N, dtype=jnp.int32)
    src = jnp.concatenate([edge_index[0], loop])
    dst = jnp.concatenate([edge_index[1], loop])

    hp1, as1, ad1, mx1 = _project(
        x_pad, W1, att_src1.reshape(1, -1), att_dst1.reshape(1, -1), HEADS, NHID)

    alpha = as1[src] + ad1[dst]
    alpha = jnp.where(alpha >= 0, alpha, 0.2 * alpha)
    s1 = mx1[0, :HEADS] + mx1[0, HEADS:]
    s1 = jnp.where(s1 >= 0, s1, 0.2 * s1)
    ex = jnp.exp(alpha - s1[None, :])
    denom = jax.ops.segment_sum(ex, dst, num_segments=N_PAD)
    coef = ex / (denom[dst] + 1e-16)
    msg = hp1[src].reshape(E2, HEADS, NHID) * coef[:, :, None]
    out1 = jax.ops.segment_sum(msg.reshape(E2, HEADS * NHID), dst,
                               num_segments=N_PAD)
    h1 = out1 + b1[None, :]
    h1 = jnp.where(h1 > 0, h1, jnp.exp(jnp.minimum(h1, 0.0)) - 1.0)

    hp2, as2, ad2, mx2 = _project(
        h1, W2, att_src2.reshape(1, -1), att_dst2.reshape(1, -1), 1, NCLASS)

    alpha2 = as2[src] + ad2[dst]
    alpha2 = jnp.where(alpha2 >= 0, alpha2, 0.2 * alpha2)
    s2 = mx2[0, :1] + mx2[0, 1:]
    s2 = jnp.where(s2 >= 0, s2, 0.2 * s2)
    ex2 = jnp.exp(alpha2 - s2[None, :])
    denom2 = jax.ops.segment_sum(ex2, dst, num_segments=N_PAD)
    coef2 = ex2 / (denom2[dst] + 1e-16)
    msg2 = hp2[src] * coef2
    out2 = jax.ops.segment_sum(msg2, dst, num_segments=N_PAD)
    h2 = out2[:N] + b2[None, :]
    return jax.nn.log_softmax(h2, axis=1)

# --- scband reference (transcript-rebuilt; emitter-appended) ---
"""Pipeline reference for scband-gat-8598524527061 (READ-ONLY COPY).

The authoritative reference and input builder live on the scoring server;
editing this copy changes nothing except your own understanding.
"""

import jax, jax.numpy as jnp
import numpy as np

N = 10000
E = 320000
NFEAT = 128
NHID = 16
HEADS = 8
NCLASS = 40


def _glorot(key, shape):
    fan_in = shape[0] if len(shape) > 1 else shape[-1]
    fan_out = shape[-1]
    limit = jnp.sqrt(6.0 / (fan_in + fan_out))
    return jax.random.uniform(key, shape, dtype=jnp.float32, minval=-limit, maxval=limit)


def setup_inputs(seed: int = 0):
    key = jax.random.key(seed)
    ks = jax.random.split(key, 12)
    x = jax.random.normal(ks[0], (N, NFEAT), dtype=jnp.float32)
    edge_index = jax.random.randint(ks[1], (2, E), 0, N, dtype=jnp.int32)
    W1 = _glorot(ks[2], (NFEAT, HEADS * NHID))
    att_src1 = _glorot(ks[3], (1, HEADS, NHID))
    att_dst1 = _glorot(ks[4], (1, HEADS, NHID))
    b1 = jnp.zeros((HEADS * NHID,), dtype=jnp.float32)
    W2 = _glorot(ks[5], (HEADS * NHID, 1 * NCLASS))
    att_src2 = _glorot(ks[6], (1, 1, NCLASS))
    att_dst2 = _glorot(ks[7], (1, 1, NCLASS))
    b2 = jnp.zeros((NCLASS,), dtype=jnp.float32)
    return {"x": x, "edge_index": edge_index, "W1": W1, "att_src1": att_src1,
            "att_dst1": att_dst1, "b1": b1, "W2": W2, "att_src2": att_src2,
            "att_dst2": att_dst2, "b2": b2}


def _gat_layer(h, src, dst, W, a_src, a_dst, bias, heads, out_ch, concat):
    hp = (h @ W).reshape(N, heads, out_ch)
    alpha_src = (hp * a_src).sum(axis=-1)  # [N, H]
    alpha_dst = (hp * a_dst).sum(axis=-1)  # [N, H]
    alpha = alpha_src[src] + alpha_dst[dst]  # [E2, H]
    alpha = jax.nn.leaky_relu(alpha, negative_slope=0.2)
    amax = jax.ops.segment_max(alpha, dst, num_segments=N)
    amax = jnp.where(jnp.isfinite(amax), amax, 0.0)
    amax = jax.lax.stop_gradient(amax)
    ex = jnp.exp(alpha - amax[dst])
    denom = jax.ops.segment_sum(ex, dst, num_segments=N)
    coef = ex / (denom[dst] + 1e-16)  # [E2, H]
    msg = hp[src] * coef[:, :, None]  # [E2, H, C]
    out = jax.ops.segment_sum(msg, dst, num_segments=N)  # [N, H, C]
    if concat:
        out = out.reshape(N, heads * out_ch)
    else:
        out = out.mean(axis=1)
    return out + bias


def reference(x, edge_index, W1, att_src1, att_dst1, b1, W2, att_src2, att_dst2, b2):
    # PyG GATConv adds self-loops by default
    loop = jnp.arange(N, dtype=edge_index.dtype)
    src = jnp.concatenate([edge_index[0], loop])
    dst = jnp.concatenate([edge_index[1], loop])
    # dropout layers are identity in eval mode (predict())
    h = _gat_layer(x, src, dst, W1, att_src1, att_dst1, b1, HEADS, NHID, True)
    h = jax.nn.elu(h)
    h = _gat_layer(h, src, dst, W2, att_src2, att_dst2, b2, 1, NCLASS, False)
    return jax.nn.log_softmax(h, axis=1)

if __name__ == "__main__":
    import jax
    _d = setup_inputs()
    print(jax.jit(kernel)(*tuple(_d.values())))

</pallas_src>

<mosaic_0001>
module attributes {stable_mosaic.version = 14 : i64} {
  func.func @_proj_kernel(%arg0: memref<10016x128xf32, #tpu.memory_space<vmem>>, %arg1: memref<128x128xf32, #tpu.memory_space<vmem>>, %arg2: memref<1x128xf32, #tpu.memory_space<vmem>>, %arg3: memref<1x128xf32, #tpu.memory_space<vmem>>, %arg4: memref<128x8xf32, #tpu.memory_space<vmem>>, %arg5: memref<10016x128xf32, #tpu.memory_space<vmem>>, %arg6: memref<10016x8xf32, #tpu.memory_space<vmem>>, %arg7: memref<10016x8xf32, #tpu.memory_space<vmem>>, %arg8: memref<1x16xf32, #tpu.memory_space<vmem>>) attributes {dimension_semantics = [], scalar_prefetch = 0 : i64, scratch_operands = 0 : i64, tpu.core_type = #tpu.core_type<tc>} {
    %get3A = arith.constant 0 : index
    %get3A_0 = arith.constant 0 : index
    %get3A_1 = vector.load %arg0[%get3A, %get3A_0] : memref<10016x128xf32, #tpu.memory_space<vmem>>, vector<10016x128xf32>
    %get3A_2 = arith.constant 0 : index
    %get3A_3 = arith.constant 0 : index
    %get3A_4 = vector.load %arg1[%get3A_2, %get3A_3] : memref<128x128xf32, #tpu.memory_space<vmem>>, vector<128x128xf32>
    %dot_general3A = arith.constant dense<0.000000e+00> : vector<10016x128xf32>
    %dot_general3A_5 = tpu.matmul %get3A_1, %get3A_4, %dot_general3A {dimension_numbers = #tpu.dot_dimension_numbers<[1], [0], [0], [1], [0, 0, 1, 1], [], []>, transpose_lhs_hint = false} : vector<10016x128xf32>, vector<128x128xf32>, vector<10016x128xf32> -> vector<10016x128xf32>
    %swap3A = arith.constant 0 : index
    %swap3A_6 = arith.constant 0 : index
    %swap3A_7 = vector.load %arg5[%swap3A, %swap3A_6] : memref<10016x128xf32, #tpu.memory_space<vmem>>, vector<10016x128xf32>
    tpu.vector_store %arg5[%swap3A, %swap3A_6], %dot_general3A_5 {strides = array<i32>} : memref<10016x128xf32, #tpu.memory_space<vmem>>, vector<10016x128xf32>,
    %get3A_8 = arith.constant 0 : index
    %get3A_9 = arith.constant 0 : index
    %get3A_10 = vector.load %arg4[%get3A_8, %get3A_9] : memref<128x8xf32, #tpu.memory_space<vmem>>, vector<128x8xf32>
    %get3A_11 = arith.constant 0 : index
    %get3A_12 = arith.constant 0 : index
    %get3A_13 = vector.load %arg2[%get3A_11, %get3A_12] : memref<1x128xf32, #tpu.memory_space<vmem>>, vector<1x128xf32>
    %mul3A = vector.broadcast %get3A_13 : vector<1x128xf32> to vector<10016x128xf32>
    %mul3A_14 = arith.mulf %dot_general3A_5, %mul3A : vector<10016x128xf32>
    %dot_general3A_15 = arith.constant dense<0.000000e+00> : vector<10016x8xf32>
    %dot_general3A_16 = tpu.matmul %mul3A_14, %get3A_10, %dot_general3A_15 {dimension_numbers = #tpu.dot_dimension_numbers<[1], [0], [0], [1], [0, 0, 1, 1], [], []>, transpose_lhs_hint = false} : vector<10016x128xf32>, vector<128x8xf32>, vector<10016x8xf32> -> vector<10016x8xf32>
    %get3A_17 = arith.constant 0 : index
    %get3A_18 = arith.constant 0 : index
    %get3A_19 = vector.load %arg3[%get3A_17, %get3A_18] : memref<1x128xf32, #tpu.memory_space<vmem>>, vector<1x128xf32>
    %mul3A_20 = vector.broadcast %get3A_19 : vector<1x128xf32> to vector<10016x128xf32>
    %mul3A_21 = arith.mulf %dot_general3A_5, %mul3A_20 : vector<10016x128xf32>
    %dot_general3A_22 = arith.constant dense<0.000000e+00> : vector<10016x8xf32>
    %dot_general3A_23 = tpu.matmul %mul3A_21, %get3A_10, %dot_general3A_22 {dimension_numbers = #tpu.dot_dimension_numbers<[1], [0], [0], [1], [0, 0, 1, 1], [], []>, transpose_lhs_hint = false} : vector<10016x128xf32>, vector<128x8xf32>, vector<10016x8xf32> -> vector<10016x8xf32>
    %swap3A_24 = arith.constant 0 : index
    %swap3A_25 = arith.constant 0 : index
    %swap3A_26 = vector.load %arg6[%swap3A_24, %swap3A_25] : memref<10016x8xf32, #tpu.memory_space<vmem>>, vector<10016x8xf32>
    tpu.vector_store %arg6[%swap3A_24, %swap3A_25], %dot_general3A_16 {strides = array<i32>} : memref<10016x8xf32, #tpu.memory_space<vmem>>, vector<10016x8xf32>,
    %swap3A_27 = arith.constant 0 : index
    %swap3A_28 = arith.constant 0 : index
    %swap3A_29 = vector.load %arg7[%swap3A_27, %swap3A_28] : memref<10016x8xf32, #tpu.memory_space<vmem>>, vector<10016x8xf32>
    tpu.vector_store %arg7[%swap3A_27, %swap3A_28], %dot_general3A_23 {strides = array<i32>} : memref<10016x8xf32, #tpu.memory_space<vmem>>, vector<10016x8xf32>,
    %iota3A = tpu.iota {dimensions = array<i32: 0>} : vector<10016x1xi32>
    %lt3A = arith.constant 10000 : i32
    %lt3A_30 = vector.broadcast %lt3A : i32 to vector<10016x1xi32>
    %lt3A_31 = arith.cmpi slt, %iota3A, %lt3A_30 : vector<10016x1xi32>
    %jit3A = arith.constant -3.000000e+38 : f32
    %broadcast_in_dim3A = vector.shape_cast %lt3A_31 : vector<10016x1xi1> to vector<10016x1xi1>
    %broadcast_in_dim3A_32 = vector.broadcast %broadcast_in_dim3A : vector<10016x1xi1> to vector<10016x8xi1>
    %broadcast_in_dim3A_33 = vector.broadcast %jit3A : f32 to vector<10016x8xf32>
    %select_n3A = arith.select %broadcast_in_dim3A_32, %dot_general3A_16, %broadcast_in_dim3A_33 : vector<10016x8xi1>, vector<10016x8xf32>
    %reduce_max3A = arith.constant dense<0xFF800000> : vector<8xf32>
    %reduce_max3A_34 = vector.multi_reduction <maximumf>, %select_n3A, %reduce_max3A [0] : vector<10016x8xf32> to vector<8xf32>
    %broadcast_in_dim3A_35 = vector.shape_cast %reduce_max3A_34 : vector<8xf32> to vector<1x8xf32>
    %jit3A_36 = arith.constant -3.000000e+38 : f32
    %broadcast_in_dim3A_37 = vector.shape_cast %lt3A_31 : vector<10016x1xi1> to vector<10016x1xi1>
    %broadcast_in_dim3A_38 = vector.broadcast %broadcast_in_dim3A_37 : vector<10016x1xi1> to vector<10016x8xi1>
    %broadcast_in_dim3A_39 = vector.broadcast %jit3A_36 : f32 to vector<10016x8xf32>
    %select_n3A_40 = arith.select %broadcast_in_dim3A_38, %dot_general3A_23, %broadcast_in_dim3A_39 : vector<10016x8xi1>, vector<10016x8xf32>
    %reduce_max3A_41 = arith.constant dense<0xFF800000> : vector<8xf32>
    %reduce_max3A_42 = vector.multi_reduction <maximumf>, %select_n3A_40, %reduce_max3A_41 [0] : vector<10016x8xf32> to vector<8xf32>
    %broadcast_in_dim3A_43 = vector.shape_cast %reduce_max3A_42 : vector<8xf32> to vector<1x8xf32>
    %concatenate3A = tpu.concatenate %broadcast_in_dim3A_35, %broadcast_in_dim3A_43 in 1 : vector<1x8xf32>, vector<1x8xf32> -> vector<1x16xf32>
    %swap3A_44 = arith.constant 0 : index
    %swap3A_45 = arith.constant 0 : index
    %swap3A_46 = vector.load %arg8[%swap3A_44, %swap3A_45] : memref<1x16xf32, #tpu.memory_space<vmem>>, vector<1x16xf32>
    tpu.vector_store %arg8[%swap3A_44, %swap3A_45], %concatenate3A {strides = array<i32>} : memref<1x16xf32, #tpu.memory_space<vmem>>, vector<1x16xf32>,
    return
  }
}

module attributes {stable_mosaic.version = 14 : i64} {
  func.func @_proj_kernel(%arg0: memref<10016x128xf32, #tpu.memory_space<vmem>>, %arg1: memref<128x40xf32, #tpu.memory_space<vmem>>, %arg2: memref<1x40xf32, #tpu.memory_space<vmem>>, %arg3: memref<1x40xf32, #tpu.memory_space<vmem>>, %arg4: memref<40x1xf32, #tpu.memory_space<vmem>>, %arg5: memref<10016x40xf32, #tpu.memory_space<vmem>>, %arg6: memref<10016x1xf32, #tpu.memory_space<vmem>>, %arg7: memref<10016x1xf32, #tpu.memory_space<vmem>>, %arg8: memref<1x2xf32, #tpu.memory_space<vmem>>) attributes {dimension_semantics = [], scalar_prefetch = 0 : i64, scratch_operands = 0 : i64, tpu.core_type = #tpu.core_type<tc>} {
    %get3A = arith.constant 0 : index
    %get3A_0 = arith.constant 0 : index
    %get3A_1 = vector.load %arg0[%get3A, %get3A_0] : memref<10016x128xf32, #tpu.memory_space<vmem>>, vector<10016x128xf32>
    %get3A_2 = arith.constant 0 : index
    %get3A_3 = arith.constant 0 : index
    %get3A_4 = vector.load %arg1[%get3A_2, %get3A_3] : memref<128x40xf32, #tpu.memory_space<vmem>>, vector<128x40xf32>
    %dot_general3A = arith.constant dense<0.000000e+00> : vector<10016x40xf32>
    %dot_general3A_5 = tpu.matmul %get3A_1, %get3A_4, %dot_general3A {dimension_numbers = #tpu.dot_dimension_numbers<[1], [0], [0], [1], [0, 0, 1, 1], [], []>, transpose_lhs_hint = false} : vector<10016x128xf32>, vector<128x40xf32>, vector<10016x40xf32> -> vector<10016x40xf32>
    %swap3A = arith.constant 0 : index
    %swap3A_6 = arith.constant 0 : index
    %swap3A_7 = vector.load %arg5[%swap3A, %swap3A_6] : memref<10016x40xf32, #tpu.memory_space<vmem>>, vector<10016x40xf32>
    tpu.vector_store %arg5[%swap3A, %swap3A_6], %dot_general3A_5 {strides = array<i32>} : memref<10016x40xf32, #tpu.memory_space<vmem>>, vector<10016x40xf32>,
    %get3A_8 = arith.constant 0 : index
    %get3A_9 = arith.constant 0 : index
    %get3A_10 = vector.load %arg4[%get3A_8, %get3A_9] : memref<40x1xf32, #tpu.memory_space<vmem>>, vector<40x1xf32>
    %get3A_11 = arith.constant 0 : index
    %get3A_12 = arith.constant 0 : index
    %get3A_13 = vector.load %arg2[%get3A_11, %get3A_12] : memref<1x40xf32, #tpu.memory_space<vmem>>, vector<1x40xf32>
    %mul3A = vector.broadcast %get3A_13 : vector<1x40xf32> to vector<10016x40xf32>
    %mul3A_14 = arith.mulf %dot_general3A_5, %mul3A : vector<10016x40xf32>
    %dot_general3A_15 = arith.constant dense<0.000000e+00> : vector<10016x1xf32>
    %dot_general3A_16 = tpu.matmul %mul3A_14, %get3A_10, %dot_general3A_15 {dimension_numbers = #tpu.dot_dimension_numbers<[1], [0], [0], [1], [0, 0, 1, 1], [], []>, transpose_lhs_hint = false} : vector<10016x40xf32>, vector<40x1xf32>, vector<10016x1xf32> -> vector<10016x1xf32>
    %get3A_17 = arith.constant 0 : index
    %get3A_18 = arith.constant 0 : index
    %get3A_19 = vector.load %arg3[%get3A_17, %get3A_18] : memref<1x40xf32, #tpu.memory_space<vmem>>, vector<1x40xf32>
    %mul3A_20 = vector.broadcast %get3A_19 : vector<1x40xf32> to vector<10016x40xf32>
    %mul3A_21 = arith.mulf %dot_general3A_5, %mul3A_20 : vector<10016x40xf32>
    %dot_general3A_22 = arith.constant dense<0.000000e+00> : vector<10016x1xf32>
    %dot_general3A_23 = tpu.matmul %mul3A_21, %get3A_10, %dot_general3A_22 {dimension_numbers = #tpu.dot_dimension_numbers<[1], [0], [0], [1], [0, 0, 1, 1], [], []>, transpose_lhs_hint = false} : vector<10016x40xf32>, vector<40x1xf32>, vector<10016x1xf32> -> vector<10016x1xf32>
    %swap3A_24 = arith.constant 0 : index
    %swap3A_25 = arith.constant 0 : index
    %swap3A_26 = vector.load %arg6[%swap3A_24, %swap3A_25] : memref<10016x1xf32, #tpu.memory_space<vmem>>, vector<10016x1xf32>
    tpu.vector_store %arg6[%swap3A_24, %swap3A_25], %dot_general3A_16 {strides = array<i32>} : memref<10016x1xf32, #tpu.memory_space<vmem>>, vector<10016x1xf32>,
    %swap3A_27 = arith.constant 0 : index
    %swap3A_28 = arith.constant 0 : index
    %swap3A_29 = vector.load %arg7[%swap3A_27, %swap3A_28] : memref<10016x1xf32, #tpu.memory_space<vmem>>, vector<10016x1xf32>
    tpu.vector_store %arg7[%swap3A_27, %swap3A_28], %dot_general3A_23 {strides = array<i32>} : memref<10016x1xf32, #tpu.memory_space<vmem>>, vector<10016x1xf32>,
    %iota3A = tpu.iota {dimensions = array<i32: 0>} : vector<10016x1xi32>
    %lt3A = arith.constant 10000 : i32
    %lt3A_30 = vector.broadcast %lt3A : i32 to vector<10016x1xi32>
    %lt3A_31 = arith.cmpi slt, %iota3A, %lt3A_30 : vector<10016x1xi32>
    %jit3A = arith.constant -3.000000e+38 : f32
    %broadcast_in_dim3A = vector.broadcast %jit3A : f32 to vector<10016x1xf32>
    %select_n3A = arith.select %lt3A_31, %dot_general3A_16, %broadcast_in_dim3A : vector<10016x1xi1>, vector<10016x1xf32>
    %reduce_max3A = arith.constant dense<0xFF800000> : vector<1xf32>
    %reduce_max3A_32 = vector.multi_reduction <maximumf>, %select_n3A, %reduce_max3A [0] : vector<10016x1xf32> to vector<1xf32>
    %broadcast_in_dim3A_33 = vector.shape_cast %reduce_max3A_32 : vector<1xf32> to vector<1x1xf32>
    %jit3A_34 = arith.constant -3.000000e+38 : f32
    %broadcast_in_dim3A_35 = vector.broadcast %jit3A_34 : f32 to vector<10016x1xf32>
    %select_n3A_36 = arith.select %lt3A_31, %dot_general3A_23, %broadcast_in_dim3A_35 : vector<10016x1xi1>, vector<10016x1xf32>
    %reduce_max3A_37 = arith.constant dense<0xFF800000> : vector<1xf32>
    %reduce_max3A_38 = vector.multi_reduction <maximumf>, %select_n3A_36, %reduce_max3A_37 [0] : vector<10016x1xf32> to vector<1xf32>
    %broadcast_in_dim3A_39 = vector.shape_cast %reduce_max3A_38 : vector<1xf32> to vector<1x1xf32>
    %concatenate3A = tpu.concatenate %broadcast_in_dim3A_33, %broadcast_in_dim3A_39 in 1 : vector<1x1xf32>, vector<1x1xf32> -> vector<1x2xf32>
    %swap3A_40 = arith.constant 0 : index
    %swap3A_41 = arith.constant 0 : index
    %swap3A_42 = vector.load %arg8[%swap3A_40, %swap3A_41] : memref<1x2xf32, #tpu.memory_space<vmem>>, vector<1x2xf32>
    tpu.vector_store %arg8[%swap3A_40, %swap3A_41], %concatenate3A {strides = array<i32>} : memref<1x2xf32, #tpu.memory_space<vmem>>, vector<1x2xf32>,
    return
  }
}

</mosaic_0001>

<sc_bundles>
// kernel: scatter_offload_async_start.1
scs
__scs_entry_jumppad:
0x0: {  	(pc) =	sbr.rel $0x88, $3  }
0x1: {  	(tag) =	ssettag $0x0;
	lr =	simm.s32 $0x1  }
0x2: {  	[smem:$0x3F97] =	sst lr;
	_ =	strace $0xD0000000  }
0x3: {  	_ = 	snop  }
0x4: {  	_ = 	snop  }
0x5: {  	_ = 	snop  }
0x6: {  	_ = 	snop  }
0x7: {  	_ = 	snop  }
__scs_overlays_trampoline_lowered:
0x8: {  	[smem:$0x3FA6] =	sst s0  }
0x9: {  	[smem:$0x3FA7] =	sst s1  }
0xa: {  	[smem:$0x3FA8] =	sst s2  }
0xb: {  	[smem:$0x3FA9] =	sst s3  }
0xc: {  	[smem:$0x3FAA] =	sst s4  }
0xd: {  	[smem:$0x3FAB] =	sst s5  }
0xe: {  	[smem:$0x3FAC] =	sst s6  }
0xf: {  	[smem:$0x3FAD] =	sst s7  }
0x10: {  	[smem:$0x3FAE] =	sst s8  }
0x11: {  	[smem:$0x3FAF] =	sst s9;
	s0 =	simm.s32 @!p0 $0x0  }
0x12: {  	s1 =	sld [smem:$0x3F95];
	s0 =	simm.s32 @p0 $0x1  }
0x13: {  	[smem:$0x3FB0] =	sst s0;
	s0 =	simm.s32 @!p1 $0x0  }
0x14: {  	s2 =	sld [smem:$0x3F94];
	s0 =	simm.s32 @p1 $0x1  }
0x15: {  	[smem:$0x3FB1] =	sst s0;
	s0 =	simm.s32 @!p2 $0x0  }
0x16: {  	s3 =	sld [smem:$0x3FDB];
	s0 =	simm.s32 @p2 $0x1  }
0x17: {  	s4 =	simm.s32 $0x1BF5;
	[smem:$0x3FB3] =	sst s0  }
0x18: {  	s0 =	sld [smem:$0x3F96];
	_ =	swait.ge [sflag:s4], $0x0  }
0x19: {  	s7 =	sld [smem:$0x3F97]  }
0x1a: {  	s8 =	sadd.s32 $0xFFFFE003, lr  }
0x1b: {  	s9 =	sadd.s32 $0xFFFFFEF7, lr;
	s5 =	simm.s32 $0xFFFFFFFF;
	p2 =	slt.u32 s8, $0xFFFFF086  }
0x1c: {  	p1 =	slt.u32 s9, $0xF7A;
	s5 =	simm.s32 @!p2 $0x0  }
0x1d: {  	s5 =	simm.s32 @p1 $0x1;
	p0 =	seq.s32 s7, s2  }
0x1e: {  	s7 =	smul.u32 @!p0 $0xF7A, s2;
	p2 =	seq.s32 @!p0 s5, $0x0  }
0x1f: {  	s9 =	smul.u32 $0xF7A, s1;
	s8 =	simm.s32 @!p0 $0x1BF5;
	p2 =	por !p2, p0  }
0x20: {  	[sflag:s8] =	ssyncset.s32 @!p0 $0xFFFFF086;
	s6 =	sadd.s32 @!p0 s3, s7;
	s7 =	simm.s32 @!p0 $0x108  }
0x21: {  	s3 =	sadd.s32 s3, s9;
	s6 =	sadd.s32 @!p0 $0x88, s6;
	s7 =	simm.s32 @p2 $0x1082  }
0x22: {  	[simem:s7], [sflag:s8] =	dma.local @!p0 [hbm:s6], $0xF7A  }
0x23: {  	s9 =	sor.u32 $0xD0000000, s2;
	s6 =	simm.s32 $0x108;
	_ =	swait.ge @!p0 [sflag:s8], $0x0  }
0x24: {  	s3 =	sadd.s32 $0x88, s3;
	s6 =	simm.s32 @!p1 $0x1082;
	[sflag:s4] =	ssyncset.s32 $0xFFFFF086  }
0x25: {  	[simem:s6], [sflag:s4] =	dma.local [hbm:s3], $0xF7A  }
0x26: {  	[smem:$0x3F97] =	sst s1;
	(tag) =	ssettag s2;
	_ =	strace s9  }
0x27: {  	s1 =	sld [smem:$0x3FA7]  }
0x28: {  	s2 =	sld [smem:$0x3FA8]  }
0x29: {  	s4 =	sld [smem:$0x3FAA]  }
0x2a: {  	p0 =	seq.s32 s5, $0x0;
	s5 =	sld [smem:$0x3FAB]  }
0x2b: {  	s6 =	sld [smem:$0x3FAC]  }
0x2c: {  	s7 =	sld [smem:$0x3FAD]  }
0x2d: {  	s3 =	simm.s32 $0x108;
	s8 =	sld [smem:$0x3FAE]  }
0x2e: {  	s3 =	simm.s32 @!p0 $0x1082;
	s9 =	sld [smem:$0x3FAF]  }
0x2f: {  	lr =	sadd.s32 s0, s3;
	s0 =	sld [smem:$0x3FA6]  }
0x30: {  	s3 =	sld [smem:$0x3FA9]  }
0x31: {  	[smem:$0x3FB2] =	sst s10  }
0x32: {  	s10 =	sld [smem:$0x3FB0];
	_ =	sdelay $0x3  }
0x33: {  	p0 =	seq.s32 s10, $0x1;
	s10 =	sld [smem:$0x3FB2];
	_ =	sdelay $0x3  }
0x34: {  	[smem:$0x3FB2] =	sst s10  }
0x35: {  	s10 =	sld [smem:$0x3FB1];
	_ =	sdelay $0x3  }
0x36: {  	p1 =	seq.s32 s10, $0x1;
	s10 =	sld [smem:$0x3FB2];
	_ =	sdelay $0x3  }
0x37: {  	[smem:$0x3FB2] =	sst s10  }
0x38: {  	s10 =	sld [smem:$0x3FB3]  }
0x39: {  	_ = 	snop;
	(pc) =	sbr.ind lr, $3  }
0x3a: {  	_ = 	snop  }
0x3b: {  	_ = 	snop  }
0x3c: {  	p2 =	seq.s32 s10, $0x1;
	s10 =	sld [smem:$0x3FB2]  }
0x3d: {  	_ =	shalt  }
0x3e: {  	_ =	shalt  }
0x3f: {  	_ =	shalt  }
0x40: {  	_ =	shalt  }
0x41: {  	_ =	shalt  }
0x42: {  	_ =	shalt  }
0x43: {  	_ =	shalt  }
0x44: {  	_ =	shalt  }
0x45: {  	_ =	shalt  }
0x46: {  	_ =	shalt  }
0x47: {  	_ =	shalt  }
0x48: {  	_ =	shalt  }
0x49: {  	_ =	shalt  }
0x4a: {  	_ =	shalt  }
0x4b: {  	_ =	shalt  }
0x4c: {  	_ =	shalt  }
0x4d: {  	_ =	shalt  }
0x4e: {  	_ =	shalt  }
0x4f: {  	_ =	shalt  }
0x50: {  	_ =	shalt  }
0x51: {  	_ =	shalt  }
0x52: {  	_ =	shalt  }
0x53: {  	_ =	shalt  }
0x54: {  	_ =	shalt  }
0x55: {  	_ =	shalt  }
0x56: {  	_ =	shalt  }
0x57: {  	_ =	shalt  }
0x58: {  	_ =	shalt  }
0x59: {  	_ =	shalt  }
0x5a: {  	_ =	shalt  }
0x5b: {  	_ =	shalt  }
0x5c: {  	_ =	shalt  }
0x5d: {  	_ =	shalt  }
0x5e: {  	_ =	shalt  }
0x5f: {  	_ =	shalt  }
0x60: {  	_ =	shalt  }
0x61: {  	_ =	shalt  }
0x62: {  	_ =	shalt  }
0x63: {  	_ =	shalt  }
0x64: {  	_ =	shalt  }
0x65: {  	_ =	shalt  }
0x66: {  	_ =	shalt  }
0x67: {  	_ =	shalt  }
0x68: {  	_ =	shalt  }
0x69: {  	_ =	shalt  }
0x6a: {  	_ =	shalt  }
0x6b: {  	_ =	shalt  }
0x6c: {  	_ =	shalt  }
0x6d: {  	_ =	shalt  }
0x6e: {  	_ =	shalt  }
0x6f: {  	_ =	shalt  }
0x70: {  	_ =	shalt  }
0x71: {  	_ =	shalt  }
0x72: {  	_ =	shalt  }
0x73: {  	_ =	shalt  }
0x74: {  	_ =	shalt  }
0x75: {  	_ =	shalt  }
0x76: {  	_ =	shalt  }
0x77: {  	_ =	shalt  }
0x78: {  	_ =	shalt  }
0x79: {  	_ =	shalt  }
0x7a: {  	_ =	shalt  }
0x7b: {  	_ =	shalt  }
0x7c: {  	_ =	shalt  }
0x7d: {  	_ =	shalt  }
0x7e: {  	_ =	shalt  }
0x7f: {  	_ =	shalt  }
0x80: {  	_ =	shalt  }
0x81: {  	_ =	shalt  }
0x82: {  	_ =	shalt  }
0x83: {  	_ =	shalt  }
0x84: {  	_ =	shalt  }
0x85: {  	_ =	shalt  }
0x86: {  	_ =	shalt  }
0x87: {  	_ =	shalt  }
.Lfunc_end0:
.L_simem_size_0:
called_computation.1_lowered:
.L_overlay_start_0:
0x88: {  	s0 =	sld [smem:$0x3FD9]  }
0x89: {  	s1 =	sld [smem:$0x3FFE];
	_ =	sdelay $0x3  }
0x8a: {  	s0 =	sadd.s32 s1, s0  }
0x8b: {  	[smem:$0x3FBE] =	sst s0  }
0x8c: {  	_ = 	snop  }
0x8d: {  	s0 =	sld [smem:$0x3FD0];
	(tm) =	ssettm $0x1  }
0x8e: {  	s16 =	sld [smem:$0x3FFB];
	_ =	sdelay $0x3  }
0x8f: {  	_ =	strace s16  }
0x90: {  	s1 =	sld [smem:$0x3FFC];
	_ =	sdelay $0x3  }
0x91: {  	_ =	strace s1  }
0x92: {  	s1 =	sld [smem:$0x3FFD];
	_ =	sdelay $0x3  }
0x93: {  	_ =	strace s1  }
0x94: {  	_ =	strace $0x8FFFFFFF  }
0x95: {  	s17 =	sld [smem:$0x3FDB];
	_ =	sdelay $0x1  }
0x96: {  	s2 =	simm.s32 $_scs_section_size  }
0x97: {  	s3 =	simm.s32 $_size__tile_overlayer_lowered;
	s4 =	simm.s32 $_tile_overlayer_lowered  }
0x98: {  	s20 =	simm.s32 $0x1BFF;
	s19 =	sshll.u32 s4, $0x1;
	s1 =	sadd.s32 s2, s17  }
0x99: {  	s5 =	simm.s32 $0x0;
	s18 =	sshll.u32 s3, $0x1;
	s3 =	sadd.s32 s19, s1  }
0x9a: {  	[timem:s5], [sflag:s20] =	dma.local [hbm:s3], s18  }
0x9b: {  	_ =	swait.ge [sflag:s20], s18  }
0x9c: {  	s2 =	ssub.s32 $0x0, s18;
	[sflag:s20] =	ssyncset.done $0x0  }
0x9d: {  	[sflag:s20] =	ssyncadd.s32 s2;
	_ =	sdelay $0x1  }
0x9e: {  	s21 =	simm.s32 $0x1B8B  }
0x9f: {  	_ =	swait.ge [sflag:s21], $0x1  }
0xa0: {  	[sflag:s21] =	ssyncset.done $0x0  }
0xa1: {  	s23 =	simm.s32 $0x1B8E;
	s22 =	sld [smem:$0x3FFE];
	[sflag:s21] =	ssyncadd.s32 $0xFFFFFFFF  }
0xa2: {  	s24 =	simm.s32 $execute0_lowered;
	[smem:$0x3FD2] =	sst s23  }
0xa3: {  	s3 =	sshll.u32 s24, $0x1;
	_ =	strace $0x8000004C;
	[dreg:$0x1] =	wrdreg $0xFFFFFFFF  }
0xa4: {  	s25 =	simm.s32 $_size_execute0_lowered;
	s1 =	sadd.s32 s1, s3;
	[dreg:$0x0] =	wrdreg $0x0  }
0xa5: {  	s3 =	sshll.u32 s25, $0x1;
	[dreg:$0x2] =	wrdreg s1  }
0xa6: {  	[dreg:$0x3] =	wrdreg s3  }
0xa7: {  	[dreg:$0x4] =	wrdreg $0xC0  }
0xa8: {  	_ =	task [dreg:s5], $0x5FFFF  }
0xa9: {  	[dreg:$0x1] =	wrdreg $0xFFFFFFFF  }
0xaa: {  	[dreg:$0x0] =	wrdreg $0x60  }
0xab: {  	[dreg:$0x2] =	wrdreg s22  }
0xac: {  	[dreg:$0x3] =	wrdreg s0  }
0xad: {  	[dreg:$0x4] =	wrdreg $0x9  }
0xae: {  	_ =	task.clear_ibuf [dreg:s5], $0x5FFFF;
	_ =	strace $0x9000004C  }
0xaf: {  	s26 =	simm.s32 $0x9;
	_ =	strace $0x8000004E  }
0xb0: {  	_ =	swait.ge [sflag:s26], $0x1  }
0xb1: {  	[sflag:s26] =	ssyncadd.s32 $0xFFFFFFFF  }
0xb2: {  	_ =	strace $0x9000004E  }
0xb3: {  	_ =	sfence  }
0xb4: {  	s28 =	sld [smem:$0x0];
	_ =	sdelay $0x1  }
0xb5: {  	s29 =	srdreg.scid  }
0xb6: {  	s30 =	sshll.u32 s29, $0xD;
	s31 =	sshrl.u32 s29, $0x2  }
0xb7: {  	s2 =	sand.u32 $0x4000, s30;
	s1 =	sand.u32 $0x1, s29;
	s0 =	sadd.s32 s31, s28  }
0xb8: {  	s1 =	sor.u32 s2, s1;
	s0 =	sshll.u32 s0, $0x11  }
0xb9: {  	s0 =	sor.u32 s0, s1  }
0xba: {  	s0 =	sadd.s32 $0x8F2B, s0  }
0xbb: {  	[sflag:s0] =	ssyncadd.remote.s32 $0x1  }
0xbc: {  	_ =	sfence.sel $0xFFFF  }
0xbd: {  	[dreg:$0x0] =	wrdreg $0xFFFFFFFF;
	(pc) =	sbr.abs _section_cstart, $3  }
0xbe: {  	[dreg:$0x1] =	wrdreg $0xFFFFFFFF  }
0xbf: {  	_ =	task.clear_ibuf [dreg:s5], $0x2FFFF;
	_ =	strace $0x9FFFFFFF  }
0xc0: {  	(tm) =	ssettm $0x7FFFFFFF  }
0xc1: {  	_ =	shalt  }
tec
execute0_lowered:
.L_overlay_start_1:
0x0: {  	(tag) =	ssettag $0x1  }
0x1: {  	s0 =	rddreg [dreg:$0x0]  }
0x2: {  	s29 =	rddreg [dreg:$0x1];
	_ =	strace $0x8000004D;
	s1 =	simm.s32 $0x1  }
0x3: {  	s8 =	simm.s32 $0x108;
	v0 =	vimm.s32 $0x0;
	[sflag:s1] =	ssyncpa.u1 $0x0  }
0x4: {  	[tilespmem:s8+$0x70] =	vst v0  }
0x5: {  	[tilespmem:s8+$0x60] =	vst v0  }
0x6: {  	[tilespmem:s8+$0x50] =	vst v0  }
0x7: {  	[tilespmem:s8+$0x40] =	vst v0  }
0x8: {  	[tilespmem:s8+$0x30] =	vst v0  }
0x9: {  	s1 =	sadd.s32 $0x5AA400, s0;
	[tilespmem:s8+$0x20] =	vst v0  }
0xa: {  	s2 =	simm.s32 $0x40;
	s4 =	sadd.s32 $0xAB3600, s0;
	s5 =	sadd.s32 $0x5A0200, s0;
	[tilespmem:s8+$0x10] =	vst v0  }
.LBB2_1:
0xb: {  	s2 =	sadd.s32 $0x40, s2;
	[tilespmem:s8+$0x0] =	vst v0;
	s8 =	sadd.s32 $0x80, s8  }
0xc: {  	p0 =	slt.u32 s2, $0x3C40;
	[tilespmem:s8+$0x70] =	vst v0  }
0xd: {  	[tilespmem:s8+$0x60] =	vst v0  }
.Ltmp0:
0xe: {  	[tilespmem:s8+$0x50] =	vst v0;
	(pc) =	sbr.rel @p0 .LBB2_1-.Ltmp0, $4  }
0xf: {  	[tilespmem:s8+$0x40] =	vst v0  }
0x10: {  	[tilespmem:s8+$0x30] =	vst v0  }
0x11: {  	[tilespmem:s8+$0x20] =	vst v0  }
0x12: {  	[tilespmem:s8+$0x10] =	vst v0  }
0x13: {  	s3 =	stileid.u32  }
0x14: {  	s0 =	simm.s32 $0x4FB0;
	s6 =	smul.u32 $0x50A0, s3;
	p0 =	seq.s32 s3, $0xF  }
0x15: {  	s0 =	simm.s32 @!p0 $0x50A0  }
0x16: {  	s0 =	sadd.s32 s6, s0  }
0x17: {  	s7 =	smin.u32 s0, $0x50910  }
0x18: {  	s0 =	ssub.s32 s7, s6  }
0x19: {  	p0 =	sgt.s32 s0, $0x0  }
0x1a: {  	s0 =	simm.s32 @!p0 $0x0  }
0x1b: {  	s2 =	simm.s32 $0x2;
	s9 =	simm.s32 $0x7;
	s31 =	smulhi.u32 $0x1111112, s0  }
0x1c: {  	s10 =	simm.s32 $0x8;
	s19 =	simm.s32 $0x0;
	s15 =	simm.s32 $0xA  }
0x1d: {  	s17 =	simm.s32 $0x0;
	s18 =	simm.s32 $0x0;
	s11 =	smul.u32 $0xF0, s31  }
.Ltmp1:
0x1e: {  	[tilespmem:s8+$0x0] =	vst v0;
	v0 =	vimm.s32 $0xFFFFFFFF;
	[sflag:s2] =	ssyncpa.u1 $0x0;
	s13 =	sshll.u32 s3, $0x8;
	(pc) =	sbr.rel .LBB2_3-.Ltmp1, $4  }
0x1f: {  	[tilespmem:$0xF208] =	vst v0;
	[sflag:s9] =	ssyncpa.u1 $0x0;
	p0 =	sne.s32 s0, s11;
	s0 =	simm.s32 $0x1  }
0x20: {  	[sflag:s10] =	ssyncpa.u1 $0x0;
	s10 =	simm.s32 $0x9;
	s0 =	simm.s32 @!p0 $0x0  }
0x21: {  	s16 =	smov.u32 s6;
	[sflag:s10] =	ssyncpa.u1 $0x0;
	s12 =	sadd.s32 s0, s31  }
0x22: {  	v0 =	vlaneseq.u32;
	s11 =	simm.s32 $0x1;
	p0 =	por $0x0, $0x0;
	s14 =	sadd.s32 $0x1, s12  }
.LBB2_18:
0x23: {  	s0 =	sshrl.u32 s28, $0x2  }
.LBB2_20:
0x24: {  	_ =	swait.ge [sflag:s15], s0  }
0x25: {  	s31 =	ssub.s32 $0x0, s0;
	v1 =	vmov s21;
	vm0 =	veq.s32 v0, $0x0;
	[sflag:s15] =	ssyncset.done $0x0  }
0x26: {  	vm15 =	veq.s32 v0, $0x2;
	v1 =	vsel vm0, s26, v1;
	[sflag:s15] =	ssyncadd.s32 s31  }
0x27: {  	v1 =	vsel vm15, s19, v1;
	[sflag:s15] =	ssyncpa.u1 $0x1  }
0x28: {  	[tilespmem:$0xF208] =	vst v1  }
.LBB2_21:
0x29: {  	s0 =	sadd.s32 $0xF0, s16  }
0x2a: {  	s2 =	smov.u32 s6;
	p1 =	slt.s32 s0, s7  }
0x2b: {  	s2 =	smov.u32 @p1 s0;
	p1 =	sne.s32 s18, s14  }
.Ltmp2:
0x2c: {  	_ = 	snop;
	(pc) =	sbr.rel @!p1 .LBB2_22-.Ltmp2, $3  }
0x2d: {  	_ =	sdelay $0x1  }
0x2e: {  	s19 =	smov.u32 s17;
	s31 =	sadd.s32 $0x1, s18;
	s17 =	smov.u32 s16  }
0x2f: {  	p0 =	por !p0, !p0;
	s18 =	smov.u32 s31;
	s16 =	smov.u32 s2  }
.LBB2_3:
0x30: {  	p1 =	sge.u32 s18, s12  }
0x31: {  	s0 =	smulhi.u32 @!p1 $0xAAAAAAAB, s18  }
0x32: {  	s2 =	smov.u32 s16;
	p2 =	sgt.s32 @!p1 s16, $0x50820  }
0x33: {  	s20 =	sshra.s32 @!p1 s16, $0x1F;
	p2 =	por !p2, p1;
	s0 =	sshrl.u32 @!p1 s0, $0x1  }
0x34: {  	s20 =	sand.u32 @!p1 s20, s16;
	s2 =	simm.s32 @p2 $0x50820;
	s0 =	smul.u32 @!p1 $0x3, s0  }
0x35: {  	s2 =	ssub.s32 @!p1 s2, s20  }
0x36: {  	s2 =	sadd.s32 @!p1 $0xFFFAF7E0, s2;
	s0 =	ssub.s32 @!p1 s18, s0  }
0x37: {  	s20 =	sshll.u32 @!p1 s2, $0x2;
	p2 =	sgt.s32 @!p1 s2, $0xEF;
	s0 =	smul.u32 @!p1 $0x3C0, s0  }
0x38: {  	s21 =	sand.u32 @!p1 $0x7, s16;
	s2 =	ssub.s32 @!p1 $0x3C0, s20;
	p2 =	por !p2, p1  }
0x39: {  	s20 =	sshrl.u32 @!p1 s16, $0x3;
	s2 =	sshrl.u32 @!p1 s2, $0x2;
	s0 =	sshrl.u32 @!p1 s0, $0x2  }
0x3a: {  	s20 =	sadd.s32 @!p1 s5, s20;
	s2 =	simm.s32 @!p2 $0x0;
	s0 =	sadd.s32 @!p1 $0x10238, s0  }
0x3b: {  	[tilespmem:s0], [sflag:$0x8] =	stream.linear.gather @!p1 [hbm4b:s20+s21], s2, $0x38;
	[tilespmem:$0x1F6E8] =	vst v63  }
0x3c: {  	s0 =	sadd.s32 $0xFFFFFFFF, s18  }
0x3d: {  	p1 =	sge.u32 s0, s12  }
0x3e: {  	p2 =	sgt.s32 @!p1 s17, $0x50820  }
0x3f: {  	s2 =	smov.u32 s17;
	s20 =	sshra.s32 @!p1 s17, $0x1F;
	p2 =	por !p2, p1  }
0x40: {  	s20 =	sand.u32 @!p1 s20, s17;
	s2 =	simm.s32 @p2 $0x50820  }
0x41: {  	s2 =	ssub.s32 @!p1 s2, s20  }
0x42: {  	s2 =	sadd.s32 @!p1 $0xFFFAF7E0, s2  }
0x43: {  	s21 =	smulhi.u32 @!p1 $0xAAAAAAAB, s0;
	s22 =	sand.u32 @!p1 $0x1, s0;
	s20 =	sshll.u32 @!p1 s2, $0x2  }
0x44: {  	s24 =	smul.u32 @!p1 $0x3C0, s22;
	p2 =	sgt.s32 @!p1 s2, $0xEF;
	s2 =	ssub.s32 @!p1 $0x3C0, s20  }
0x45: {  	p2 =	por !p2, p1;
	s20 =	sshrl.u32 @!p1 s21, $0x1;
	s2 =	sshrl.u32 @!p1 s2, $0x2  }
0x46: {  	s21 =	simm.s32 @!p1 $0x8;
	s20 =	smul.u32 @!p1 $0x3, s20;
	s2 =	simm.s32 @!p2 $0x0  }
0x47: {  	s22 =	smul.u32 @!p1 $0x1E000, s22;
	_ =	swait.ge @!p1 [sflag:s21], s2;
	s23 =	ssub.s32 @!p1 $0x0, s2  }
0x48: {  	s0 =	ssub.s32 @!p1 s0, s20;
	s20 =	sshrl.u32 @!p1 s17, $0x3;
	[sflag:s21] =	ssyncset.done @!p1 $0x0  }
0x49: {  	s20 =	sadd.s32 @!p1 s29, s20;
	[sflag:s21] =	ssyncadd.s32 @!p1 s23;
	s21 =	sshrl.u32 @!p1 s24, $0x2  }
0x4a: {  	s0 =	smul.u32 @!p1 $0x3C0, s0;
	s23 =	sand.u32 @!p1 $0x7, s17;
	s21 =	sor.u32 @!p1 $0x10508, s21  }
0x4b: {  	[tilespmem:s21], [sflag:$0x9] =	stream.linear.gather @!p1 [hbm4b:s20+s23], s2, $0x38;
	[tilespmem:$0x1F6E8] =	vst v63  }
0x4c: {  	s0 =	sshrl.u32 @!p1 s0, $0x2;
	s2 =	sshrl.u32 @!p1 s22, $0x2  }
0x4d: {  	s0 =	sadd.s32 @!p1 $0x10238, s0;
	s20 =	simm.s32 @!p1 $0xF0;
	s2 =	sor.u32 @!p1 $0x106E8, s2  }
0x4e: {  	[tilespmem:s2], [sflag:$0x7] =	stream.indirect.gather @!p1 [hbm4b:s4+s20], $0x80, s0, s20, $0xb8;
	[tilespmem:$0x1F6E8] =	vst v63  }
0x4f: {  	p1 =	slt.u32 s18, $0x2  }
.Ltmp3:
0x50: {  	_ = 	snop;
	(pc) =	sbr.rel @p1 .LBB2_21-.Ltmp3, $1  }
0x51: {  	_ =	sdelay $0x3  }
0x52: {  	p1 =	sgt.s32 s19, $0x50820;
	s0 =	smov.u32 s19;
	s2 =	sshra.s32 s19, $0x1F  }
0x53: {  	s0 =	simm.s32 @!p1 $0x50820;
	s2 =	sand.u32 s2, s19  }
0x54: {  	s0 =	ssub.s32 s0, s2  }
0x55: {  	s0 =	sadd.s32 $0xFFFAF7E0, s0  }
0x56: {  	s30 =	sshll.u32 s0, $0x2  }
0x57: {  	_ =	swait.ge [sflag:s9], $0x7800;
	s2 =	ssub.s32 $0x3C0, s30  }
0x58: {  	[sflag:s9] =	ssyncset.done $0x0;
	p1 =	sgt.s32 s0, $0xEF;
	s0 =	sshrl.u32 s2, $0x2  }
0x59: {  	[sflag:s9] =	ssyncadd.s32 $0xFFFF8800;
	s0 =	simm.s32 @p1 $0x0  }
0x5a: {  	_ =	swait.ge [sflag:s10], s0  }
0x5b: {  	s0 =	ssub.s32 $0x0, s0;
	[sflag:s10] =	ssyncset.done $0x0  }
0x5c: {  	[sflag:s10] =	ssyncadd.s32 s0  }
0x5d: {  	v1 =	vld [tilespmem:$0xF208];
	_ =	sdelay $0x4  }
0x5e: {  	(v2sf) =	vpush v1, $0x0  }
0x5f: {  	(v2sf) =	vpush v1, $0x1  }
0x60: {  	(v2sf) =	vpush v1, $0x2;
	_ =	sdelay $0x3  }
0x61: {  	s0 =	sadd.s32 $0xF0, s19  }
0x62: {  	s2 =	ssub.s32 $0x50910, s19;
	p1 =	slt.s32 s7, s0  }
0x63: {  	s0 =	smov.u32 @p1 s7;
	p1 =	sgt.s32 s2, $0x0  }
0x64: {  	s23 =	ssub.s32 s0, s19;
	s2 =	simm.s32 @!p1 $0x0  }
0x65: {  	p1 =	slt.s32 s2, s23  }
0x66: {  	s23 =	smov.u32 @p1 s2  }
0x67: {  	s22 =	simm.s32 $0x1;
	p1 =	slt.s32 s23, $0x1  }
.Ltmp4:
0x68: {  	s22 =	simm.s32 @!p0 $0x0;
	(pc) =	sbr.rel @p1 .LBB2_8-.Ltmp4, $4  }
0x69: {  	s31 =	smul.u32 $0x3C0, s22  }
0x6a: {  	s24 =	spop (v2sf)  }
0x6b: {  	s0 =	sshrl.u32 s31, $0x2;
	s26 =	spop (v2sf)  }
0x6c: {  	s20 =	sor.u32 $0x10508, s0;
	s19 =	spop (v2sf)  }
0x6d: {  	s0 =	smin.u32 s23, $0x10  }
0x6e: {  	v1 =	vmov s0  }
0x6f: {  	p2 =	sgt.s32 s23, $0x10;
	vm1 =	vgt.u32 v1, v0  }
.Ltmp5:
0x70: {  	_ = 	snop;
	(pc) =	sbr.rel @!p2 .LBB2_7-.Ltmp5, $2  }
0x71: {  	_ =	sdelay $0x2  }
0x72: {  	s25 =	simm.s32 $0x10;
	s28 =	sadd.s32 $0xFFFFFFF0, s23;
	s21 =	smov.u32 s20;
	vm0 =	vmmov vm1  }
.LBB2_6:
0x73: {  	s0 =	smin.u32 s28, $0x10;
	s25 =	sadd.s32 $0x10, s25;
	v1 =	vld.msk [tilespmem:s21+$0x0 ss:$0x1], vm1  }
0x74: {  	v2 =	vmov s0;
	p2 =	slt.s32 s25, s23  }
0x75: {  	vm1 =	vgt.u32 v2, v0  }
.Ltmp6:
0x76: {  	(pc) =	sbr.rel @p2 .LBB2_6-.Ltmp6, $3  }
0x77: {  	_ =	sdelay $0x1  }
0x78: {  	v1 =	vshll.u32 v1, $0x4  }
0x79: {  	s28 =	sadd.s32 $0xFFFFFFF0, s28;
	[tilespmem:s21+$0x0] =	vst.msk vm0, v1;
	s21 =	sadd.s32 $0x10, s21;
	vm0 =	vmmov vm1  }
.LBB2_7:
0x7a: {  	_ =	sdelay $0x4  }
0x7b: {  	v1 =	vld.msk [tilespmem:s21+$0x0 ss:$0x1], vm1;
	_ =	sdelay $0x4  }
0x7c: {  	v1 =	vshll.u32 v1, $0x4  }
0x7d: {  	[tilespmem:s21+$0x0] =	vst.msk vm0, v1  }
.LBB2_8:
0x7e: {  	s0 =	sand.u32 $0x1, s18  }
0x7f: {  	s0 =	smul.u32 $0xF0, s0  }
0x80: {  	p2 =	sne.s32 s26, $0xFFFFFFFF  }
0x81: {  	v1 =	vld.msk @!p2 [tilespmem:s0+$0x10508], $0x1;
	_ =	sdelay $0x4  }
0x82: {  	(v2sf) =	vpush @!p2 v1, $0x0;
	_ =	sdelay $0xc  }
.Ltmp7:
0x83: {  	_ = 	snop;
	(pc) =	sbr.rel @p1 .LBB2_19-.Ltmp7, $4  }
0x84: {  	_ = 	snop  }
0x85: {  	s25 =	spop @!p2 (v2sf)  }
0x86: {  	s19 =	simm.s32 @!p2 $0x0;
	s21 =	smov.u32 s25  }
0x87: {  	[sflag:s15] =	ssyncpa.u1 $0x0;
	s25 =	smov.u32 @p2 s24;
	s21 =	smov.u32 @p2 s26  }
0x88: {  	v1 =	vld.msk [tilespmem:s20+$0x0], $0x1;
	_ =	sdelay $0x4  }
0x89: {  	(v2sf) =	vpush v1, $0x0;
	_ =	sdelay $0xe  }
0x8a: {  	s8 =	smov.u32 s29;
	s0 =	smul.u32 $0x1E000, s22;
	s29 =	spop (v2sf)  }
0x8b: {  	s23 =	ssub.s32 $0x0, s23;
	p1 =	seq.s32 s25, s29  }
0x8c: {  	s26 =	sadd.s32 $0x1, s23;
	s0 =	sshrl.u32 s0, $0x2;
	p2 =	sgt.s32 @!p1 s25, $0x0  }
0x8d: {  	s22 =	sor.u32 $0x10728, s0;
	s0 =	smov.u32 s25;
	p2 =	por !p2, p1  }
0x8e: {  	s0 =	simm.s32 @p2 $0x0;
	p2 =	seq.s32 s26, $0x0  }
.Ltmp8:
0x8f: {  	_ = 	snop;
	(pc) =	sbr.rel @p2 .LBB2_11-.Ltmp8, $4  }
0x90: {  	_ = 	snop  }
0x91: {  	s24 =	simm.s32 $0x0;
	s28 =	sadd.s32 $0x1, s20;
	s0 =	smin.u32 @!p1 s0, $0x271F0  }
0x92: {  	s30 =	simm.s32 @!p1 $0x1;
	s31 =	simm.s32 @!p1 $0x7988;
	s2 =	sand.u32 @!p1 $0x3FFF8, s0  }
0x93: {  	s30 =	smov.u32 @p1 s24;
	s0 =	sand.u32 @!p1 $0x7, s0;
	s2 =	sadd.s32 @!p1 s1, s2  }
.LBB2_10:
0x94: {  	s3 =	smov.u32 s30  }
0x95: {  	[tilespmem:s31], [sflag:$0x2] =	stream.linear.gather @!p1 [hbm4b:s2+s0], $0x80, $0x38;
	[tilespmem:$0x1F6E8] =	vst v63  }
0x96: {  	s26 =	sadd.s32 $0x1, s26;
	s0 =	smov.u32 s29;
	v1 =	vld.msk [tilespmem:s28+$0x0], $0x1  }
0x97: {  	p2 =	seq.s32 s26, $0x0;
	_ =	sdelay $0x3  }
0x98: {  	(v2sf) =	vpush v1, $0x0;
	_ =	sdelay $0xe  }
0x99: {  	s29 =	spop (v2sf)  }
0x9a: {  	p1 =	seq.s32 s0, s29  }
0x9b: {  	p3 =	sgt.s32 @!p1 s0, $0x0;
	s2 =	sshll.u32 @!p1 s30, $0x9;
	s30 =	sadd.s32 @!p1 $0x1, s30  }
.Ltmp9:
0x9c: {  	p3 =	por !p3, p1;
	s2 =	sshra.s32 @!p1 s2, $0x2;
	(pc) =	sbr.rel @!p2 .LBB2_10-.Ltmp9, $4  }
0x9d: {  	s30 =	smov.u32 @p1 s3;
	s0 =	simm.s32 @p3 $0x0;
	s31 =	sadd.s32 @!p1 $0x7988, s2  }
0x9e: {  	s0 =	smin.u32 @!p1 s0, $0x271F0  }
0x9f: {  	s2 =	sand.u32 @!p1 $0x3FFF8, s0;
	s0 =	sand.u32 @!p1 $0x7, s0  }
0xa0: {  	s28 =	sadd.s32 $0x1, s28;
	s2 =	sadd.s32 @!p1 s1, s2  }
.LBB2_11:
0xa1: {  	[tilespmem:s31], [sflag:$0x2] =	stream.linear.gather @!p1 [hbm4b:s2+s0], $0x80, $0x38;
	[tilespmem:$0x1F6E8] =	vst v63  }
.Ltmp10:
0xa2: {  	s30 =	sshll.u32 s30, $0x7;
	(pc) =	sbr.rel .LBB2_12-.Ltmp10, $4  }
0xa3: {  	s31 =	simm.s32 $0x2;
	s0 =	sand.u32 $0x3FFFFF80, s30  }
0xa4: {  	_ =	swait.ge [sflag:s31], s0  }
0xa5: {  	s0 =	ssub.s32 $0x0, s0;
	[sflag:s31] =	ssyncset.done $0x0  }
0xa6: {  	s28 =	simm.s32 $0x0;
	s29 =	smov.u32 s8;
	[sflag:s31] =	ssyncadd.s32 s0  }
.LBB2_13:
0xa7: {  	v1 =	vld [tilespmem:s22+$0xFFFFFFC0];
	_ =	sdelay $0x3  }
0xa8: {  	s0 =	sshra.s32 s0, $0x2  }
0xa9: {  	[tilespmem:s0+$0x108] =	vst.add.f32.msk $0xffff, v1  }
0xaa: {  	v1 =	vld [tilespmem:s22+$0xFFFFFFD0];
	_ =	sdelay $0x4  }
0xab: {  	[tilespmem:s0+$0x118] =	vst.add.f32.msk $0xffff, v1  }
0xac: {  	v1 =	vld [tilespmem:s22+$0xFFFFFFE0];
	_ =	sdelay $0x4  }
0xad: {  	[tilespmem:s0+$0x128] =	vst.add.f32.msk $0xffff, v1  }
0xae: {  	v1 =	vld [tilespmem:s22+$0xFFFFFFF0];
	_ =	sdelay $0x4  }
0xaf: {  	[tilespmem:s0+$0x138] =	vst.add.f32.msk $0xffff, v1  }
0xb0: {  	v1 =	vld [tilespmem:s22+$0x0];
	_ =	sdelay $0x4  }
0xb1: {  	[tilespmem:s0+$0x148] =	vst.add.f32.msk $0xffff, v1  }
0xb2: {  	v1 =	vld [tilespmem:s22+$0x10];
	_ =	sdelay $0x4  }
0xb3: {  	[tilespmem:s0+$0x158] =	vst.add.f32.msk $0xffff, v1  }
0xb4: {  	v1 =	vld [tilespmem:s22+$0x20];
	_ =	sdelay $0x4  }
0xb5: {  	[tilespmem:s0+$0x168] =	vst.add.f32.msk $0xffff, v1  }
0xb6: {  	v1 =	vld [tilespmem:s22+$0x30];
	_ =	sdelay $0x4  }
0xb7: {  	[tilespmem:s0+$0x178] =	vst.add.f32.msk $0xffff, v1  }
.LBB2_17:
0xb8: {  	s23 =	sadd.s32 $0x1, s23  }
0xb9: {  	p1 =	seq.s32 s23, $0x0  }
.Ltmp11:
0xba: {  	_ = 	snop;
	(pc) =	sbr.rel @p1 .LBB2_18-.Ltmp11, $2  }
0xbb: {  	_ =	sdelay $0x2  }
0xbc: {  	s20 =	sadd.s32 $0x1, s20;
	s22 =	sadd.s32 $0x80, s22;
	s25 =	smov.u32 s26  }
.LBB2_12:
0xbd: {  	v1 =	vld.msk [tilespmem:s20+$0x0], $0x1;
	_ =	sdelay $0x4  }
0xbe: {  	(v2sf) =	vpush v1, $0x0;
	_ =	sdelay $0xe  }
0xbf: {  	s26 =	spop (v2sf)  }
0xc0: {  	p1 =	sne.s32 s25, s26  }
.Ltmp12:
0xc1: {  	_ = 	snop;
	(pc) =	sbr.rel @!p1 .LBB2_13-.Ltmp12, $2  }
0xc2: {  	_ =	sdelay $0x2  }
0xc3: {  	s0 =	sshll.u32 s19, $0x9  }
0xc4: {  	p1 =	seq.s32 s25, s21  }
.Ltmp13:
0xc5: {  	_ = 	snop;
	(pc) =	sbr.rel @!p1 .LBB2_15-.Ltmp13, $1  }
0xc6: {  	_ =	sdelay $0x3  }
0xc7: {  	s0 =	sshra.s32 s0, $0x2  }
.Ltmp14:
0xc8: {  	s0 =	sadd.s32 $0x108, s0;
	(pc) =	sbr.rel .LBB2_16-.Ltmp14, $4  }
0xc9: {  	[spmem:s13] =	stream.linear.scatter [tilespmem:s0], [sflag:$0x1], $0x80, $0x38;
	[tilespmem:$0x1F6E8] =	vst v63  }
0xca: {  	_ =	swait.ge [sflag:s11], $0x80  }
0xcb: {  	[sflag:s11] =	ssyncset.done $0x0  }
0xcc: {  	[sflag:s11] =	ssyncadd.s32 $0xFFFFFF80  }
.LBB2_15:
0xcd: {  	s2 =	sshll.u32 s24, $0x9  }
0xce: {  	s2 =	sshra.s32 s2, $0x2  }
0xcf: {  	v1 =	vld [tilespmem:s2+$0x7988];
	_ =	sdelay $0x3  }
0xd0: {  	s0 =	sshra.s32 s0, $0x2  }
0xd1: {  	[tilespmem:s0+$0x108] =	vst.add.f32.msk $0xffff, v1  }
0xd2: {  	v1 =	vld [tilespmem:s2+$0x7998];
	_ =	sdelay $0x4  }
0xd3: {  	[tilespmem:s0+$0x118] =	vst.add.f32.msk $0xffff, v1  }
0xd4: {  	v1 =	vld [tilespmem:s2+$0x79A8];
	_ =	sdelay $0x4  }
0xd5: {  	[tilespmem:s0+$0x128] =	vst.add.f32.msk $0xffff, v1  }
0xd6: {  	v1 =	vld [tilespmem:s2+$0x79B8];
	_ =	sdelay $0x4  }
0xd7: {  	[tilespmem:s0+$0x138] =	vst.add.f32.msk $0xffff, v1  }
0xd8: {  	v1 =	vld [tilespmem:s2+$0x79C8];
	_ =	sdelay $0x4  }
0xd9: {  	[tilespmem:s0+$0x148] =	vst.add.f32.msk $0xffff, v1  }
0xda: {  	v1 =	vld [tilespmem:s2+$0x79D8];
	_ =	sdelay $0x4  }
0xdb: {  	[tilespmem:s0+$0x158] =	vst.add.f32.msk $0xffff, v1  }
0xdc: {  	v1 =	vld [tilespmem:s2+$0x79E8];
	_ =	sdelay $0x4  }
0xdd: {  	[tilespmem:s0+$0x168] =	vst.add.f32.msk $0xffff, v1  }
0xde: {  	v1 =	vld [tilespmem:s2+$0x79F8];
	_ =	sdelay $0x2  }
0xdf: {  	p1 =	sgt.u32 s25, $0x271F0  }
0xe0: {  	s2 =	sand.u32 @!p1 $0x3FFF8, s25  }
0xe1: {  	s3 =	sadd.s32 $0x108, s0;
	[tilespmem:s0+$0x178] =	vst.add.f32.msk $0xffff, v1;
	s0 =	sadd.s32 @!p1 s1, s2;
	s2 =	sand.u32 @!p1 $0x7, s25  }
0xe2: {  	[hbm4b:s0+s2] =	stream.linear.scatter @!p1 [tilespmem:s3], [sflag:$0xA], $0x80, $0x38;
	[tilespmem:$0x1F6E8] =	vst v63  }
0xe3: {  	s0 =	simm.s32 $0x0  }
0xe4: {  	s0 =	simm.s32 @!p1 $0x200  }
0xe5: {  	s28 =	sadd.s32 s0, s28  }
.LBB2_16:
0xe6: {  	s0 =	sadd.s32 $0x1, s19  }
0xe7: {  	s2 =	smulhi.u32 $0x88888889, s0;
	_ =	sdelay $0x1  }
0xe8: {  	v1 =	vld [tilespmem:s22+$0xFFFFFFC0];
	s2 =	sshrl.u32 s2, $0x7  }
0xe9: {  	s2 =	smul.u32 $0xF0, s2;
	_ =	sdelay $0x1  }
0xea: {  	s19 =	ssub.s32 s0, s2  }
0xeb: {  	s0 =	sshll.u32 s19, $0x7  }
0xec: {  	[tilespmem:s0+$0x108] =	vst v1  }
0xed: {  	v1 =	vld [tilespmem:s22+$0xFFFFFFD0];
	_ =	sdelay $0x4  }
0xee: {  	[tilespmem:s0+$0x118] =	vst v1  }
0xef: {  	v1 =	vld [tilespmem:s22+$0xFFFFFFE0];
	_ =	sdelay $0x4  }
0xf0: {  	[tilespmem:s0+$0x128] =	vst v1  }
0xf1: {  	v1 =	vld [tilespmem:s22+$0xFFFFFFF0];
	_ =	sdelay $0x4  }
0xf2: {  	[tilespmem:s0+$0x138] =	vst v1  }
0xf3: {  	v1 =	vld [tilespmem:s22+$0x0];
	_ =	sdelay $0x4  }
0xf4: {  	[tilespmem:s0+$0x148] =	vst v1  }
0xf5: {  	v1 =	vld [tilespmem:s22+$0x10];
	_ =	sdelay $0x4  }
0xf6: {  	[tilespmem:s0+$0x158] =	vst v1  }
0xf7: {  	v1 =	vld [tilespmem:s22+$0x20];
	_ =	sdelay $0x4  }
0xf8: {  	[tilespmem:s0+$0x168] =	vst v1  }
0xf9: {  	v1 =	vld [tilespmem:s22+$0x30]  }
.Ltmp15:
0xfa: {  	_ = 	snop;
	(pc) =	sbr.rel .LBB2_17-.Ltmp15, $2  }
0xfb: {  	_ =	sdelay $0x2  }
0xfc: {  	s24 =	sadd.s32 $0x1, s24;
	[tilespmem:s0+$0x178] =	vst v1  }
.LBB2_19:
.Ltmp16:
0xfd: {  	(pc) =	sbr.rel .LBB2_20-.Ltmp16, $4  }
0xfe: {  	_ = 	snop  }
0xff: {  	s0 =	simm.s32 $0x2  }
0x100: {  	_ =	swait.ge [sflag:s0], $0x0  }
0x101: {  	s26 =	smov.u32 s25;
	[sflag:s0] =	ssyncset.done $0x0;
	s0 =	simm.s32 $0x0  }
.LBB2_22:
0x102: {  	_ =	sfence.sel $0x180000  }
0x103: {  	s0 =	simm.s32 $0x7;
	[bflag:$0x0] =	sbarrier.arrive $0xFFFF  }
0x104: {  	s25 =	simm.s32 $0x8;
	[sflag:s0] =	ssyncpa.u1 $0x1  }
0x105: {  	s26 =	simm.s32 $0x9;
	[sflag:s25] =	ssyncpa.u1 $0x1  }
0x106: {  	s28 =	simm.s32 $0x2;
	[sflag:s26] =	ssyncpa.u1 $0x1  }
0x107: {  	[sflag:s28] =	ssyncpa.u1 $0x1  }
0x108: {  	v0 =	vld [tilespmem:$0xF208];
	_ =	sdelay $0x4  }
0x109: {  	(v2sf) =	vpush v0, $0x0  }
0x10a: {  	(v2sf) =	vpush v0, $0x1;
	_ =	sdelay $0x1  }
0x10b: {  	(v2sf) =	vpush v0, $0x2;
	_ =	sdelay $0xb  }
0x10c: {  	s0 =	spop (v2sf)  }
0x10d: {  	s2 =	spop (v2sf)  }
0x10e: {  	s3 =	smov.u32 s0;
	p0 =	sne.s32 s0, s2  }
0x10f: {  	s4 =	spop (v2sf);
	s3 =	simm.s32 @!p0 $0xFFFFFFFF  }
0x110: {  	v2 =	vimm.s32 $0x1;
	v3 =	vlaneseq.u32;
	p0 =	seq.s32 s4, $0xFFFFFFFF;
	v1 =	vmov s3  }
0x111: {  	s7 =	stileid.u32;
	v0 =	vperm.xlane v0, v2;
	p1 =	sne.s32 @!p0 s0, s2;
	v1 =	vperm.xlane v1, v3  }
0x112: {  	vm0 =	vcmask $0x3F04;
	s6 =	simm.s32 $0xF208;
	s0 =	simm.s32 @!p0 $0x1;
	p1 =	por !p1, p0  }
0x113: {  	s3 =	sshll.u32 s7, $0x1;
	s2 =	sshll.u32 @!p0 s4, $0x9;
	s0 =	simm.s32 @p1 $0x0;
	v0 =	vsel vm0, v1, v0  }
0x114: {  	s5 =	sor.u32 $0x1000, s3;
	s2 =	sshra.s32 @!p0 s2, $0x2;
	s0 =	sor.u32 @!p0 s0, s3;
	[tilespmem:$0xF208] =	vst v0  }
0x115: {  	[spmem:s5] =	stream.linear.scatter [tilespmem:s6], [sflag:$0x1], $0x2, $0x38;
	[tilespmem:$0x1F6E8] =	vst v63  }
0x116: {  	s2 =	sadd.s32 @!p0 $0x108, s2;
	s0 =	sshll.u32 @!p0 s0, $0x7  }
0x117: {  	[spmem:s0] =	stream.linear.scatter @!p0 [tilespmem:s2], [sflag:$0x1], $0x80, $0x38;
	[tilespmem:$0x1F6E8] =	vst v63  }
0x118: {  	s0 =	simm.s32 @!p0 $0x82  }
0x119: {  	s3 =	simm.s32 $0x1;
	s0 =	simm.s32 @p0 $0x2  }
0x11a: {  	_ =	swait.ge [sflag:s3], s0  }
0x11b: {  	s0 =	ssub.s32 $0x0, s0;
	[sflag:s3] =	ssyncset.done $0x0  }
0x11c: {  	[sflag:s3] =	ssyncadd.s32 s0  }
0x11d: {  	_ =	sfence.stream.spmem  }
0x11e: {  	s29 =	simm.s32 $0x3;
	[bflag:$0x0] =	sbarrier.arrive $0xFFFF  }
0x11f: {  	s30 =	simm.s32 $0x4;
	[sflag:s29] =	ssyncpa.u1 $0x1  }
0x120: {  	s31 =	simm.s32 $0x3C;
	[sflag:s30] =	ssyncpa.u1 $0x1  }
0x121: {  	p0 =	sne.s32 s7, $0x0;
	[sflag:s31] =	ssyncpa.u1 $0x1  }
0x122: {  	_ =	sfence @p0  }
0x123: {  	[sflag:s3] =	ssyncpa.u1 @p0 $0x1  }
0x124: {  	_ =	strace @p0 $0x9000004D  }
0x125: {  	[bflag:$0x2] =	sbarrier.arrive @p0 $0xFFFF  }
0x126: {  	_ =	shalt @p0  }
.LBB2_23:
0x127: {  	_ =	sfence.stream.spmem;
	s0 =	simm.s32 $0x5  }
0x128: {  	s2 =	simm.s32 $0x1000;
	s3 =	simm.s32 $0xF218;
	[sflag:s0] =	ssyncpa.u1 $0x0  }
0x129: {  	[tilespmem:s3], [sflag:$0x5] =	stream.linear.gather [spmem:s2], $0x20, $0x38;
	[tilespmem:$0x1F6E8] =	vst v63  }
0x12a: {  	s30 =	simm.s32 $0xF238;
	s2 =	simm.s32 $0x0  }
0x12b: {  	[tilespmem:s30], [sflag:$0x5] =	stream.linear.gather [spmem:s2], $0x1000, $0x38;
	[tilespmem:$0x1F6E8] =	vst v63  }
.Ltmp17:
0x12c: {  	_ = 	snop;
	(pc) =	sbr.rel .LBB2_24-.Ltmp17, $4  }
0x12d: {  	_ =	swait.ge [sflag:s0], $0x1020  }
0x12e: {  	[sflag:s0] =	ssyncset.done $0x0  }
0x12f: {  	s31 =	simm.s32 $0x6;
	[sflag:s0] =	ssyncadd.s32 $0xFFFFEFE0  }
0x130: {  	s3 =	simm.s32 $0x0;
	[sflag:s31] =	ssyncpa.u1 $0x0  }
.LBB2_30:
0x131: {  	p0 =	slt.u32 s4, $0x271F1  }
0x132: {  	s0 =	sand.u32 @p0 $0x3FFF8, s4  }
0x133: {  	s4 =	sand.u32 @p0 $0x7, s4;
	s5 =	simm.s32 @p0 $0xF188;
	s0 =	sadd.s32 @p0 s1, s0  }
0x134: {  	[tilespmem:s5], [sflag:$0x6] =	stream.linear.gather @p0 [hbm4b:s0+s4], $0x80, $0x38;
	[tilespmem:$0x1F6E8] =	vst v63  }
0x135: {  	s0 =	simm.s32 @p0 $0x6  }
0x136: {  	_ =	swait.ge @p0 [sflag:s0], $0x80  }
0x137: {  	[sflag:s0] =	ssyncset.done @p0 $0x0  }
0x138: {  	[sflag:s0] =	ssyncadd.s32 @p0 $0xFFFFFF80  }
0x139: {  	v1 =	vld @p0 [tilespmem:$0xF188];
	_ =	sdelay $0x2  }
0x13a: {  	s0 =	sshll.u32 @p0 s3, $0x9  }
0x13b: {  	s4 =	sshrl.u32 @p0 s0, $0x2  }
0x13c: {  	[tilespmem:s4+$0xF238] =	vst.add.f32.msk @p0 $0xffff, v1  }
0x13d: {  	v1 =	vld @p0 [tilespmem:$0xF198];
	_ =	sdelay $0x4  }
0x13e: {  	[tilespmem:s4+$0xF248] =	vst.add.f32.msk @p0 $0xffff, v1  }
0x13f: {  	v1 =	vld @p0 [tilespmem:$0xF1A8];
	_ =	sdelay $0x4  }
0x140: {  	[tilespmem:s4+$0xF258] =	vst.add.f32.msk @p0 $0xffff, v1  }
0x141: {  	v1 =	vld @p0 [tilespmem:$0xF1B8];
	_ =	sdelay $0x4  }
0x142: {  	[tilespmem:s4+$0xF268] =	vst.add.f32.msk @p0 $0xffff, v1  }
0x143: {  	v1 =	vld @p0 [tilespmem:$0xF1C8];
	_ =	sdelay $0x4  }
0x144: {  	[tilespmem:s4+$0xF278] =	vst.add.f32.msk @p0 $0xffff, v1  }
0x145: {  	v1 =	vld @p0 [tilespmem:$0xF1D8];
	_ =	sdelay $0x4  }
0x146: {  	[tilespmem:s4+$0xF288] =	vst.add.f32.msk @p0 $0xffff, v1  }
0x147: {  	v1 =	vld @p0 [tilespmem:$0xF1E8];
	_ =	sdelay $0x4  }
0x148: {  	[tilespmem:s4+$0xF298] =	vst.add.f32.msk @p0 $0xffff, v1  }
0x149: {  	v1 =	vld @p0 [tilespmem:$0xF1F8];
	_ =	sdelay $0x3  }
0x14a: {  	s5 =	sshll.u32 @!p0 s3, $0x9  }
0x14b: {  	s5 =	smov.u32 @p0 s0;
	[tilespmem:s4+$0xF2A8] =	vst.add.f32.msk @p0 $0xffff, v1  }
0x14c: {  	s0 =	sshrl.u32 s5, $0x2;
	[tilespmem:s2+$0xF218] =	vst.msk $0x1, v0  }
0x14d: {  	v0 =	vld [tilespmem:s0+$0xF238];
	_ =	sdelay $0x2  }
0x14e: {  	s31 =	sshll.u32 s2, $0x9  }
0x14f: {  	s4 =	sshra.s32 s31, $0x2  }
0x150: {  	[tilespmem:s4+$0xF238] =	vst v0  }
0x151: {  	v0 =	vld [tilespmem:s0+$0xF248];
	_ =	sdelay $0x4  }
0x152: {  	[tilespmem:s4+$0xF248] =	vst v0  }
0x153: {  	v0 =	vld [tilespmem:s0+$0xF258];
	_ =	sdelay $0x4  }
0x154: {  	[tilespmem:s4+$0xF258] =	vst v0  }
0x155: {  	v0 =	vld [tilespmem:s0+$0xF268];
	_ =	sdelay $0x4  }
0x156: {  	[tilespmem:s4+$0xF268] =	vst v0  }
0x157: {  	v0 =	vld [tilespmem:s0+$0xF278];
	_ =	sdelay $0x4  }
0x158: {  	[tilespmem:s4+$0xF278] =	vst v0  }
0x159: {  	v0 =	vld [tilespmem:s0+$0xF288];
	_ =	sdelay $0x4  }
0x15a: {  	[tilespmem:s4+$0xF288] =	vst v0  }
0x15b: {  	v0 =	vld [tilespmem:s0+$0xF298];
	_ =	sdelay $0x4  }
0x15c: {  	[tilespmem:s4+$0xF298] =	vst v0  }
0x15d: {  	v0 =	vld [tilespmem:s0+$0xF2A8];
	_ =	sdelay $0x4  }
0x15e: {  	s2 =	sadd.s32 $0x1, s2;
	[tilespmem:s4+$0xF2A8] =	vst v0  }
.LBB2_31:
0x15f: {  	s3 =	sadd.s32 $0x1, s3  }
0x160: {  	p0 =	sne.s32 s3, $0x20  }
.Ltmp18:
0x161: {  	_ = 	snop;
	(pc) =	sbr.rel @!p0 .LBB2_32-.Ltmp18, $1  }
0x162: {  	_ =	sdelay $0x3  }
.LBB2_24:
0x163: {  	v0 =	vld.msk [tilespmem:s3+$0xF218], $0x1;
	_ =	sdelay $0x4  }
0x164: {  	(v2sf) =	vpush v0, $0x0;
	_ =	sdelay $0xe  }
0x165: {  	s4 =	spop (v2sf)  }
0x166: {  	p0 =	seq.s32 s4, $0xFFFFFFFF  }
.Ltmp19:
0x167: {  	_ = 	snop;
	(pc) =	sbr.rel @p0 .LBB2_31-.Ltmp19, $1  }
0x168: {  	_ =	sdelay $0x3  }
0x169: {  	p0 =	slt.s32 s2, $0x1  }
.Ltmp20:
0x16a: {  	_ = 	snop;
	(pc) =	sbr.rel @p0 .LBB2_30-.Ltmp20, $1  }
0x16b: {  	_ =	sdelay $0x3  }
0x16c: {  	s5 =	simm.s32 $0xF218;
	p0 =	por $0x0, $0x0  }
0x16d: {  	v1 =	vld.msk @!p0 [tilespmem:s5+$0x0], $0x1;
	_ =	sdelay $0x4  }
0x16e: {  	(v2sf) =	vpush @!p0 v1, $0x0;
	_ =	sdelay $0xd  }
0x16f: {  	p2 =	sne.s32 s2, $0x1  }
.Ltmp21:
0x170: {  	s0 =	spop @!p0 (v2sf);
	(pc) =	sbr.rel @!p2 .LBB2_28-.Ltmp21, $4  }
0x171: {  	p1 =	seq.s32 @!p0 s4, s0  }
0x172: {  	s6 =	simm.s32 $0x0;
	p1 =	por !p1, p0  }
0x173: {  	s0 =	simm.s32 $0xFFFFFFFF;
	s6 =	simm.s32 @p1 $0xFFFFFFFF  }
0x174: {  	s7 =	simm.s32 $0x1;
	s6 =	smov.u32 @p0 s0  }
.LBB2_27:
0x175: {  	s0 =	smov.u32 s6;
	p0 =	sne.s32 s6, $0xFFFFFFFF  }
0x176: {  	s5 =	sadd.s32 $0x1, s5;
	s6 =	smov.u32 s7;
	s7 =	sadd.s32 $0x1, s7  }
0x177: {  	p1 =	sne.s32 s2, s7;
	v1 =	vld.msk @!p0 [tilespmem:s5+$0x0], $0x1;
	_ =	sdelay $0x4  }
0x178: {  	(v2sf) =	vpush @!p0 v1, $0x0;
	_ =	sdelay $0xe  }
.Ltmp22:
0x179: {  	s8 =	spop @!p0 (v2sf);
	(pc) =	sbr.rel @p1 .LBB2_27-.Ltmp22, $4  }
0x17a: {  	p2 =	seq.s32 @!p0 s4, s8  }
0x17b: {  	p2 =	por !p2, p0  }
0x17c: {  	s6 =	simm.s32 @p2 $0xFFFFFFFF  }
0x17d: {  	s6 =	smov.u32 @p0 s0  }
.LBB2_28:
0x17e: {  	p0 =	seq.s32 s6, $0xFFFFFFFF  }
.Ltmp23:
0x17f: {  	_ = 	snop;
	(pc) =	sbr.rel @p0 .LBB2_30-.Ltmp23, $1  }
0x180: {  	_ =	sdelay $0x3  }
0x181: {  	s0 =	sshll.u32 s3, $0x7  }
0x182: {  	s0 =	sand.u32 $0x3FFFFF80, s0  }
0x183: {  	v0 =	vld [tilespmem:s0+$0xF238];
	_ =	sdelay $0x2  }
0x184: {  	s4 =	sshll.u32 s6, $0x9  }
0x185: {  	s4 =	sshra.s32 s4, $0x2  }
0x186: {  	[tilespmem:s4+$0xF238] =	vst.add.f32.msk $0xffff, v0  }
0x187: {  	v0 =	vld [tilespmem:s0+$0xF248];
	_ =	sdelay $0x4  }
0x188: {  	[tilespmem:s4+$0xF248] =	vst.add.f32.msk $0xffff, v0  }
0x189: {  	v0 =	vld [tilespmem:s0+$0xF258];
	_ =	sdelay $0x4  }
0x18a: {  	[tilespmem:s4+$0xF258] =	vst.add.f32.msk $0xffff, v0  }
0x18b: {  	v0 =	vld [tilespmem:s0+$0xF268];
	_ =	sdelay $0x4  }
0x18c: {  	[tilespmem:s4+$0xF268] =	vst.add.f32.msk $0xffff, v0  }
0x18d: {  	v0 =	vld [tilespmem:s0+$0xF278];
	_ =	sdelay $0x4  }
0x18e: {  	[tilespmem:s4+$0xF278] =	vst.add.f32.msk $0xffff, v0  }
0x18f: {  	v0 =	vld [tilespmem:s0+$0xF288];
	_ =	sdelay $0x4  }
0x190: {  	[tilespmem:s4+$0xF288] =	vst.add.f32.msk $0xffff, v0  }
0x191: {  	v0 =	vld [tilespmem:s0+$0xF298];
	_ =	sdelay $0x4  }
0x192: {  	[tilespmem:s4+$0xF298] =	vst.add.f32.msk $0xffff, v0  }
0x193: {  	v0 =	vld [tilespmem:s0+$0xF2A8]  }
.Ltmp24:
0x194: {  	_ = 	snop;
	(pc) =	sbr.rel .LBB2_31-.Ltmp24, $2  }
0x195: {  	_ =	sdelay $0x2  }
0x196: {  	[tilespmem:s4+$0xF2A8] =	vst.add.f32.msk $0xffff, v0  }
.LBB2_32:
0x197: {  	p0 =	slt.s32 s2, $0x1  }
.Ltmp25:
0x198: {  	_ = 	snop;
	(pc) =	sbr.rel @p0 .LBB2_36-.Ltmp25, $3  }
0x199: {  	_ =	sdelay $0x1  }
0x19a: {  	s0 =	simm.s32 $0x6  }
0x19b: {  	s3 =	simm.s32 $0x0;
	[sflag:s0] =	ssyncpa.u1 $0x1  }
0x19c: {  	s0 =	simm.s32 $0xF218  }
0x19d: {  	v0 =	vld.msk [tilespmem:s0+$0x0], $0x1;
	_ =	sdelay $0x4  }
0x19e: {  	(v2sf) =	vpush v0, $0x0;
	_ =	sdelay $0xd  }
0x19f: {  	s2 =	sadd.s32 $0xFFFFFFFF, s2  }
0x1a0: {  	p1 =	sne.s32 s2, $0x0;
	s0 =	spop (v2sf)  }
.Ltmp26:
0x1a1: {  	p0 =	sgt.u32 s0, $0x271F0;
	(pc) =	sbr.rel @!p1 .LBB2_35-.Ltmp26, $4  }
0x1a2: {  	s4 =	simm.s32 $0xF238;
	s5 =	sand.u32 @!p0 $0x3FFF8, s0  }
0x1a3: {  	s6 =	simm.s32 $0x0;
	s0 =	sand.u32 @!p0 $0x7, s0;
	s5 =	sadd.s32 @!p0 s1, s5  }
0x1a4: {  	[hbm4b:s5+s0] =	stream.linear.scatter @!p0 [tilespmem:s4], [sflag:$0x5], $0x80, $0x38;
	[tilespmem:$0x1F6E8] =	vst v63  }
0x1a5: {  	s6 =	simm.s32 @!p0 $0x200;
	s5 =	simm.s32 $0xF219  }
.LBB2_34:
0x1a6: {  	v0 =	vld.msk [tilespmem:s5+$0x0], $0x1;
	s2 =	sadd.s32 $0xFFFFFFFF, s2;
	s3 =	sadd.s32 s3, s6  }
0x1a7: {  	p0 =	sne.s32 s2, $0x0;
	_ =	sdelay $0x3  }
0x1a8: {  	(v2sf) =	vpush v0, $0x0;
	_ =	sdelay $0xe  }
.Ltmp27:
0x1a9: {  	s0 =	spop (v2sf);
	(pc) =	sbr.rel @p0 .LBB2_34-.Ltmp27, $4  }
0x1aa: {  	s6 =	simm.s32 $0x0;
	p1 =	sgt.u32 s0, $0x271F0  }
0x1ab: {  	s4 =	sadd.s32 $0x80, s4;
	s6 =	simm.s32 @!p1 $0x200;
	s7 =	sand.u32 @!p1 $0x3FFF8, s0  }
0x1ac: {  	s5 =	sadd.s32 $0x1, s5;
	s0 =	sand.u32 @!p1 $0x7, s0;
	s7 =	sadd.s32 @!p1 s1, s7  }
0x1ad: {  	[hbm4b:s7+s0] =	stream.linear.scatter @!p1 [tilespmem:s4], [sflag:$0x5], $0x80, $0x38;
	[tilespmem:$0x1F6E8] =	vst v63  }
.LBB2_35:
0x1ae: {  	s0 =	sadd.s32 s3, s6  }
0x1af: {  	s3 =	sshrl.u32 s0, $0x2  }
.LBB2_36:
0x1b0: {  	s0 =	simm.s32 $0x5  }
0x1b1: {  	_ =	swait.ge [sflag:s0], s3  }
0x1b2: {  	s1 =	ssub.s32 $0x0, s3;
	[sflag:s0] =	ssyncset.done $0x0  }
0x1b3: {  	[sflag:s0] =	ssyncadd.s32 s1  }
0x1b4: {  	[sflag:s0] =	ssyncpa.u1 $0x1  }
0x1b5: {  	s30 =	simm.s32 $0x1;
	_ =	sfence  }
0x1b6: {  	[sflag:s30] =	ssyncpa.u1 $0x1  }
0x1b7: {  	_ =	strace $0x9000004D  }
0x1b8: {  	[bflag:$0x2] =	sbarrier.arrive $0xFFFF  }
0x1b9: {  	s31 =	rddreg [dreg:$0x2]  }
0x1ba: {  	s0 =	sadd.s32 $0x100000, s31  }
0x1bb: {  	[sflag:s0] =	ssyncadd.tile.s32 $0x1;
	_ =	shalt  }
.Lfunc_end2:
_tile_overlayer_lowered:
.L_overlay_start_2:
0x1bc: {  	(tag) =	ssettag $0x2  }
0x1bd: {  	s0 =	rddreg [dreg:$0x0];
	s2 =	stileid.u32  }
0x1be: {  	s1 =	rddreg [dreg:$0x1];
	p0 =	sne.s32 s2, $0x0  }
0x1bf: {  	s3 =	rddreg [dreg:$0x2];
	[bflag:$0x3] =	sbarrier.arrive $0xFFFF;
	s2 =	simm.s32 @!p0 $0x1C01  }
0x1c0: {  	[timem:s3], [sflag:s2] =	dma.local @!p0 [hbm:s0], s1  }
0x1c1: {  	s0 =	simm.s32 @!p0 $0x1  }
0x1c2: {  	_ =	swait.ge @!p0 [sflag:s0], s1  }
0x1c3: {  	s1 =	ssub.s32 @!p0 $0x0, s1;
	[sflag:s0] =	ssyncset.done @!p0 $0x0  }
0x1c4: {  	[sflag:s0] =	ssyncadd.s32 @!p0 s1  }
0x1c5: {  	[bflag:$0x3] =	sbarrier.arrive $0xFFFF  }
0x1c6: {  	_ =	shalt  }

// kernel: scatter_offload_async_start.2
scs
__scs_entry_jumppad:
0x0: {  	(pc) =	sbr.rel $0x88, $3  }
0x1: {  	(tag) =	ssettag $0x0;
	lr =	simm.s32 $0x1  }
0x2: {  	[smem:$0x3F97] =	sst lr;
	_ =	strace $0xD0000000  }
0x3: {  	_ = 	snop  }
0x4: {  	_ = 	snop  }
0x5: {  	_ = 	snop  }
0x6: {  	_ = 	snop  }
0x7: {  	_ = 	snop  }
__scs_overlays_trampoline_lowered:
0x8: {  	[smem:$0x3FA6] =	sst s0  }
0x9: {  	[smem:$0x3FA7] =	sst s1  }
0xa: {  	[smem:$0x3FA8] =	sst s2  }
0xb: {  	[smem:$0x3FA9] =	sst s3  }
0xc: {  	[smem:$0x3FAA] =	sst s4  }
0xd: {  	[smem:$0x3FAB] =	sst s5  }
0xe: {  	[smem:$0x3FAC] =	sst s6  }
0xf: {  	[smem:$0x3FAD] =	sst s7  }
0x10: {  	[smem:$0x3FAE] =	sst s8  }
0x11: {  	[smem:$0x3FAF] =	sst s9;
	s0 =	simm.s32 @!p0 $0x0  }
0x12: {  	s1 =	sld [smem:$0x3F95];
	s0 =	simm.s32 @p0 $0x1  }
0x13: {  	[smem:$0x3FB0] =	sst s0;
	s0 =	simm.s32 @!p1 $0x0  }
0x14: {  	s2 =	sld [smem:$0x3F94];
	s0 =	simm.s32 @p1 $0x1  }
0x15: {  	[smem:$0x3FB1] =	sst s0;
	s0 =	simm.s32 @!p2 $0x0  }
0x16: {  	s3 =	sld [smem:$0x3FDB];
	s0 =	simm.s32 @p2 $0x1  }
0x17: {  	s4 =	simm.s32 $0x1BF5;
	[smem:$0x3FB3] =	sst s0  }
0x18: {  	s0 =	sld [smem:$0x3F96];
	_ =	swait.ge [sflag:s4], $0x0  }
0x19: {  	s7 =	sld [smem:$0x3F97]  }
0x1a: {  	s8 =	sadd.s32 $0xFFFFE003, lr  }
0x1b: {  	s9 =	sadd.s32 $0xFFFFFEF7, lr;
	s5 =	simm.s32 $0xFFFFFFFF;
	p2 =	slt.u32 s8, $0xFFFFF086  }
0x1c: {  	p1 =	slt.u32 s9, $0xF7A;
	s5 =	simm.s32 @!p2 $0x0  }
0x1d: {  	s5 =	simm.s32 @p1 $0x1;
	p0 =	seq.s32 s7, s2  }
0x1e: {  	s7 =	smul.u32 @!p0 $0xF7A, s2;
	p2 =	seq.s32 @!p0 s5, $0x0  }
0x1f: {  	s9 =	smul.u32 $0xF7A, s1;
	s8 =	simm.s32 @!p0 $0x1BF5;
	p2 =	por !p2, p0  }
0x20: {  	[sflag:s8] =	ssyncset.s32 @!p0 $0xFFFFF086;
	s6 =	sadd.s32 @!p0 s3, s7;
	s7 =	simm.s32 @!p0 $0x108  }
0x21: {  	s3 =	sadd.s32 s3, s9;
	s6 =	sadd.s32 @!p0 $0x88, s6;
	s7 =	simm.s32 @p2 $0x1082  }
0x22: {  	[simem:s7], [sflag:s8] =	dma.local @!p0 [hbm:s6], $0xF7A  }
0x23: {  	s9 =	sor.u32 $0xD0000000, s2;
	s6 =	simm.s32 $0x108;
	_ =	swait.ge @!p0 [sflag:s8], $0x0  }
0x24: {  	s3 =	sadd.s32 $0x88, s3;
	s6 =	simm.s32 @!p1 $0x1082;
	[sflag:s4] =	ssyncset.s32 $0xFFFFF086  }
0x25: {  	[simem:s6], [sflag:s4] =	dma.local [hbm:s3], $0xF7A  }
0x26: {  	[smem:$0x3F97] =	sst s1;
	(tag) =	ssettag s2;
	_ =	strace s9  }
0x27: {  	s1 =	sld [smem:$0x3FA7]  }
0x28: {  	s2 =	sld [smem:$0x3FA8]  }
0x29: {  	s4 =	sld [smem:$0x3FAA]  }
0x2a: {  	p0 =	seq.s32 s5, $0x0;
	s5 =	sld [smem:$0x3FAB]  }
0x2b: {  	s6 =	sld [smem:$0x3FAC]  }
0x2c: {  	s7 =	sld [smem:$0x3FAD]  }
0x2d: {  	s3 =	simm.s32 $0x108;
	s8 =	sld [smem:$0x3FAE]  }
0x2e: {  	s3 =	simm.s32 @!p0 $0x1082;
	s9 =	sld [smem:$0x3FAF]  }
0x2f: {  	lr =	sadd.s32 s0, s3;
	s0 =	sld [smem:$0x3FA6]  }
0x30: {  	s3 =	sld [smem:$0x3FA9]  }
0x31: {  	[smem:$0x3FB2] =	sst s10  }
0x32: {  	s10 =	sld [smem:$0x3FB0];
	_ =	sdelay $0x3  }
0x33: {  	p0 =	seq.s32 s10, $0x1;
	s10 =	sld [smem:$0x3FB2];
	_ =	sdelay $0x3  }
0x34: {  	[smem:$0x3FB2] =	sst s10  }
0x35: {  	s10 =	sld [smem:$0x3FB1];
	_ =	sdelay $0x3  }
0x36: {  	p1 =	seq.s32 s10, $0x1;
	s10 =	sld [smem:$0x3FB2];
	_ =	sdelay $0x3  }
0x37: {  	[smem:$0x3FB2] =	sst s10  }
0x38: {  	s10 =	sld [smem:$0x3FB3]  }
0x39: {  	_ = 	snop;
	(pc) =	sbr.ind lr, $3  }
0x3a: {  	_ = 	snop  }
0x3b: {  	_ = 	snop  }
0x3c: {  	p2 =	seq.s32 s10, $0x1;
	s10 =	sld [smem:$0x3FB2]  }
0x3d: {  	_ =	shalt  }
0x3e: {  	_ =	shalt  }
0x3f: {  	_ =	shalt  }
0x40: {  	_ =	shalt  }
0x41: {  	_ =	shalt  }
0x42: {  	_ =	shalt  }
0x43: {  	_ =	shalt  }
0x44: {  	_ =	shalt  }
0x45: {  	_ =	shalt  }
0x46: {  	_ =	shalt  }
0x47: {  	_ =	shalt  }
0x48: {  	_ =	shalt  }
0x49: {  	_ =	shalt  }
0x4a: {  	_ =	shalt  }
0x4b: {  	_ =	shalt  }
0x4c: {  	_ =	shalt  }
0x4d: {  	_ =	shalt  }
0x4e: {  	_ =	shalt  }
0x4f: {  	_ =	shalt  }
0x50: {  	_ =	shalt  }
0x51: {  	_ =	shalt  }
0x52: {  	_ =	shalt  }
0x53: {  	_ =	shalt  }
0x54: {  	_ =	shalt  }
0x55: {  	_ =	shalt  }
0x56: {  	_ =	shalt  }
0x57: {  	_ =	shalt  }
0x58: {  	_ =	shalt  }
0x59: {  	_ =	shalt  }
0x5a: {  	_ =	shalt  }
0x5b: {  	_ =	shalt  }
0x5c: {  	_ =	shalt  }
0x5d: {  	_ =	shalt  }
0x5e: {  	_ =	shalt  }
0x5f: {  	_ =	shalt  }
0x60: {  	_ =	shalt  }
0x61: {  	_ =	shalt  }
0x62: {  	_ =	shalt  }
0x63: {  	_ =	shalt  }
0x64: {  	_ =	shalt  }
0x65: {  	_ =	shalt  }
0x66: {  	_ =	shalt  }
0x67: {  	_ =	shalt  }
0x68: {  	_ =	shalt  }
0x69: {  	_ =	shalt  }
0x6a: {  	_ =	shalt  }
0x6b: {  	_ =	shalt  }
0x6c: {  	_ =	shalt  }
0x6d: {  	_ =	shalt  }
0x6e: {  	_ =	shalt  }
0x6f: {  	_ =	shalt  }
0x70: {  	_ =	shalt  }
0x71: {  	_ =	shalt  }
0x72: {  	_ =	shalt  }
0x73: {  	_ =	shalt  }
0x74: {  	_ =	shalt  }
0x75: {  	_ =	shalt  }
0x76: {  	_ =	shalt  }
0x77: {  	_ =	shalt  }
0x78: {  	_ =	shalt  }
0x79: {  	_ =	shalt  }
0x7a: {  	_ =	shalt  }
0x7b: {  	_ =	shalt  }
0x7c: {  	_ =	shalt  }
0x7d: {  	_ =	shalt  }
0x7e: {  	_ =	shalt  }
0x7f: {  	_ =	shalt  }
0x80: {  	_ =	shalt  }
0x81: {  	_ =	shalt  }
0x82: {  	_ =	shalt  }
0x83: {  	_ =	shalt  }
0x84: {  	_ =	shalt  }
0x85: {  	_ =	shalt  }
0x86: {  	_ =	shalt  }
0x87: {  	_ =	shalt  }
.Lfunc_end0:
.L_simem_size_0:
called_computation.2_lowered:
.L_overlay_start_0:
0x88: {  	s0 =	sld [smem:$0x3FD9]  }
0x89: {  	s1 =	sld [smem:$0x3FFE];
	_ =	sdelay $0x3  }
0x8a: {  	s0 =	sadd.s32 s1, s0  }
0x8b: {  	[smem:$0x3FBE] =	sst s0  }
0x8c: {  	_ = 	snop  }
0x8d: {  	(tm) =	ssettm $0x1  }
0x8e: {  	s15 =	sld [smem:$0x3FFB];
	_ =	sdelay $0x3  }
0x8f: {  	_ =	strace s15  }
0x90: {  	s0 =	sld [smem:$0x3FFC];
	_ =	sdelay $0x3  }
0x91: {  	_ =	strace s0  }
0x92: {  	s0 =	sld [smem:$0x3FFD];
	_ =	sdelay $0x3  }
0x93: {  	_ =	strace s0  }
0x94: {  	_ =	strace $0x8FFFFFFF  }
0x95: {  	s16 =	sld [smem:$0x3FDB];
	_ =	sdelay $0x1  }
0x96: {  	s17 =	simm.s32 $_scs_section_size  }
0x97: {  	s2 =	simm.s32 $_size__tile_overlayer_lowered;
	s3 =	simm.s32 $_tile_overlayer_lowered  }
0x98: {  	s20 =	simm.s32 $0x1BFF;
	s19 =	sshll.u32 s3, $0x1;
	s0 =	sadd.s32 s17, s16  }
0x99: {  	s4 =	simm.s32 $0x0;
	s18 =	sshll.u32 s2, $0x1;
	s2 =	sadd.s32 s19, s0  }
0x9a: {  	[timem:s4], [sflag:s20] =	dma.local [hbm:s2], s18  }
0x9b: {  	_ =	swait.ge [sflag:s20], s18  }
0x9c: {  	s1 =	ssub.s32 $0x0, s18;
	[sflag:s20] =	ssyncset.done $0x0  }
0x9d: {  	[sflag:s20] =	ssyncadd.s32 s1;
	_ =	sdelay $0x1  }
0x9e: {  	s21 =	simm.s32 $0x1B8B  }
0x9f: {  	_ =	swait.ge [sflag:s21], $0x1  }
0xa0: {  	[sflag:s21] =	ssyncset.done $0x0  }
0xa1: {  	s23 =	simm.s32 $0x1B8E;
	s22 =	sld [smem:$0x3FFE];
	[sflag:s21] =	ssyncadd.s32 $0xFFFFFFFF  }
0xa2: {  	s24 =	simm.s32 $execute0_lowered;
	[smem:$0x3FD2] =	sst s23  }
0xa3: {  	s2 =	sshll.u32 s24, $0x1;
	_ =	strace $0x8000004F;
	[dreg:$0x1] =	wrdreg $0xFFFFFFFF  }
0xa4: {  	s25 =	simm.s32 $_size_execute0_lowered;
	s0 =	sadd.s32 s0, s2;
	[dreg:$0x0] =	wrdreg $0x0  }
0xa5: {  	s2 =	sshll.u32 s25, $0x1;
	[dreg:$0x2] =	wrdreg s0  }
0xa6: {  	[dreg:$0x3] =	wrdreg s2  }
0xa7: {  	[dreg:$0x4] =	wrdreg $0xC0  }
0xa8: {  	_ =	task [dreg:s4], $0x5FFFF  }
0xa9: {  	[dreg:$0x1] =	wrdreg $0xFFFFFFFF  }
0xaa: {  	[dreg:$0x0] =	wrdreg $0x60  }
0xab: {  	[dreg:$0x2] =	wrdreg s22  }
0xac: {  	[dreg:$0x3] =	wrdreg $0x9  }
0xad: {  	_ =	task.clear_ibuf [dreg:s4], $0x4FFFF;
	_ =	strace $0x9000004F  }
0xae: {  	s26 =	simm.s32 $0x9;
	_ =	strace $0x80000051  }
0xaf: {  	_ =	swait.ge [sflag:s26], $0x1  }
0xb0: {  	[sflag:s26] =	ssyncadd.s32 $0xFFFFFFFF  }
0xb1: {  	_ =	strace $0x90000051  }
0xb2: {  	_ =	sfence  }
0xb3: {  	s28 =	sld [smem:$0x0];
	_ =	sdelay $0x1  }
0xb4: {  	s29 =	srdreg.scid  }
0xb5: {  	s30 =	sshll.u32 s29, $0xD;
	s31 =	sshrl.u32 s29, $0x2  }
0xb6: {  	s1 =	sand.u32 $0x1, s29;
	s2 =	sand.u32 $0x4000, s30;
	s0 =	sadd.s32 s31, s28  }
0xb7: {  	s1 =	sor.u32 s2, s1;
	s0 =	sshll.u32 s0, $0x11  }
0xb8: {  	s0 =	sor.u32 s0, s1  }
0xb9: {  	s0 =	sadd.s32 $0x8F2B, s0  }
0xba: {  	[sflag:s0] =	ssyncadd.remote.s32 $0x1  }
0xbb: {  	_ =	sfence.sel $0xFFFF  }
0xbc: {  	[dreg:$0x0] =	wrdreg $0xFFFFFFFF;
	(pc) =	sbr.abs _section_cstart, $3  }
0xbd: {  	[dreg:$0x1] =	wrdreg $0xFFFFFFFF  }
0xbe: {  	_ =	task.clear_ibuf [dreg:s4], $0x2FFFF;
	_ =	strace $0x9FFFFFFF  }
0xbf: {  	(tm) =	ssettm $0x7FFFFFFF  }
tec
execute0_lowered:
.L_overlay_start_1:
0x0: {  	(tag) =	ssettag $0x1  }
0x1: {  	s0 =	rddreg [dreg:$0x0]  }
0x2: {  	s6 =	stileid.u32;
	_ =	strace $0x80000050;
	s2 =	simm.s32 $0x1  }
0x3: {  	v1 =	vimm.s32 $0xFFFFFFFF;
	s1 =	smul.u32 $0x3, s6;
	[sflag:s2] =	ssyncpa.u1 $0x0  }
0x4: {  	s3 =	smin.u32 s6, $0x7;
	[tilespmem:$0x10] =	vst v1  }
0x5: {  	v0 =	vimm.f32 $0.0e+00;
	[tilespmem:$0x20] =	vst v1;
	s1 =	sadd.s32 s3, s1  }
0x6: {  	p0 =	slt.u32 s6, $0x7;
	[tilespmem:$0x30] =	vst v0;
	s3 =	smul.u32 $0x1770, s1;
	s1 =	simm.s32 $0x5DC0  }
0x7: {  	[tilespmem:$0x40] =	vst v0;
	s1 =	simm.s32 @!p0 $0x4650  }
0x8: {  	[tilespmem:$0x50] =	vst v0;
	s1 =	sadd.s32 s1, s3  }
0x9: {  	[tilespmem:$0x60] =	vst v1;
	s4 =	smin.u32 s1, $0x50910  }
0xa: {  	s7 =	simm.s32 $0x2;
	[tilespmem:$0x70] =	vst v1;
	s9 =	ssub.s32 s4, s3  }
0xb: {  	s8 =	simm.s32 $0x8;
	s31 =	simm.s32 $0x9;
	[tilespmem:$0x80] =	vst v1;
	p0 =	sgt.s32 s9, $0x0  }
0xc: {  	s16 =	simm.s32 $0x0;
	s17 =	simm.s32 $0xF0;
	v1 =	vimm.s32 $0x0;
	[tilespmem:$0xB0] =	vst v0;
	s9 =	simm.s32 @!p0 $0x0  }
0xd: {  	s18 =	simm.s32 $0xFFFFFFFF;
	s19 =	simm.s32 $0xFFFFD220;
	[tilespmem:$0x90] =	vst v1;
	s5 =	smulhi.u32 $0x57619F1, s9  }
0xe: {  	s20 =	simm.s32 $0xFFFFFFFE;
	[tilespmem:$0xA0] =	vst v1;
	[sflag:s7] =	ssyncpa.u1 $0x0;
	s7 =	simm.s32 $0x7  }
0xf: {  	s21 =	simm.s32 $0xF;
	[sflag:s7] =	ssyncpa.u1 $0x0;
	s10 =	sshrl.u32 s5, $0x7  }
0x10: {  	s25 =	simm.s32 $0x0;
	[sflag:s8] =	ssyncpa.u1 $0x0;
	s11 =	smul.u32 $0x1770, s10  }
0x11: {  	s24 =	simm.s32 $0x0;
	s14 =	sshllo.u32 s6, $0x1;
	[sflag:s31] =	ssyncpa.u1 $0x0  }
.Ltmp0:
0x12: {  	s1 =	sadd.s32 $0xB000, s0;
	p0 =	sne.s32 s9, s11;
	(pc) =	sbr.rel .LBB2_1-.Ltmp0, $4  }
0x13: {  	s5 =	sadd.s32 $0x1F400, s0;
	s0 =	sadd.s32 $0x29600, s0;
	s2 =	simm.s32 @!p0 $0x0  }
0x14: {  	s23 =	smov.u32 s3;
	[dreg:$0x2] =	wrdreg s0;
	s9 =	sadd.s32 s2, s10  }
0x15: {  	vm0 =	vmmov $0xffff;
	v2 =	vlaneseq.u32;
	p0 =	por $0x0, $0x0;
	s10 =	sshll.u32 s6, $0x1;
	s11 =	sadd.s32 $0x1, s9  }
0x16: {  	vm1 =	vmxor vm1, vm1;
	vm2 =	vmmov $0x1;
	vm3 =	vcmask $0x3F3C;
	s12 =	sadd.s32 $0x2, s9;
	s13 =	sor.u32 $0x81, s10;
	s15 =	sor.u32 $0x80, s10  }
.LBB2_9:
0x17: {  	p1 =	slt.u32 s24, $0x3  }
0x18: {  	s0 =	simm.s32 @!p1 $0x2  }
0x19: {  	_ =	swait.ge @!p1 [sflag:s0], $0x1770  }
0x1a: {  	[sflag:s0] =	ssyncset.done @!p1 $0x0  }
0x1b: {  	[sflag:s0] =	ssyncadd.s32 @!p1 $0xFFFFE890;
	s0 =	simm.s32 @!p1 $0x9  }
0x1c: {  	_ =	swait.ge @!p1 [sflag:s0], $0x10  }
0x1d: {  	[sflag:s0] =	ssyncset.done @!p1 $0x0  }
0x1e: {  	[sflag:s0] =	ssyncadd.s32 @!p1 $0xFFFFFFF0;
	p1 =	sne.s32 s24, s12  }
.Ltmp1:
0x1f: {  	s2 =	sadd.s32 $0x1770, s23;
	(pc) =	sbr.rel @!p1 .LBB2_10-.Ltmp1, $4  }
0x20: {  	s6 =	smov.u32 s3;
	s31 =	sadd.s32 $0x1, s24;
	s17 =	sadd.s32 $0x1770, s17  }
0x21: {  	s18 =	sadd.s32 $0x1, s18;
	s25 =	smov.u32 s23;
	p2 =	slt.s32 s2, s4  }
0x22: {  	p0 =	por !p0, !p0;
	s19 =	sadd.s32 $0x1770, s19;
	s6 =	smov.u32 @p2 s2  }
0x23: {  	s20 =	sadd.s32 $0x1, s20;
	s23 =	smov.u32 s6;
	s24 =	smov.u32 s31  }
.LBB2_1:
0x24: {  	p1 =	sge.u32 s24, s9  }
0x25: {  	s0 =	smulhi.u32 @!p1 $0xAAAAAAAB, s24;
	_ =	sdelay $0x1  }
0x26: {  	s0 =	sshrl.u32 @!p1 s0, $0x1  }
0x27: {  	s0 =	smul.u32 @!p1 $0x3, s0;
	_ =	sdelay $0x1  }
0x28: {  	s0 =	ssub.s32 @!p1 s24, s0  }
0x29: {  	s0 =	smul.u32 @!p1 $0x5DC0, s0;
	_ =	sdelay $0x1  }
0x2a: {  	s2 =	sshrl.u32 @!p1 s23, $0x3;
	s0 =	sshrl.u32 @!p1 s0, $0x2  }
0x2b: {  	s22 =	sand.u32 @!p1 $0x7, s23;
	s2 =	sadd.s32 @!p1 s5, s2;
	s0 =	sadd.s32 @!p1 $0x100, s0  }
0x2c: {  	[tilespmem:s0], [sflag:$0x7] =	stream.linear.gather @!p1 [hbm4b:s2+s22], $0x1770, $0x38;
	[tilespmem:$0xD410] =	vst v63  }
0x2d: {  	s0 =	sadd.s32 $0xFFFFFFFF, s24  }
0x2e: {  	p1 =	sge.u32 s0, s9  }
.Ltmp2:
0x2f: {  	_ = 	snop;
	(pc) =	sbr.rel @p1 .LBB2_5-.Ltmp2, $1  }
0x30: {  	_ =	sdelay $0x3  }
0x31: {  	s2 =	smulhi.u32 $0xAAAAAAAB, s0;
	_ =	sdelay $0x1  }
0x32: {  	s2 =	sshrl.u32 s2, $0x1  }
0x33: {  	s2 =	smul.u32 $0x3, s2;
	_ =	sdelay $0x1  }
0x34: {  	s2 =	ssub.s32 s0, s2  }
0x35: {  	s2 =	smul.u32 $0x5DC0, s2  }
0x36: {  	_ =	swait.ge [sflag:s7], $0x1770  }
0x37: {  	[sflag:s7] =	ssyncset.done $0x0;
	s2 =	sshrl.u32 s2, $0x2  }
0x38: {  	[sflag:s7] =	ssyncadd.s32 $0xFFFFE890;
	(ifvalue) =	ssetifvalue $0xFFFFFFFF;
	v3 =	vld.msk [tilespmem:s2+$0x100 ss:$0x1], $0xffff;
	_ =	sdelay $0x2  }
0x39: {  	s30 =	smulhi.u32 $0xAAAAAAAB, s18;
	p1 =	sne.s32 s24, $0x1  }
0x3a: {  	v4 =	vimm.s32 @!p1 $0x0  }
0x3b: {  	s2 =	sshrl.u32 s30, $0x1;
	v4 =	vperm.xlane @!p1 v3, v4  }
0x3c: {  	s22 =	sshll.u32 s24, $0x4;
	s2 =	smul.u32 $0xFFFEE6C0, s2;
	vm4 =	vlt.u32 v3, $0x2800  }
0x3d: {  	s22 =	sand.u32 $0x10, s22;
	v3 =	vnsel vm4, $0xFFFFFFFE, v3;
	vm4 =	vlt.u32 @!p1 v4, $0x2800  }
0x3e: {  	s2 =	sshra.s32 s2, $0x2;
	[tilespmem:s22+$0x60] =	vst v3;
	v3 =	vnsel @!p1 vm4, $0xFFFFFFFE, v4  }
0x3f: {  	s28 =	sadd.s32 s2, s17;
	[tilespmem:$0x80] =	vst @!p1 v3  }
0x40: {  	v3 =	vld.msk [tilespmem:s28+$0x0 ss:$0x1], $0xffff;
	_ =	sdelay $0x4  }
0x41: {  	(xrf1) =	vunique.msk.u32 $0xffff, v3;
	_ =	sdelay $0xd  }
0x42: {  	v4 =	vimm.s32 $0xFFFFFFFF;
	v5, _, _ =	vpop (xrf1)  }
0x43: {  	vm5 =	vne.s32 v3, v4;
	vm4 =	veq.s32 v5, v2  }
0x44: {  	vm6 =	vlt.u32 v3, $0x2800;
	vm4 =	vmand vm5, vm4  }
0x45: {  	vm4 =	vmand vm6, vm4  }
0x46: {  	v4 =	vnsel vm4, $0xFFFFFFFF, v3  }
0x47: {  	s31 =	sand.u32 $0x1, s0  }
0x48: {  	s0 =	simm.s32 $0x1770;
	p1 =	seq.s32 s31, $0x1  }
0x49: {  	s0 =	simm.s32 @!p1 $0x0  }
0x4a: {  	s26 =	sadd.s32 $0x5EB0, s0;
	(ifvalue) =	ssetifvalue $0xFFFFFFFF  }
0x4b: {  	v3 =	vperm.xlane v3, v1;
	[tilespmem:s26], [sflag:$0x8] =	stream.indirect_vreg.gather [hbm4b:s1+s16], $0x1, v4, vm0, $0x4038;
	v4 =	vnsel vm6, $0xFFFFFFFE, v4;
	[tilespmem:$0xD410] =	vst v63  }
0x4c: {  	s2 =	simm.s32 $0x0;
	s22 =	sadd.s32 $0xFFFFFFF0, s28;
	[tilespmem:s28+$0x0] =	vst v4  }
.LBB2_3:
0x4d: {  	v4 =	vld.msk [tilespmem:s22+$0x0 ss:$0x1], $0xffff;
	s2 =	sadd.s32 $0x10, s2;
	v5 =	vmov v3;
	s28 =	smov.u32 s22  }
0x4e: {  	p1 =	slt.u32 s2, $0x1760;
	_ =	sdelay $0x4  }
0x4f: {  	v3 =	vperm.xlane v4, v1;
	(xrf1) =	vunique.msk.u32 $0xffff, v4;
	_ =	sdelay $0xd  }
0x50: {  	v6, _, _ =	vpop (xrf1)  }
0x51: {  	vm5 =	vne.s32 v4, v5;
	vm4 =	veq.s32 v6, v2  }
0x52: {  	vm6 =	vlt.u32 v4, $0x2800;
	vm4 =	vmand vm5, vm4  }
0x53: {  	vm4 =	vmand vm6, vm4  }
0x54: {  	v4 =	vnsel vm4, $0xFFFFFFFF, v4  }
.Ltmp3:
0x55: {  	v5 =	vnsel vm6, $0xFFFFFFFE, v4;
	(pc) =	sbr.rel @p1 .LBB2_3-.Ltmp3, $3  }
0x56: {  	_ =	sdelay $0x1  }
0x57: {  	s22 =	sadd.s32 $0xFFFFFFF0, s22;
	s26 =	sadd.s32 $0xFFFFFFF0, s26;
	(ifvalue) =	ssetifvalue $0xFFFFFFFF  }
0x58: {  	[tilespmem:s26], [sflag:$0x8] =	stream.indirect_vreg.gather [hbm4b:s1+s16], $0x1, v4, vm0, $0x4038;
	[tilespmem:s28+$0x0] =	vst v5  }
0x59: {  	s2 =	sshrl.u32 s25, $0x3;
	s6 =	rddreg [dreg:$0x2]  }
0x5a: {  	s0 =	sadd.s32 $0x7630, s0;
	s2 =	sadd.s32 s6, s2  }
0x5b: {  	[tilespmem:s0], [sflag:$0x8] =	stream.linear.gather [hbm:s2], $0x1770, $0x38;
	[tilespmem:$0xD410] =	vst v63  }
.LBB2_5:
0x5c: {  	p1 =	slt.u32 s24, $0x2  }
0x5d: {  	p2 =	sge.u32 @!p1 s24, s12  }
0x5e: {  	p1 =	por p1, p2  }
.Ltmp4:
0x5f: {  	_ = 	snop;
	(pc) =	sbr.rel @p1 .LBB2_9-.Ltmp4, $1  }
0x60: {  	_ =	sdelay $0x3  }
0x61: {  	s0 =	sadd.s32 $0xFFFFFFFE, s24  }
0x62: {  	s2 =	smulhi.u32 $0xAAAAAAAB, s0;
	_ =	sdelay $0x1  }
0x63: {  	s2 =	sshrl.u32 s2, $0x1  }
0x64: {  	s2 =	smul.u32 $0x3, s2;
	_ =	sdelay $0x1  }
0x65: {  	s0 =	ssub.s32 s0, s2  }
0x66: {  	_ =	swait.ge [sflag:s8], $0x2EE0;
	s0 =	smul.u32 $0x1770, s0  }
0x67: {  	p1 =	sne.s32 s24, s11;
	[sflag:s8] =	ssyncset.done $0x0  }
0x68: {  	[sflag:s8] =	ssyncadd.s32 $0xFFFFD120;
	s2 =	sadd.s32 @!p1 $0x186F, s0  }
0x69: {  	[spmem:s13] =	stream.linear.scatter @!p1 [tilespmem:s2], [sflag:$0x1], $0x1, $0x38;
	[tilespmem:$0xD410] =	vst v63  }
0x6a: {  	s2 =	simm.s32 @!p1 $0x1  }
0x6b: {  	_ =	swait.ge @!p1 [sflag:s2], $0x1  }
0x6c: {  	s22 =	sshll.u32 s24, $0x4;
	[sflag:s2] =	ssyncset.done @!p1 $0x0  }
0x6d: {  	s25 =	sand.u32 $0x10, s22;
	[sflag:s2] =	ssyncadd.s32 @!p1 $0xFFFFFFFF  }
0x6e: {  	s2 =	sxor.u32 $0x10, s25;
	v4 =	vld [tilespmem:s25+$0x10]  }
0x6f: {  	v5 =	vld [tilespmem:s2+$0x60]  }
0x70: {  	v3 =	vld [tilespmem:$0x80];
	_ =	sdelay $0x2  }
0x71: {  	(v2sf) =	vpush v4, $0x0  }
0x72: {  	(v2sf) =	vpush v5, $0x0  }
0x73: {  	(v2sf) =	vpush v3, $0x0;
	_ =	sdelay $0xc  }
0x74: {  	s6 =	spop (v2sf)  }
0x75: {  	s28 =	spop (v2sf)  }
0x76: {  	s26 =	spop (v2sf)  }
0x77: {  	p2 =	seq.s32 s6, s28;
	p3 =	seq.s32 s26, s6  }
0x78: {  	p3 =	por p2, p3  }
0x79: {  	s6 =	sand.u32 $0x1, s24;
	v4 =	vpsel p3, $0xFFFFFFFF, v4  }
0x7a: {  	s28 =	smul.u32 $0x1770, s6;
	[tilespmem:s25+$0x10] =	vst.msk $0x1, v4  }
0x7b: {  	v4 =	vld [tilespmem:$0x30]  }
0x7c: {  	v5 =	vld [tilespmem:s28+$0x7630]  }
0x7d: {  	v6 =	vld [tilespmem:s25+$0x40];
	_ =	sdelay $0x3  }
0x7e: {  	vm4 =	vmmov vm1;
	v5 =	vadd.f32 v5, v4  }
0x7f: {  	vm5 =	vmmov vm2;
	vm4 =	vmmov @p2 vm2;
	v4 =	vadd.f32 v6, v4  }
0x80: {  	s22 =	sshll.u32 s6, $0x4;
	vm5 =	vmmov @p3 vm1;
	[tilespmem:s28+$0x7630] =	vst.msk vm4, v5  }
0x81: {  	[tilespmem:s22+$0xD3F0] =	vst.msk vm5, v4  }
0x82: {  	v4 =	vld [tilespmem:s28+$0x5EB0];
	_ =	sdelay $0x3  }
0x83: {  	v5 =	vimm.f32 $0.0e+00  }
0x84: {  	v4 =	vshift.insert v4, v5, s21  }
0x85: {  	s29 =	sor.u32 $0x40, s2  }
0x86: {  	[tilespmem:s29+$0x0] =	vst.msk $0x1, v4  }
0x87: {  	[tilespmem:s28+$0x5EBF] =	vst.msk $0x1, v5  }
0x88: {  	v4 =	vld [tilespmem:s0+$0x1860];
	_ =	sdelay $0x1  }
0x89: {  	s29 =	smulhi.u32 $0xAAAAAAAB, s20;
	s0 =	simm.s32 $0x1  }
0x8a: {  	s0 =	simm.s32 @!p0 $0x0  }
0x8b: {  	s29 =	sshrl.u32 s29, $0x1;
	s0 =	smul.u32 $0x5DC0, s0  }
0x8c: {  	s29 =	smul.u32 $0xFFFEE6C0, s29;
	v4 =	vshift.insert v4, v1, s21  }
0x8d: {  	s0 =	sshrl.u32 s0, $0x2  }
0x8e: {  	s29 =	sshra.s32 s29, $0x2;
	s30 =	sadd.s32 $0x7630, s0;
	[tilespmem:s2+$0x10] =	vst.msk $0x1, v4  }
0x8f: {  	s6 =	sadd.s32 s29, s19;
	v6 =	vld [tilespmem:s30+$0x0]  }
0x90: {  	v7 =	vld [tilespmem:s6+$0x0];
	_ =	sdelay $0x3  }
0x91: {  	v5 =	vadd.f32 v6, v5  }
0x92: {  	vm4 =	vne.s32 v7, $0xFFFFFFFF  }
0x93: {  	(xrf2) =	vadd.seg.scan.f32 vm4, v5;
	_ =	sdelay $0x3  }
0x94: {  	s31 =	sadd.s32 $0x4750, s0;
	v5 =	vperm.xlane v4, v1  }
0x95: {  	v6 =	vld [tilespmem:s31+$0x0]  }
0x96: {  	vm5 =	veq.s32 v7, v3;
	vm6 =	veq.s32 v7, v5  }
0x97: {  	vm7 =	vgt.u32 v7, $0xFFFFFFFD;
	vm6 =	vmor vm6, vm5  }
0x98: {  	vm6 =	vmor vm6, vm7  }
0x99: {  	v9 =	vld [tilespmem:$0xA0];
	v7 =	vsel vm6, $0xFFFFFFFF, v7  }
0x9a: {  	v10 =	vld [tilespmem:$0x90];
	v6 =	vsel vm5, $0x0, v6;
	v8, _, _ =	vpop (xrf2)  }
0x9b: {  	v6 =	vadd.f32 v8, v6  }
0x9c: {  	s0 =	sadd.s32 $0xA510, s0  }
0x9d: {  	vm4 =	vmand vm4, vm3;
	[tilespmem:s0+$0x0] =	vst v6;
	(ifvalue) =	ssetifvalue $0xFFFFFFFF  }
0x9e: {  	vm6 =	veq.s32 v9, $0x1;
	[hbm4b:s1+s16] =	stream.indirect_vreg.scatter [tilespmem:s0], [sflag:$0x2], $0x1, v7, vm0, $0x4038;
	v7 =	vsel vm4, $0x0, v8;
	[tilespmem:$0xD410] =	vst v63  }
0x9f: {  	s29 =	sadd.s32 $0xD3F0, s22;
	s22 =	sadd.s32 $0x10, s6;
	s2 =	simm.s32 $0x0;
	vm4 =	vmor vm6, vm5;
	v6 =	vsel vm5, v8, v10;
	v7 =	vshift.insert v7, v0, s21  }
.LBB2_7:
0xa0: {  	v8 =	vld [tilespmem:s22+$0x0];
	s30 =	sadd.s32 $0x10, s30  }
0xa1: {  	s31 =	sadd.s32 $0x10, s31;
	v9 =	vld [tilespmem:s30+$0x0]  }
0xa2: {  	s2 =	sadd.s32 $0x10, s2;
	v10 =	vld [tilespmem:s31+$0x0]  }
0xa3: {  	p2 =	slt.u32 s2, $0x1760;
	_ =	sdelay $0x2  }
0xa4: {  	v7 =	vadd.f32 v9, v7  }
0xa5: {  	vm5 =	vne.s32 v8, $0xFFFFFFFF  }
0xa6: {  	vm6 =	vmand vm5, vm3;
	(xrf2) =	vadd.seg.scan.f32 vm5, v7;
	_ =	sdelay $0x5  }
0xa7: {  	vm7 =	veq.s32 v8, v5;
	vm5 =	veq.s32 v8, v3  }
0xa8: {  	vm8 =	vgt.u32 v8, $0xFFFFFFFD;
	vm4 =	vmor vm4, vm5;
	vm7 =	vmor vm7, vm5  }
0xa9: {  	vm7 =	vmor vm7, vm8  }
0xaa: {  	v8 =	vsel vm7, $0xFFFFFFFF, v8  }
.Ltmp5:
0xab: {  	v7 =	vsel vm5, $0x0, v10;
	v9, _, _ =	vpop (xrf2);
	(pc) =	sbr.rel @p2 .LBB2_7-.Ltmp5, $4  }
0xac: {  	v6 =	vsel vm5, v9, v6;
	v10 =	vadd.f32 v9, v7;
	v7 =	vsel vm6, $0x0, v9  }
0xad: {  	s0 =	sadd.s32 $0x10, s0;
	v7 =	vshift.insert v7, v0, s21  }
0xae: {  	s22 =	sadd.s32 $0x10, s22;
	[tilespmem:s0+$0x0] =	vst v10;
	(ifvalue) =	ssetifvalue $0xFFFFFFFF  }
0xaf: {  	[hbm4b:s1+s16] =	stream.indirect_vreg.scatter [tilespmem:s0], [sflag:$0x2], $0x1, v8, vm0, $0x4038;
	[tilespmem:$0xD410] =	vst v63  }
0xb0: {  	v3 =	vld [tilespmem:s28+$0xBC70];
	_ =	sdelay $0x4  }
0xb1: {  	v3 =	vshift.insert v3, v0, s21  }
0xb2: {  	s0 =	simm.s32 $0x30  }
0xb3: {  	[tilespmem:s0+$0x0] =	vst.msk $0x1, v3  }
0xb4: {  	v3 =	vsel vm4, $0x1, v1;
	[tilespmem:$0x90] =	vst v6  }
0xb5: {  	s0 =	sadd.s32 @!p1 $0xBC7F, s28;
	[tilespmem:$0xA0] =	vst v3  }
0xb6: {  	[spmem:s14] =	stream.linear.scatter @!p1 [tilespmem:s0], [sflag:$0x1], $0x1, $0x38;
	[tilespmem:$0xD410] =	vst v63  }
0xb7: {  	s0 =	simm.s32 @!p1 $0x1  }
0xb8: {  	v3 =	vmctz.xlane @!p1 vm4;
	_ =	swait.ge @!p1 [sflag:s0], $0x1  }
0xb9: {  	(v2sf) =	vpush @!p1 v4, $0x0  }
0xba: {  	(v2sf) =	vpush @!p1 v3, $0x0;
	_ =	sdelay $0xd  }
0xbb: {  	s2 =	spop @!p1 (v2sf)  }
0xbc: {  	s6 =	spop @!p1 (v2sf)  }
0xbd: {  	p2 =	sne.s32 @!p1 s26, s2;
	p3 =	slt.s32 @!p1 s6, $0xF  }
0xbe: {  	[sflag:s0] =	ssyncset.done @!p1 $0x0;
	p2 =	por p2, p1;
	p3 =	por !p3, p1  }
0xbf: {  	[sflag:s0] =	ssyncadd.s32 @!p1 $0xFFFFFFFF;
	v3 =	vimm.s32 @!p2 $0xFFFFFFFF;
	s6 =	simm.s32 @p3 $0xF  }
0xc0: {  	[tilespmem:$0x80] =	vst @!p2 v3;
	s2 =	sadd.s32 @!p1 $0x90, s6  }
0xc1: {  	[spmem:s10] =	stream.linear.scatter @!p1 [tilespmem:s2], [sflag:$0x1], $0x1, $0x38;
	[tilespmem:$0xD410] =	vst v63  }
0xc2: {  	_ =	swait.ge @!p1 [sflag:s0], $0x1  }
0xc3: {  	[sflag:s0] =	ssyncset.done @!p1 $0x0  }
0xc4: {  	s2 =	simm.s32 @!p1 $0x80;
	[sflag:s0] =	ssyncadd.s32 @!p1 $0xFFFFFFFF  }
0xc5: {  	[spmem:s15] =	stream.linear.scatter @!p1 [tilespmem:s2], [sflag:$0x1], $0x1, $0x38;
	[tilespmem:$0xD410] =	vst v63  }
0xc6: {  	_ =	swait.ge @!p1 [sflag:s0], $0x1  }
0xc7: {  	[sflag:s0] =	ssyncset.done @!p1 $0x0  }
0xc8: {  	[sflag:s0] =	ssyncadd.s32 @!p1 $0xFFFFFFFF;
	(ifvalue) =	ssetifvalue $0xFFFFFFFF;
	v3 =	vld [tilespmem:s25+$0x10];
	_ =	sdelay $0x3  }
.Ltmp6:
0xc9: {  	_ = 	snop;
	(pc) =	sbr.rel .LBB2_9-.Ltmp6, $3  }
0xca: {  	_ =	sdelay $0x1  }
0xcb: {  	(ifvalue) =	ssetifvalue $0xFFFFFFFF  }
0xcc: {  	[hbm4b:s1+s16] =	stream.indirect_vreg.scatter [tilespmem:s29], [sflag:$0x9], $0x1, v3, vm0, $0x4038;
	[tilespmem:$0xD410] =	vst v63  }
.LBB2_10:
0xcd: {  	_ =	sfence.sel $0x180000  }
0xce: {  	s0 =	simm.s32 $0x7;
	[bflag:$0x0] =	sbarrier.arrive $0xFFFF  }
0xcf: {  	s26 =	simm.s32 $0x8;
	[sflag:s0] =	ssyncpa.u1 $0x1  }
0xd0: {  	s28 =	simm.s32 $0x9;
	[sflag:s26] =	ssyncpa.u1 $0x1  }
0xd1: {  	[sflag:s28] =	ssyncpa.u1 $0x1  }
0xd2: {  	_ =	sfence.stream.spmem  }
0xd3: {  	s29 =	simm.s32 $0x3;
	[bflag:$0x0] =	sbarrier.arrive $0xFFFF  }
0xd4: {  	s30 =	simm.s32 $0x4;
	[sflag:s29] =	ssyncpa.u1 $0x1  }
0xd5: {  	s31 =	simm.s32 $0x3C;
	s2 =	stileid.u32;
	[sflag:s30] =	ssyncpa.u1 $0x1  }
0xd6: {  	p0 =	sne.s32 s2, $0x0;
	[sflag:s31] =	ssyncpa.u1 $0x1  }
0xd7: {  	s0 =	simm.s32 @p0 $0x1;
	_ =	sfence @p0  }
0xd8: {  	[sflag:s0] =	ssyncpa.u1 @p0 $0x1;
	s0 =	simm.s32 @p0 $0x2  }
0xd9: {  	[sflag:s0] =	ssyncpa.u1 @p0 $0x1  }
0xda: {  	_ =	strace @p0 $0x90000050  }
0xdb: {  	[bflag:$0x2] =	sbarrier.arrive @p0 $0xFFFF  }
0xdc: {  	_ =	shalt @p0  }
.LBB2_11:
0xdd: {  	_ =	sfence.stream.spmem;
	s0 =	simm.s32 $0x5  }
0xde: {  	s2 =	simm.s32 $0x80;
	s3 =	simm.s32 $0xC0;
	[sflag:s0] =	ssyncpa.u1 $0x0  }
0xdf: {  	[tilespmem:s3], [sflag:$0x5] =	stream.linear.gather [spmem:s2], $0x20, $0x38;
	[tilespmem:$0xD410] =	vst v63  }
0xe0: {  	s2 =	simm.s32 $0x0;
	s3 =	simm.s32 $0xE0  }
0xe1: {  	[tilespmem:s3], [sflag:$0x5] =	stream.linear.gather [spmem:s2], $0x20, $0x38;
	[tilespmem:$0xD410] =	vst v63  }
.Ltmp7:
0xe2: {  	_ = 	snop;
	(pc) =	sbr.rel .LBB2_12-.Ltmp7, $4  }
0xe3: {  	_ =	swait.ge [sflag:s0], $0x40  }
0xe4: {  	[sflag:s0] =	ssyncset.done $0x0  }
0xe5: {  	s31 =	simm.s32 $0x6;
	[sflag:s0] =	ssyncadd.s32 $0xFFFFFFC0  }
0xe6: {  	s4 =	simm.s32 $0x0;
	[sflag:s31] =	ssyncpa.u1 $0x0  }
.LBB2_17:
0xe7: {  	p0 =	sgt.u32 s5, $0x27FF  }
0xe8: {  	s0 =	sshrl.u32 @!p0 s5, $0x3  }
0xe9: {  	s5 =	sand.u32 @!p0 $0x7, s5;
	s6 =	simm.s32 @!p0 $0xB0;
	s0 =	sadd.s32 @!p0 s1, s0  }
0xea: {  	[tilespmem:s6], [sflag:$0x6] =	stream.linear.gather @!p0 [hbm4b:s0+s5], $0x1, $0x38;
	[tilespmem:$0xD410] =	vst v63  }
0xeb: {  	s0 =	simm.s32 @!p0 $0x6  }
0xec: {  	_ =	swait.ge @!p0 [sflag:s0], $0x1  }
0xed: {  	[sflag:s0] =	ssyncset.done @!p0 $0x0  }
0xee: {  	[sflag:s0] =	ssyncadd.s32 @!p0 $0xFFFFFFFF  }
0xef: {  	v2 =	vmov @!p0 s4;
	v1 =	vld.msk @!p0 [tilespmem:$0xB0], $0x1;
	_ =	sdelay $0x3  }
0xf0: {  	s0 =	simm.s32 @!p0 $0xE0  }
0xf1: {  	[tilespmem:v2+s0+$0x0], v1 =	vst.idx.ret.add.f32.msk @!p0 $0x1, v1  }
0xf2: {  	[tilespmem:s2+$0xC0] =	vst.msk $0x1, v0  }
0xf3: {  	v0 =	vld.msk [tilespmem:s4+$0xE0], $0x1;
	_ =	sdelay $0x4  }
0xf4: {  	[tilespmem:s2+$0xE0] =	vst.msk $0x1, v0;
	s2 =	sadd.s32 $0x1, s2  }
.LBB2_19:
0xf5: {  	s4 =	sadd.s32 $0x1, s4  }
0xf6: {  	p0 =	sne.s32 s4, $0x20  }
.Ltmp8:
0xf7: {  	_ = 	snop;
	(pc) =	sbr.rel @!p0 .LBB2_20-.Ltmp8, $1  }
0xf8: {  	_ =	sdelay $0x3  }
.LBB2_12:
0xf9: {  	v0 =	vld.msk [tilespmem:s4+$0xC0], $0x1;
	_ =	sdelay $0x4  }
0xfa: {  	(v2sf) =	vpush v0, $0x0;
	_ =	sdelay $0xe  }
0xfb: {  	s5 =	spop (v2sf)  }
0xfc: {  	p0 =	seq.s32 s5, $0xFFFFFFFF  }
.Ltmp9:
0xfd: {  	_ = 	snop;
	(pc) =	sbr.rel @p0 .LBB2_19-.Ltmp9, $1  }
0xfe: {  	_ =	sdelay $0x3  }
0xff: {  	p0 =	slt.s32 s2, $0x1  }
.Ltmp10:
0x100: {  	_ = 	snop;
	(pc) =	sbr.rel @p0 .LBB2_17-.Ltmp10, $1  }
0x101: {  	_ =	sdelay $0x3  }
0x102: {  	s0 =	simm.s32 $0xC0;
	p0 =	por $0x0, $0x0  }
0x103: {  	v1 =	vld.msk @!p0 [tilespmem:s0+$0x0], $0x1;
	_ =	sdelay $0x4  }
0x104: {  	(v2sf) =	vpush @!p0 v1, $0x0;
	_ =	sdelay $0xd  }
0x105: {  	p2 =	sne.s32 s2, $0x1  }
.Ltmp11:
0x106: {  	s6 =	spop @!p0 (v2sf);
	(pc) =	sbr.rel @!p2 .LBB2_16-.Ltmp11, $4  }
0x107: {  	p1 =	seq.s32 @!p0 s5, s6  }
0x108: {  	s6 =	simm.s32 $0x0;
	p1 =	por !p1, p0  }
0x109: {  	s8 =	simm.s32 $0xFFFFFFFF;
	s6 =	simm.s32 @p1 $0xFFFFFFFF  }
0x10a: {  	s7 =	simm.s32 $0x1;
	s6 =	smov.u32 @p0 s8  }
.LBB2_15:
0x10b: {  	s8 =	smov.u32 s6;
	p0 =	sne.s32 s6, $0xFFFFFFFF  }
0x10c: {  	s0 =	sadd.s32 $0x1, s0;
	s6 =	smov.u32 s7;
	s7 =	sadd.s32 $0x1, s7  }
0x10d: {  	p1 =	sne.s32 s2, s7;
	v1 =	vld.msk @!p0 [tilespmem:s0+$0x0], $0x1;
	_ =	sdelay $0x4  }
0x10e: {  	(v2sf) =	vpush @!p0 v1, $0x0;
	_ =	sdelay $0xe  }
.Ltmp12:
0x10f: {  	s9 =	spop @!p0 (v2sf);
	(pc) =	sbr.rel @p1 .LBB2_15-.Ltmp12, $4  }
0x110: {  	p2 =	seq.s32 @!p0 s5, s9  }
0x111: {  	p2 =	por !p2, p0  }
0x112: {  	s6 =	simm.s32 @p2 $0xFFFFFFFF  }
0x113: {  	s6 =	smov.u32 @p0 s8  }
.LBB2_16:
0x114: {  	p0 =	sne.s32 s6, $0xFFFFFFFF  }
.Ltmp13:
0x115: {  	_ = 	snop;
	(pc) =	sbr.rel @!p0 .LBB2_17-.Ltmp13, $1  }
0x116: {  	_ =	sdelay $0x3  }
0x117: {  	v0 =	vld.msk [tilespmem:s4+$0xE0], $0x1;
	v1 =	vmov s6  }
.Ltmp14:
0x118: {  	_ = 	snop;
	(pc) =	sbr.rel .LBB2_19-.Ltmp14, $2  }
0x119: {  	_ =	sdelay $0x2  }
0x11a: {  	[tilespmem:v1+s3+$0x0], v0 =	vst.idx.ret.add.f32.msk $0x1, v0  }
.LBB2_20:
0x11b: {  	p0 =	slt.s32 s2, $0x1  }
.Ltmp15:
0x11c: {  	_ = 	snop;
	(pc) =	sbr.rel @p0 .LBB2_24-.Ltmp15, $3  }
0x11d: {  	_ =	sdelay $0x1  }
0x11e: {  	s0 =	simm.s32 $0x6  }
0x11f: {  	s3 =	simm.s32 $0x0;
	[sflag:s0] =	ssyncpa.u1 $0x1  }
0x120: {  	s0 =	simm.s32 $0xC0  }
0x121: {  	v0 =	vld.msk [tilespmem:s0+$0x0], $0x1;
	_ =	sdelay $0x4  }
0x122: {  	(v2sf) =	vpush v0, $0x0;
	_ =	sdelay $0xe  }
0x123: {  	s2 =	sadd.s32 $0xFFFFFFFF, s2;
	s4 =	spop (v2sf)  }
0x124: {  	p1 =	sne.s32 s2, $0x0;
	p0 =	sgt.u32 s4, $0x27FF  }
.Ltmp16:
0x125: {  	s5 =	sshrl.u32 @!p0 s4, $0x3;
	(pc) =	sbr.rel @!p1 .LBB2_23-.Ltmp16, $4  }
0x126: {  	s0 =	simm.s32 $0xE0;
	s4 =	sand.u32 @!p0 $0x7, s4;
	s5 =	sadd.s32 @!p0 s1, s5  }
0x127: {  	[hbm4b:s5+s4] =	stream.linear.scatter @!p0 [tilespmem:s0], [sflag:$0x5], $0x1, $0x38;
	[tilespmem:$0xD410] =	vst v63  }
0x128: {  	s5 =	simm.s32 $0x0  }
0x129: {  	s4 =	simm.s32 $0xC1;
	s5 =	simm.s32 @!p0 $0x4  }
.LBB2_22:
0x12a: {  	v0 =	vld.msk [tilespmem:s4+$0x0], $0x1;
	s2 =	sadd.s32 $0xFFFFFFFF, s2;
	s3 =	sadd.s32 s3, s5  }
0x12b: {  	p0 =	sne.s32 s2, $0x0;
	_ =	sdelay $0x3  }
0x12c: {  	(v2sf) =	vpush v0, $0x0;
	_ =	sdelay $0xe  }
.Ltmp17:
0x12d: {  	s6 =	spop (v2sf);
	(pc) =	sbr.rel @p0 .LBB2_22-.Ltmp17, $4  }
0x12e: {  	s5 =	simm.s32 $0x0;
	p1 =	sgt.u32 s6, $0x27FF  }
0x12f: {  	s0 =	sadd.s32 $0x1, s0;
	s5 =	simm.s32 @!p1 $0x4;
	s7 =	sshrl.u32 @!p1 s6, $0x3  }
0x130: {  	s4 =	sadd.s32 $0x1, s4;
	s6 =	sand.u32 @!p1 $0x7, s6;
	s7 =	sadd.s32 @!p1 s1, s7  }
0x131: {  	[hbm4b:s7+s6] =	stream.linear.scatter @!p1 [tilespmem:s0], [sflag:$0x5], $0x1, $0x38;
	[tilespmem:$0xD410] =	vst v63  }
.LBB2_23:
0x132: {  	s0 =	sadd.s32 s3, s5  }
0x133: {  	s3 =	sshrl.u32 s0, $0x2  }
.LBB2_24:
0x134: {  	s0 =	simm.s32 $0x5  }
0x135: {  	_ =	swait.ge [sflag:s0], s3  }
0x136: {  	s1 =	ssub.s32 $0x0, s3;
	[sflag:s0] =	ssyncset.done $0x0  }
0x137: {  	[sflag:s0] =	ssyncadd.s32 s1  }
0x138: {  	[sflag:s0] =	ssyncpa.u1 $0x1  }
0x139: {  	s29 =	simm.s32 $0x1;
	_ =	sfence  }
0x13a: {  	s30 =	simm.s32 $0x2;
	[sflag:s29] =	ssyncpa.u1 $0x1  }
0x13b: {  	[sflag:s30] =	ssyncpa.u1 $0x1  }
0x13c: {  	_ =	strace $0x90000050  }
0x13d: {  	[bflag:$0x2] =	sbarrier.arrive $0xFFFF  }
0x13e: {  	s31 =	rddreg [dreg:$0x1]  }
0x13f: {  	s0 =	sadd.s32 $0x100000, s31  }
0x140: {  	[sflag:s0] =	ssyncadd.tile.s32 $0x1;
	_ =	shalt  }
.Lfunc_end2:
_tile_overlayer_lowered:
.L_overlay_start_2:
0x141: {  	(tag) =	ssettag $0x2  }
0x142: {  	s0 =	rddreg [dreg:$0x0];
	s2 =	stileid.u32  }
0x143: {  	s1 =	rddreg [dreg:$0x1];
	p0 =	sne.s32 s2, $0x0  }
0x144: {  	s3 =	rddreg [dreg:$0x2];
	[bflag:$0x3] =	sbarrier.arrive $0xFFFF;
	s2 =	simm.s32 @!p0 $0x1C01  }
0x145: {  	[timem:s3], [sflag:s2] =	dma.local @!p0 [hbm:s0], s1  }
0x146: {  	s0 =	simm.s32 @!p0 $0x1  }
0x147: {  	_ =	swait.ge @!p0 [sflag:s0], s1  }
0x148: {  	s1 =	ssub.s32 @!p0 $0x0, s1;
	[sflag:s0] =	ssyncset.done @!p0 $0x0  }
0x149: {  	[sflag:s0] =	ssyncadd.s32 @!p0 s1  }
0x14a: {  	[bflag:$0x3] =	sbarrier.arrive $0xFFFF  }
0x14b: {  	_ =	shalt  }

// kernel: scatter_offload_async_start.3
scs
__scs_entry_jumppad:
0x0: {  	(pc) =	sbr.rel $0x88, $3  }
0x1: {  	(tag) =	ssettag $0x0;
	lr =	simm.s32 $0x1  }
0x2: {  	[smem:$0x3F97] =	sst lr;
	_ =	strace $0xD0000000  }
0x3: {  	_ = 	snop  }
0x4: {  	_ = 	snop  }
0x5: {  	_ = 	snop  }
0x6: {  	_ = 	snop  }
0x7: {  	_ = 	snop  }
__scs_overlays_trampoline_lowered:
0x8: {  	[smem:$0x3FA6] =	sst s0  }
0x9: {  	[smem:$0x3FA7] =	sst s1  }
0xa: {  	[smem:$0x3FA8] =	sst s2  }
0xb: {  	[smem:$0x3FA9] =	sst s3  }
0xc: {  	[smem:$0x3FAA] =	sst s4  }
0xd: {  	[smem:$0x3FAB] =	sst s5  }
0xe: {  	[smem:$0x3FAC] =	sst s6  }
0xf: {  	[smem:$0x3FAD] =	sst s7  }
0x10: {  	[smem:$0x3FAE] =	sst s8  }
0x11: {  	[smem:$0x3FAF] =	sst s9;
	s0 =	simm.s32 @!p0 $0x0  }
0x12: {  	s1 =	sld [smem:$0x3F95];
	s0 =	simm.s32 @p0 $0x1  }
0x13: {  	[smem:$0x3FB0] =	sst s0;
	s0 =	simm.s32 @!p1 $0x0  }
0x14: {  	s2 =	sld [smem:$0x3F94];
	s0 =	simm.s32 @p1 $0x1  }
0x15: {  	[smem:$0x3FB1] =	sst s0;
	s0 =	simm.s32 @!p2 $0x0  }
0x16: {  	s3 =	sld [smem:$0x3FDB];
	s0 =	simm.s32 @p2 $0x1  }
0x17: {  	s4 =	simm.s32 $0x1BF5;
	[smem:$0x3FB3] =	sst s0  }
0x18: {  	s0 =	sld [smem:$0x3F96];
	_ =	swait.ge [sflag:s4], $0x0  }
0x19: {  	s7 =	sld [smem:$0x3F97]  }
0x1a: {  	s8 =	sadd.s32 $0xFFFFE003, lr  }
0x1b: {  	s9 =	sadd.s32 $0xFFFFFEF7, lr;
	s5 =	simm.s32 $0xFFFFFFFF;
	p2 =	slt.u32 s8, $0xFFFFF086  }
0x1c: {  	p1 =	slt.u32 s9, $0xF7A;
	s5 =	simm.s32 @!p2 $0x0  }
0x1d: {  	s5 =	simm.s32 @p1 $0x1;
	p0 =	seq.s32 s7, s2  }
0x1e: {  	s7 =	smul.u32 @!p0 $0xF7A, s2;
	p2 =	seq.s32 @!p0 s5, $0x0  }
0x1f: {  	s9 =	smul.u32 $0xF7A, s1;
	s8 =	simm.s32 @!p0 $0x1BF5;
	p2 =	por !p2, p0  }
0x20: {  	[sflag:s8] =	ssyncset.s32 @!p0 $0xFFFFF086;
	s6 =	sadd.s32 @!p0 s3, s7;
	s7 =	simm.s32 @!p0 $0x108  }
0x21: {  	s3 =	sadd.s32 s3, s9;
	s6 =	sadd.s32 @!p0 $0x88, s6;
	s7 =	simm.s32 @p2 $0x1082  }
0x22: {  	[simem:s7], [sflag:s8] =	dma.local @!p0 [hbm:s6], $0xF7A  }
0x23: {  	s9 =	sor.u32 $0xD0000000, s2;
	s6 =	simm.s32 $0x108;
	_ =	swait.ge @!p0 [sflag:s8], $0x0  }
0x24: {  	s3 =	sadd.s32 $0x88, s3;
	s6 =	simm.s32 @!p1 $0x1082;
	[sflag:s4] =	ssyncset.s32 $0xFFFFF086  }
0x25: {  	[simem:s6], [sflag:s4] =	dma.local [hbm:s3], $0xF7A  }
0x26: {  	[smem:$0x3F97] =	sst s1;
	(tag) =	ssettag s2;
	_ =	strace s9  }
0x27: {  	s1 =	sld [smem:$0x3FA7]  }
0x28: {  	s2 =	sld [smem:$0x3FA8]  }
0x29: {  	s4 =	sld [smem:$0x3FAA]  }
0x2a: {  	p0 =	seq.s32 s5, $0x0;
	s5 =	sld [smem:$0x3FAB]  }
0x2b: {  	s6 =	sld [smem:$0x3FAC]  }
0x2c: {  	s7 =	sld [smem:$0x3FAD]  }
0x2d: {  	s3 =	simm.s32 $0x108;
	s8 =	sld [smem:$0x3FAE]  }
0x2e: {  	s3 =	simm.s32 @!p0 $0x1082;
	s9 =	sld [smem:$0x3FAF]  }
0x2f: {  	lr =	sadd.s32 s0, s3;
	s0 =	sld [smem:$0x3FA6]  }
0x30: {  	s3 =	sld [smem:$0x3FA9]  }
0x31: {  	[smem:$0x3FB2] =	sst s10  }
0x32: {  	s10 =	sld [smem:$0x3FB0];
	_ =	sdelay $0x3  }
0x33: {  	p0 =	seq.s32 s10, $0x1;
	s10 =	sld [smem:$0x3FB2];
	_ =	sdelay $0x3  }
0x34: {  	[smem:$0x3FB2] =	sst s10  }
0x35: {  	s10 =	sld [smem:$0x3FB1];
	_ =	sdelay $0x3  }
0x36: {  	p1 =	seq.s32 s10, $0x1;
	s10 =	sld [smem:$0x3FB2];
	_ =	sdelay $0x3  }
0x37: {  	[smem:$0x3FB2] =	sst s10  }
0x38: {  	s10 =	sld [smem:$0x3FB3]  }
0x39: {  	_ = 	snop;
	(pc) =	sbr.ind lr, $3  }
0x3a: {  	_ = 	snop  }
0x3b: {  	_ = 	snop  }
0x3c: {  	p2 =	seq.s32 s10, $0x1;
	s10 =	sld [smem:$0x3FB2]  }
0x3d: {  	_ =	shalt  }
0x3e: {  	_ =	shalt  }
0x3f: {  	_ =	shalt  }
0x40: {  	_ =	shalt  }
0x41: {  	_ =	shalt  }
0x42: {  	_ =	shalt  }
0x43: {  	_ =	shalt  }
0x44: {  	_ =	shalt  }
0x45: {  	_ =	shalt  }
0x46: {  	_ =	shalt  }
0x47: {  	_ =	shalt  }
0x48: {  	_ =	shalt  }
0x49: {  	_ =	shalt  }
0x4a: {  	_ =	shalt  }
0x4b: {  	_ =	shalt  }
0x4c: {  	_ =	shalt  }
0x4d: {  	_ =	shalt  }
0x4e: {  	_ =	shalt  }
0x4f: {  	_ =	shalt  }
0x50: {  	_ =	shalt  }
0x51: {  	_ =	shalt  }
0x52: {  	_ =	shalt  }
0x53: {  	_ =	shalt  }
0x54: {  	_ =	shalt  }
0x55: {  	_ =	shalt  }
0x56: {  	_ =	shalt  }
0x57: {  	_ =	shalt  }
0x58: {  	_ =	shalt  }
0x59: {  	_ =	shalt  }
0x5a: {  	_ =	shalt  }
0x5b: {  	_ =	shalt  }
0x5c: {  	_ =	shalt  }
0x5d: {  	_ =	shalt  }
0x5e: {  	_ =	shalt  }
0x5f: {  	_ =	shalt  }
0x60: {  	_ =	shalt  }
0x61: {  	_ =	shalt  }
0x62: {  	_ =	shalt  }
0x63: {  	_ =	shalt  }
0x64: {  	_ =	shalt  }
0x65: {  	_ =	shalt  }
0x66: {  	_ =	shalt  }
0x67: {  	_ =	shalt  }
0x68: {  	_ =	shalt  }
0x69: {  	_ =	shalt  }
0x6a: {  	_ =	shalt  }
0x6b: {  	_ =	shalt  }
0x6c: {  	_ =	shalt  }
0x6d: {  	_ =	shalt  }
0x6e: {  	_ =	shalt  }
0x6f: {  	_ =	shalt  }
0x70: {  	_ =	shalt  }
0x71: {  	_ =	shalt  }
0x72: {  	_ =	shalt  }
0x73: {  	_ =	shalt  }
0x74: {  	_ =	shalt  }
0x75: {  	_ =	shalt  }
0x76: {  	_ =	shalt  }
0x77: {  	_ =	shalt  }
0x78: {  	_ =	shalt  }
0x79: {  	_ =	shalt  }
0x7a: {  	_ =	shalt  }
0x7b: {  	_ =	shalt  }
0x7c: {  	_ =	shalt  }
0x7d: {  	_ =	shalt  }
0x7e: {  	_ =	shalt  }
0x7f: {  	_ =	shalt  }
0x80: {  	_ =	shalt  }
0x81: {  	_ =	shalt  }
0x82: {  	_ =	shalt  }
0x83: {  	_ =	shalt  }
0x84: {  	_ =	shalt  }
0x85: {  	_ =	shalt  }
0x86: {  	_ =	shalt  }
0x87: {  	_ =	shalt  }
.Lfunc_end0:
.L_simem_size_0:
called_computation.3_lowered:
.L_overlay_start_0:
0x88: {  	s0 =	sld [smem:$0x3FD9]  }
0x89: {  	s1 =	sld [smem:$0x3FFE];
	_ =	sdelay $0x3  }
0x8a: {  	s0 =	sadd.s32 s1, s0  }
0x8b: {  	[smem:$0x3FBE] =	sst s0  }
0x8c: {  	_ = 	snop  }
0x8d: {  	s0 =	sld [smem:$0x3FD0];
	(tm) =	ssettm $0x1  }
0x8e: {  	s16 =	sld [smem:$0x3FFB];
	_ =	sdelay $0x3  }
0x8f: {  	_ =	strace s16  }
0x90: {  	s1 =	sld [smem:$0x3FFC];
	_ =	sdelay $0x3  }
0x91: {  	_ =	strace s1  }
0x92: {  	s1 =	sld [smem:$0x3FFD];
	_ =	sdelay $0x3  }
0x93: {  	_ =	strace s1  }
0x94: {  	_ =	strace $0x8FFFFFFF  }
0x95: {  	s17 =	sld [smem:$0x3FDB];
	_ =	sdelay $0x1  }
0x96: {  	s2 =	simm.s32 $_scs_section_size  }
0x97: {  	s3 =	simm.s32 $_size__tile_overlayer_lowered;
	s4 =	simm.s32 $_tile_overlayer_lowered  }
0x98: {  	s20 =	simm.s32 $0x1BFF;
	s19 =	sshll.u32 s4, $0x1;
	s1 =	sadd.s32 s2, s17  }
0x99: {  	s5 =	simm.s32 $0x0;
	s18 =	sshll.u32 s3, $0x1;
	s3 =	sadd.s32 s19, s1  }
0x9a: {  	[timem:s5], [sflag:s20] =	dma.local [hbm:s3], s18  }
0x9b: {  	_ =	swait.ge [sflag:s20], s18  }
0x9c: {  	s2 =	ssub.s32 $0x0, s18;
	[sflag:s20] =	ssyncset.done $0x0  }
0x9d: {  	[sflag:s20] =	ssyncadd.s32 s2;
	_ =	sdelay $0x1  }
0x9e: {  	s21 =	simm.s32 $0x1B8B  }
0x9f: {  	_ =	swait.ge [sflag:s21], $0x1  }
0xa0: {  	[sflag:s21] =	ssyncset.done $0x0  }
0xa1: {  	s23 =	simm.s32 $0x1B8E;
	s22 =	sld [smem:$0x3FFE];
	[sflag:s21] =	ssyncadd.s32 $0xFFFFFFFF  }
0xa2: {  	s24 =	simm.s32 $execute0_lowered;
	[smem:$0x3FD2] =	sst s23  }
0xa3: {  	s3 =	sshll.u32 s24, $0x1;
	_ =	strace $0x80000052;
	[dreg:$0x1] =	wrdreg $0xFFFFFFFF  }
0xa4: {  	s25 =	simm.s32 $_size_execute0_lowered;
	s1 =	sadd.s32 s1, s3;
	[dreg:$0x0] =	wrdreg $0x0  }
0xa5: {  	s3 =	sshll.u32 s25, $0x1;
	[dreg:$0x2] =	wrdreg s1  }
0xa6: {  	[dreg:$0x3] =	wrdreg s3  }
0xa7: {  	[dreg:$0x4] =	wrdreg $0xC0  }
0xa8: {  	_ =	task [dreg:s5], $0x5FFFF  }
0xa9: {  	[dreg:$0x1] =	wrdreg $0xFFFFFFFF  }
0xaa: {  	[dreg:$0x0] =	wrdreg $0x60  }
0xab: {  	[dreg:$0x2] =	wrdreg s22  }
0xac: {  	[dreg:$0x3] =	wrdreg s0  }
0xad: {  	[dreg:$0x4] =	wrdreg $0x9  }
0xae: {  	_ =	task.clear_ibuf [dreg:s5], $0x5FFFF;
	_ =	strace $0x90000052  }
0xaf: {  	s26 =	simm.s32 $0x9;
	_ =	strace $0x80000054  }
0xb0: {  	_ =	swait.ge [sflag:s26], $0x1  }
0xb1: {  	[sflag:s26] =	ssyncadd.s32 $0xFFFFFFFF  }
0xb2: {  	_ =	strace $0x90000054  }
0xb3: {  	_ =	sfence  }
0xb4: {  	s28 =	sld [smem:$0x0];
	_ =	sdelay $0x1  }
0xb5: {  	s29 =	srdreg.scid  }
0xb6: {  	s30 =	sshll.u32 s29, $0xD;
	s31 =	sshrl.u32 s29, $0x2  }
0xb7: {  	s2 =	sand.u32 $0x4000, s30;
	s1 =	sand.u32 $0x1, s29;
	s0 =	sadd.s32 s31, s28  }
0xb8: {  	s1 =	sor.u32 s2, s1;
	s0 =	sshll.u32 s0, $0x11  }
0xb9: {  	s0 =	sor.u32 s0, s1  }
0xba: {  	s0 =	sadd.s32 $0x8F2B, s0  }
0xbb: {  	[sflag:s0] =	ssyncadd.remote.s32 $0x1  }
0xbc: {  	_ =	sfence.sel $0xFFFF  }
0xbd: {  	[dreg:$0x0] =	wrdreg $0xFFFFFFFF;
	(pc) =	sbr.abs _section_cstart, $3  }
0xbe: {  	[dreg:$0x1] =	wrdreg $0xFFFFFFFF  }
0xbf: {  	_ =	task.clear_ibuf [dreg:s5], $0x2FFFF;
	_ =	strace $0x9FFFFFFF  }
0xc0: {  	(tm) =	ssettm $0x7FFFFFFF  }
0xc1: {  	_ =	shalt  }
tec
execute0_lowered:
.L_overlay_start_1:
0x0: {  	(tag) =	ssettag $0x1  }
0x1: {  	s3 =	rddreg [dreg:$0x0]  }
0x2: {  	s8 =	rddreg [dreg:$0x1];
	_ =	strace $0x80000053;
	s2 =	simm.s32 $0x1  }
0x3: {  	v0 =	vimm.s32 $0x0;
	[sflag:s2] =	ssyncpa.u1 $0x0  }
0x4: {  	[tilespmem:$0x68] =	vst v0  }
0x5: {  	[tilespmem:$0x78] =	vst v0  }
0x6: {  	[tilespmem:$0x88] =	vst v0  }
0x7: {  	[tilespmem:$0x98] =	vst v0  }
0x8: {  	[tilespmem:$0xA8] =	vst v0  }
0x9: {  	[tilespmem:$0xB8] =	vst v0  }
0xa: {  	[tilespmem:$0xC8] =	vst v0  }
0xb: {  	[tilespmem:$0xD8] =	vst v0  }
0xc: {  	[tilespmem:$0xE8] =	vst v0  }
0xd: {  	[tilespmem:$0xF8] =	vst v0  }
0xe: {  	[tilespmem:$0x108] =	vst v0  }
0xf: {  	[tilespmem:$0x118] =	vst v0  }
0x10: {  	[tilespmem:$0x128] =	vst v0  }
0x11: {  	[tilespmem:$0x138] =	vst v0  }
0x12: {  	[tilespmem:$0x148] =	vst v0  }
0x13: {  	[tilespmem:$0x158] =	vst v0  }
0x14: {  	[tilespmem:$0x168] =	vst v0  }
0x15: {  	[tilespmem:$0x178] =	vst v0  }
0x16: {  	[tilespmem:$0x188] =	vst v0  }
0x17: {  	[tilespmem:$0x198] =	vst v0  }
0x18: {  	[tilespmem:$0x1A8] =	vst v0  }
0x19: {  	[tilespmem:$0x1B8] =	vst v0  }
0x1a: {  	[tilespmem:$0x1C8] =	vst v0  }
0x1b: {  	[tilespmem:$0x1D8] =	vst v0  }
0x1c: {  	[tilespmem:$0x1E8] =	vst v0  }
0x1d: {  	[tilespmem:$0x1F8] =	vst v0  }
0x1e: {  	[tilespmem:$0x208] =	vst v0  }
0x1f: {  	[tilespmem:$0x218] =	vst v0  }
0x20: {  	[tilespmem:$0x228] =	vst v0  }
0x21: {  	[tilespmem:$0x238] =	vst v0  }
0x22: {  	[tilespmem:$0x248] =	vst v0  }
0x23: {  	[tilespmem:$0x258] =	vst v0  }
0x24: {  	[tilespmem:$0x268] =	vst v0  }
0x25: {  	[tilespmem:$0x278] =	vst v0  }
0x26: {  	[tilespmem:$0x288] =	vst v0  }
0x27: {  	[tilespmem:$0x298] =	vst v0  }
0x28: {  	[tilespmem:$0x2A8] =	vst v0  }
0x29: {  	[tilespmem:$0x2B8] =	vst v0  }
0x2a: {  	[tilespmem:$0x2C8] =	vst v0  }
0x2b: {  	[tilespmem:$0x2D8] =	vst v0  }
0x2c: {  	[tilespmem:$0x2E8] =	vst v0  }
0x2d: {  	[tilespmem:$0x2F8] =	vst v0  }
0x2e: {  	[tilespmem:$0x308] =	vst v0  }
0x2f: {  	[tilespmem:$0x318] =	vst v0  }
0x30: {  	[tilespmem:$0x328] =	vst v0  }
0x31: {  	[tilespmem:$0x338] =	vst v0  }
0x32: {  	[tilespmem:$0x348] =	vst v0  }
0x33: {  	[tilespmem:$0x358] =	vst v0  }
0x34: {  	[tilespmem:$0x368] =	vst v0  }
0x35: {  	[tilespmem:$0x378] =	vst v0  }
0x36: {  	[tilespmem:$0x388] =	vst v0  }
0x37: {  	[tilespmem:$0x398] =	vst v0  }
0x38: {  	[tilespmem:$0x3A8] =	vst v0  }
0x39: {  	[tilespmem:$0x3B8] =	vst v0  }
0x3a: {  	[tilespmem:$0x3C8] =	vst v0  }
0x3b: {  	[tilespmem:$0x3D8] =	vst v0  }
0x3c: {  	[tilespmem:$0x3E8] =	vst v0  }
0x3d: {  	[tilespmem:$0x3F8] =	vst v0  }
0x3e: {  	[tilespmem:$0x408] =	vst v0  }
0x3f: {  	[tilespmem:$0x418] =	vst v0  }
0x40: {  	[tilespmem:$0x428] =	vst v0  }
0x41: {  	[tilespmem:$0x438] =	vst v0  }
0x42: {  	[tilespmem:$0x448] =	vst v0  }
0x43: {  	[tilespmem:$0x458] =	vst v0  }
0x44: {  	[tilespmem:$0x468] =	vst v0  }
0x45: {  	[tilespmem:$0x478] =	vst v0  }
0x46: {  	[tilespmem:$0x488] =	vst v0  }
0x47: {  	[tilespmem:$0x498] =	vst v0  }
0x48: {  	[tilespmem:$0x4A8] =	vst v0  }
0x49: {  	[tilespmem:$0x4B8] =	vst v0  }
0x4a: {  	[tilespmem:$0x4C8] =	vst v0  }
0x4b: {  	[tilespmem:$0x4D8] =	vst v0  }
0x4c: {  	[tilespmem:$0x4E8] =	vst v0  }
0x4d: {  	[tilespmem:$0x4F8] =	vst v0  }
0x4e: {  	[tilespmem:$0x508] =	vst v0  }
0x4f: {  	[tilespmem:$0x518] =	vst v0  }
0x50: {  	[tilespmem:$0x528] =	vst v0  }
0x51: {  	[tilespmem:$0x538] =	vst v0  }
0x52: {  	[tilespmem:$0x548] =	vst v0  }
0x53: {  	[tilespmem:$0x558] =	vst v0  }
0x54: {  	[tilespmem:$0x568] =	vst v0  }
0x55: {  	[tilespmem:$0x578] =	vst v0  }
0x56: {  	[tilespmem:$0x588] =	vst v0  }
0x57: {  	[tilespmem:$0x598] =	vst v0  }
0x58: {  	[tilespmem:$0x5A8] =	vst v0  }
0x59: {  	[tilespmem:$0x5B8] =	vst v0  }
0x5a: {  	[tilespmem:$0x5C8] =	vst v0  }
0x5b: {  	[tilespmem:$0x5D8] =	vst v0  }
0x5c: {  	[tilespmem:$0x5E8] =	vst v0  }
0x5d: {  	[tilespmem:$0x5F8] =	vst v0  }
0x5e: {  	[tilespmem:$0x608] =	vst v0  }
0x5f: {  	[tilespmem:$0x618] =	vst v0  }
0x60: {  	[tilespmem:$0x628] =	vst v0  }
0x61: {  	[tilespmem:$0x638] =	vst v0  }
0x62: {  	[tilespmem:$0x648] =	vst v0  }
0x63: {  	[tilespmem:$0x658] =	vst v0  }
0x64: {  	[tilespmem:$0x668] =	vst v0  }
0x65: {  	[tilespmem:$0x678] =	vst v0  }
0x66: {  	[tilespmem:$0x688] =	vst v0  }
0x67: {  	[tilespmem:$0x698] =	vst v0  }
0x68: {  	[tilespmem:$0x6A8] =	vst v0  }
0x69: {  	[tilespmem:$0x6B8] =	vst v0  }
0x6a: {  	[tilespmem:$0x6C8] =	vst v0  }
0x6b: {  	[tilespmem:$0x6D8] =	vst v0  }
0x6c: {  	[tilespmem:$0x6E8] =	vst v0  }
0x6d: {  	[tilespmem:$0x6F8] =	vst v0  }
0x6e: {  	[tilespmem:$0x708] =	vst v0  }
0x6f: {  	[tilespmem:$0x718] =	vst v0  }
0x70: {  	[tilespmem:$0x728] =	vst v0  }
0x71: {  	[tilespmem:$0x738] =	vst v0  }
0x72: {  	[tilespmem:$0x748] =	vst v0  }
0x73: {  	[tilespmem:$0x758] =	vst v0  }
0x74: {  	[tilespmem:$0x768] =	vst v0  }
0x75: {  	[tilespmem:$0x778] =	vst v0  }
0x76: {  	[tilespmem:$0x788] =	vst v0  }
0x77: {  	[tilespmem:$0x798] =	vst v0  }
0x78: {  	[tilespmem:$0x7A8] =	vst v0  }
0x79: {  	[tilespmem:$0x7B8] =	vst v0  }
0x7a: {  	[tilespmem:$0x7C8] =	vst v0  }
0x7b: {  	[tilespmem:$0x7D8] =	vst v0  }
0x7c: {  	[tilespmem:$0x7E8] =	vst v0  }
0x7d: {  	[tilespmem:$0x7F8] =	vst v0  }
0x7e: {  	[tilespmem:$0x808] =	vst v0  }
0x7f: {  	[tilespmem:$0x818] =	vst v0  }
0x80: {  	[tilespmem:$0x828] =	vst v0  }
0x81: {  	[tilespmem:$0x838] =	vst v0  }
0x82: {  	[tilespmem:$0x848] =	vst v0  }
0x83: {  	[tilespmem:$0x858] =	vst v0  }
0x84: {  	[tilespmem:$0x868] =	vst v0  }
0x85: {  	[tilespmem:$0x878] =	vst v0  }
0x86: {  	[tilespmem:$0x888] =	vst v0  }
0x87: {  	[tilespmem:$0x898] =	vst v0  }
0x88: {  	[tilespmem:$0x8A8] =	vst v0  }
0x89: {  	[tilespmem:$0x8B8] =	vst v0  }
0x8a: {  	[tilespmem:$0x8C8] =	vst v0  }
0x8b: {  	[tilespmem:$0x8D8] =	vst v0  }
0x8c: {  	[tilespmem:$0x8E8] =	vst v0  }
0x8d: {  	[tilespmem:$0x8F8] =	vst v0  }
0x8e: {  	[tilespmem:$0x908] =	vst v0  }
0x8f: {  	[tilespmem:$0x918] =	vst v0  }
0x90: {  	[tilespmem:$0x928] =	vst v0  }
0x91: {  	[tilespmem:$0x938] =	vst v0  }
0x92: {  	[tilespmem:$0x948] =	vst v0  }
0x93: {  	[tilespmem:$0x958] =	vst v0  }
0x94: {  	[tilespmem:$0x968] =	vst v0  }
0x95: {  	[tilespmem:$0x978] =	vst v0  }
0x96: {  	[tilespmem:$0x988] =	vst v0  }
0x97: {  	[tilespmem:$0x998] =	vst v0  }
0x98: {  	[tilespmem:$0x9A8] =	vst v0  }
0x99: {  	[tilespmem:$0x9B8] =	vst v0  }
0x9a: {  	[tilespmem:$0x9C8] =	vst v0  }
0x9b: {  	[tilespmem:$0x9D8] =	vst v0  }
0x9c: {  	[tilespmem:$0x9E8] =	vst v0  }
0x9d: {  	[tilespmem:$0x9F8] =	vst v0  }
0x9e: {  	[tilespmem:$0xA08] =	vst v0  }
0x9f: {  	[tilespmem:$0xA18] =	vst v0  }
0xa0: {  	[tilespmem:$0xA28] =	vst v0  }
0xa1: {  	[tilespmem:$0xA38] =	vst v0  }
0xa2: {  	[tilespmem:$0xA48] =	vst v0  }
0xa3: {  	[tilespmem:$0xA58] =	vst v0  }
0xa4: {  	[tilespmem:$0xA68] =	vst v0  }
0xa5: {  	[tilespmem:$0xA78] =	vst v0  }
0xa6: {  	[tilespmem:$0xA88] =	vst v0  }
0xa7: {  	[tilespmem:$0xA98] =	vst v0  }
0xa8: {  	[tilespmem:$0xAA8] =	vst v0  }
0xa9: {  	[tilespmem:$0xAB8] =	vst v0  }
0xaa: {  	[tilespmem:$0xAC8] =	vst v0  }
0xab: {  	[tilespmem:$0xAD8] =	vst v0  }
0xac: {  	[tilespmem:$0xAE8] =	vst v0  }
0xad: {  	[tilespmem:$0xAF8] =	vst v0  }
0xae: {  	[tilespmem:$0xB08] =	vst v0  }
0xaf: {  	[tilespmem:$0xB18] =	vst v0  }
0xb0: {  	[tilespmem:$0xB28] =	vst v0  }
0xb1: {  	[tilespmem:$0xB38] =	vst v0  }
0xb2: {  	[tilespmem:$0xB48] =	vst v0  }
0xb3: {  	[tilespmem:$0xB58] =	vst v0  }
0xb4: {  	[tilespmem:$0xB68] =	vst v0  }
0xb5: {  	[tilespmem:$0xB78] =	vst v0  }
0xb6: {  	[tilespmem:$0xB88] =	vst v0  }
0xb7: {  	[tilespmem:$0xB98] =	vst v0  }
0xb8: {  	[tilespmem:$0xBA8] =	vst v0  }
0xb9: {  	[tilespmem:$0xBB8] =	vst v0  }
0xba: {  	[tilespmem:$0xBC8] =	vst v0  }
0xbb: {  	[tilespmem:$0xBD8] =	vst v0  }
0xbc: {  	[tilespmem:$0xBE8] =	vst v0  }
0xbd: {  	[tilespmem:$0xBF8] =	vst v0  }
0xbe: {  	[tilespmem:$0xC08] =	vst v0  }
0xbf: {  	[tilespmem:$0xC18] =	vst v0  }
0xc0: {  	[tilespmem:$0xC28] =	vst v0  }
0xc1: {  	[tilespmem:$0xC38] =	vst v0  }
0xc2: {  	[tilespmem:$0xC48] =	vst v0  }
0xc3: {  	[tilespmem:$0xC58] =	vst v0  }
0xc4: {  	[tilespmem:$0xC68] =	vst v0  }
0xc5: {  	[tilespmem:$0xC78] =	vst v0  }
0xc6: {  	[tilespmem:$0xC88] =	vst v0  }
0xc7: {  	[tilespmem:$0xC98] =	vst v0  }
0xc8: {  	[tilespmem:$0xCA8] =	vst v0  }
0xc9: {  	[tilespmem:$0xCB8] =	vst v0  }
0xca: {  	[tilespmem:$0xCC8] =	vst v0  }
0xcb: {  	[tilespmem:$0xCD8] =	vst v0  }
0xcc: {  	[tilespmem:$0xCE8] =	vst v0  }
0xcd: {  	[tilespmem:$0xCF8] =	vst v0  }
0xce: {  	[tilespmem:$0xD08] =	vst v0  }
0xcf: {  	[tilespmem:$0xD18] =	vst v0  }
0xd0: {  	[tilespmem:$0xD28] =	vst v0  }
0xd1: {  	[tilespmem:$0xD38] =	vst v0  }
0xd2: {  	[tilespmem:$0xD48] =	vst v0  }
0xd3: {  	[tilespmem:$0xD58] =	vst v0  }
0xd4: {  	[tilespmem:$0xD68] =	vst v0  }
0xd5: {  	[tilespmem:$0xD78] =	vst v0  }
0xd6: {  	[tilespmem:$0xD88] =	vst v0  }
0xd7: {  	[tilespmem:$0xD98] =	vst v0  }
0xd8: {  	[tilespmem:$0xDA8] =	vst v0  }
0xd9: {  	[tilespmem:$0xDB8] =	vst v0  }
0xda: {  	[tilespmem:$0xDC8] =	vst v0  }
0xdb: {  	[tilespmem:$0xDD8] =	vst v0  }
0xdc: {  	[tilespmem:$0xDE8] =	vst v0  }
0xdd: {  	[tilespmem:$0xDF8] =	vst v0  }
0xde: {  	[tilespmem:$0xE08] =	vst v0  }
0xdf: {  	[tilespmem:$0xE18] =	vst v0  }
0xe0: {  	[tilespmem:$0xE28] =	vst v0  }
0xe1: {  	[tilespmem:$0xE38] =	vst v0  }
0xe2: {  	[tilespmem:$0xE48] =	vst v0  }
0xe3: {  	[tilespmem:$0xE58] =	vst v0  }
0xe4: {  	[tilespmem:$0xE68] =	vst v0  }
0xe5: {  	[tilespmem:$0xE78] =	vst v0  }
0xe6: {  	[tilespmem:$0xE88] =	vst v0  }
0xe7: {  	[tilespmem:$0xE98] =	vst v0  }
0xe8: {  	[tilespmem:$0xEA8] =	vst v0  }
0xe9: {  	[tilespmem:$0xEB8] =	vst v0  }
0xea: {  	[tilespmem:$0xEC8] =	vst v0  }
0xeb: {  	[tilespmem:$0xED8] =	vst v0  }
0xec: {  	[tilespmem:$0xEE8] =	vst v0  }
0xed: {  	[tilespmem:$0xEF8] =	vst v0  }
0xee: {  	[tilespmem:$0xF08] =	vst v0  }
0xef: {  	[tilespmem:$0xF18] =	vst v0  }
0xf0: {  	[tilespmem:$0xF28] =	vst v0  }
0xf1: {  	[tilespmem:$0xF38] =	vst v0  }
0xf2: {  	[tilespmem:$0xF48] =	vst v0  }
0xf3: {  	[tilespmem:$0xF58] =	vst v0  }
0xf4: {  	[tilespmem:$0xF68] =	vst v0  }
0xf5: {  	[tilespmem:$0xF78] =	vst v0  }
0xf6: {  	[tilespmem:$0xF88] =	vst v0  }
0xf7: {  	[tilespmem:$0xF98] =	vst v0  }
0xf8: {  	[tilespmem:$0xFA8] =	vst v0  }
0xf9: {  	[tilespmem:$0xFB8] =	vst v0  }
0xfa: {  	[tilespmem:$0xFC8] =	vst v0  }
0xfb: {  	[tilespmem:$0xFD8] =	vst v0  }
0xfc: {  	[tilespmem:$0xFE8] =	vst v0  }
0xfd: {  	[tilespmem:$0xFF8] =	vst v0  }
0xfe: {  	[tilespmem:$0x1008] =	vst v0  }
0xff: {  	[tilespmem:$0x1018] =	vst v0  }
0x100: {  	[tilespmem:$0x1028] =	vst v0  }
0x101: {  	[tilespmem:$0x1038] =	vst v0  }
0x102: {  	[tilespmem:$0x1048] =	vst v0  }
0x103: {  	[tilespmem:$0x1058] =	vst v0  }
0x104: {  	[tilespmem:$0x1068] =	vst v0  }
0x105: {  	[tilespmem:$0x1078] =	vst v0  }
0x106: {  	[tilespmem:$0x1088] =	vst v0  }
0x107: {  	[tilespmem:$0x1098] =	vst v0  }
0x108: {  	[tilespmem:$0x10A8] =	vst v0  }
0x109: {  	[tilespmem:$0x10B8] =	vst v0  }
0x10a: {  	[tilespmem:$0x10C8] =	vst v0  }
0x10b: {  	[tilespmem:$0x10D8] =	vst v0  }
0x10c: {  	[tilespmem:$0x10E8] =	vst v0  }
0x10d: {  	[tilespmem:$0x10F8] =	vst v0  }
0x10e: {  	[tilespmem:$0x1108] =	vst v0  }
0x10f: {  	[tilespmem:$0x1118] =	vst v0  }
0x110: {  	[tilespmem:$0x1128] =	vst v0  }
0x111: {  	[tilespmem:$0x1138] =	vst v0  }
0x112: {  	[tilespmem:$0x1148] =	vst v0  }
0x113: {  	[tilespmem:$0x1158] =	vst v0  }
0x114: {  	[tilespmem:$0x1168] =	vst v0  }
0x115: {  	[tilespmem:$0x1178] =	vst v0  }
0x116: {  	[tilespmem:$0x1188] =	vst v0  }
0x117: {  	[tilespmem:$0x1198] =	vst v0  }
0x118: {  	[tilespmem:$0x11A8] =	vst v0  }
0x119: {  	[tilespmem:$0x11B8] =	vst v0  }
0x11a: {  	[tilespmem:$0x11C8] =	vst v0  }
0x11b: {  	[tilespmem:$0x11D8] =	vst v0  }
0x11c: {  	[tilespmem:$0x11E8] =	vst v0  }
0x11d: {  	[tilespmem:$0x11F8] =	vst v0  }
0x11e: {  	[tilespmem:$0x1208] =	vst v0  }
0x11f: {  	[tilespmem:$0x1218] =	vst v0  }
0x120: {  	[tilespmem:$0x1228] =	vst v0  }
0x121: {  	[tilespmem:$0x1238] =	vst v0  }
0x122: {  	[tilespmem:$0x1248] =	vst v0  }
0x123: {  	[tilespmem:$0x1258] =	vst v0  }
0x124: {  	[tilespmem:$0x1268] =	vst v0  }
0x125: {  	[tilespmem:$0x1278] =	vst v0  }
0x126: {  	[tilespmem:$0x1288] =	vst v0  }
0x127: {  	[tilespmem:$0x1298] =	vst v0  }
0x128: {  	[tilespmem:$0x12A8] =	vst v0  }
0x129: {  	[tilespmem:$0x12B8] =	vst v0  }
0x12a: {  	[tilespmem:$0x12C8] =	vst v0  }
0x12b: {  	[tilespmem:$0x12D8] =	vst v0  }
0x12c: {  	[tilespmem:$0x12E8] =	vst v0  }
0x12d: {  	[tilespmem:$0x12F8] =	vst v0  }
0x12e: {  	[tilespmem:$0x1308] =	vst v0  }
0x12f: {  	[tilespmem:$0x1318] =	vst v0  }
0x130: {  	[tilespmem:$0x1328] =	vst v0  }
0x131: {  	[tilespmem:$0x1338] =	vst v0  }
0x132: {  	[tilespmem:$0x1348] =	vst v0  }
0x133: {  	[tilespmem:$0x1358] =	vst v0  }
0x134: {  	[tilespmem:$0x1368] =	vst v0  }
0x135: {  	[tilespmem:$0x1378] =	vst v0  }
0x136: {  	[tilespmem:$0x1388] =	vst v0  }
0x137: {  	[tilespmem:$0x1398] =	vst v0  }
0x138: {  	[tilespmem:$0x13A8] =	vst v0  }
0x139: {  	[tilespmem:$0x13B8] =	vst v0  }
0x13a: {  	[tilespmem:$0x13C8] =	vst v0  }
0x13b: {  	[tilespmem:$0x13D8] =	vst v0  }
0x13c: {  	[tilespmem:$0x13E8] =	vst v0  }
0x13d: {  	[tilespmem:$0x13F8] =	vst v0  }
0x13e: {  	[tilespmem:$0x1408] =	vst v0  }
0x13f: {  	[tilespmem:$0x1418] =	vst v0  }
0x140: {  	[tilespmem:$0x1428] =	vst v0  }
0x141: {  	[tilespmem:$0x1438] =	vst v0  }
0x142: {  	[tilespmem:$0x1448] =	vst v0  }
0x143: {  	[tilespmem:$0x1458] =	vst v0  }
0x144: {  	[tilespmem:$0x1468] =	vst v0  }
0x145: {  	[tilespmem:$0x1478] =	vst v0  }
0x146: {  	[tilespmem:$0x1488] =	vst v0  }
0x147: {  	[tilespmem:$0x1498] =	vst v0  }
0x148: {  	[tilespmem:$0x14A8] =	vst v0  }
0x149: {  	[tilespmem:$0x14B8] =	vst v0  }
0x14a: {  	[tilespmem:$0x14C8] =	vst v0  }
0x14b: {  	[tilespmem:$0x14D8] =	vst v0  }
0x14c: {  	[tilespmem:$0x14E8] =	vst v0  }
0x14d: {  	[tilespmem:$0x14F8] =	vst v0  }
0x14e: {  	[tilespmem:$0x1508] =	vst v0  }
0x14f: {  	[tilespmem:$0x1518] =	vst v0  }
0x150: {  	[tilespmem:$0x1528] =	vst v0  }
0x151: {  	[tilespmem:$0x1538] =	vst v0  }
0x152: {  	[tilespmem:$0x1548] =	vst v0  }
0x153: {  	[tilespmem:$0x1558] =	vst v0  }
0x154: {  	[tilespmem:$0x1568] =	vst v0  }
0x155: {  	[tilespmem:$0x1578] =	vst v0  }
0x156: {  	[tilespmem:$0x1588] =	vst v0  }
0x157: {  	[tilespmem:$0x1598] =	vst v0  }
0x158: {  	[tilespmem:$0x15A8] =	vst v0  }
0x159: {  	[tilespmem:$0x15B8] =	vst v0  }
0x15a: {  	[tilespmem:$0x15C8] =	vst v0  }
0x15b: {  	[tilespmem:$0x15D8] =	vst v0  }
0x15c: {  	[tilespmem:$0x15E8] =	vst v0  }
0x15d: {  	[tilespmem:$0x15F8] =	vst v0  }
0x15e: {  	[tilespmem:$0x1608] =	vst v0  }
0x15f: {  	[tilespmem:$0x1618] =	vst v0  }
0x160: {  	[tilespmem:$0x1628] =	vst v0  }
0x161: {  	[tilespmem:$0x1638] =	vst v0  }
0x162: {  	[tilespmem:$0x1648] =	vst v0  }
0x163: {  	[tilespmem:$0x1658] =	vst v0  }
0x164: {  	[tilespmem:$0x1668] =	vst v0  }
0x165: {  	[tilespmem:$0x1678] =	vst v0  }
0x166: {  	[tilespmem:$0x1688] =	vst v0  }
0x167: {  	[tilespmem:$0x1698] =	vst v0  }
0x168: {  	[tilespmem:$0x16A8] =	vst v0  }
0x169: {  	[tilespmem:$0x16B8] =	vst v0  }
0x16a: {  	[tilespmem:$0x16C8] =	vst v0  }
0x16b: {  	[tilespmem:$0x16D8] =	vst v0  }
0x16c: {  	[tilespmem:$0x16E8] =	vst v0  }
0x16d: {  	[tilespmem:$0x16F8] =	vst v0  }
0x16e: {  	[tilespmem:$0x1708] =	vst v0  }
0x16f: {  	[tilespmem:$0x1718] =	vst v0  }
0x170: {  	[tilespmem:$0x1728] =	vst v0  }
0x171: {  	[tilespmem:$0x1738] =	vst v0  }
0x172: {  	[tilespmem:$0x1748] =	vst v0  }
0x173: {  	[tilespmem:$0x1758] =	vst v0  }
0x174: {  	[tilespmem:$0x1768] =	vst v0  }
0x175: {  	[tilespmem:$0x1778] =	vst v0  }
0x176: {  	[tilespmem:$0x1788] =	vst v0  }
0x177: {  	[tilespmem:$0x1798] =	vst v0  }
0x178: {  	[tilespmem:$0x17A8] =	vst v0  }
0x179: {  	[tilespmem:$0x17B8] =	vst v0  }
0x17a: {  	[tilespmem:$0x17C8] =	vst v0  }
0x17b: {  	[tilespmem:$0x17D8] =	vst v0  }
0x17c: {  	[tilespmem:$0x17E8] =	vst v0  }
0x17d: {  	[tilespmem:$0x17F8] =	vst v0  }
0x17e: {  	[tilespmem:$0x1808] =	vst v0  }
0x17f: {  	[tilespmem:$0x1818] =	vst v0  }
0x180: {  	[tilespmem:$0x1828] =	vst v0  }
0x181: {  	[tilespmem:$0x1838] =	vst v0  }
0x182: {  	[tilespmem:$0x1848] =	vst v0  }
0x183: {  	[tilespmem:$0x1858] =	vst v0  }
0x184: {  	[tilespmem:$0x1868] =	vst v0  }
0x185: {  	[tilespmem:$0x1878] =	vst v0  }
0x186: {  	[tilespmem:$0x1888] =	vst v0  }
0x187: {  	[tilespmem:$0x1898] =	vst v0  }
0x188: {  	[tilespmem:$0x18A8] =	vst v0  }
0x189: {  	[tilespmem:$0x18B8] =	vst v0  }
0x18a: {  	[tilespmem:$0x18C8] =	vst v0  }
0x18b: {  	[tilespmem:$0x18D8] =	vst v0  }
0x18c: {  	[tilespmem:$0x18E8] =	vst v0  }
0x18d: {  	[tilespmem:$0x18F8] =	vst v0  }
0x18e: {  	[tilespmem:$0x1908] =	vst v0  }
0x18f: {  	[tilespmem:$0x1918] =	vst v0  }
0x190: {  	[tilespmem:$0x1928] =	vst v0  }
0x191: {  	[tilespmem:$0x1938] =	vst v0  }
0x192: {  	[tilespmem:$0x1948] =	vst v0  }
0x193: {  	[tilespmem:$0x1958] =	vst v0  }
0x194: {  	[tilespmem:$0x1968] =	vst v0  }
0x195: {  	[tilespmem:$0x1978] =	vst v0  }
0x196: {  	[tilespmem:$0x1988] =	vst v0  }
0x197: {  	[tilespmem:$0x1998] =	vst v0  }
0x198: {  	[tilespmem:$0x19A8] =	vst v0  }
0x199: {  	[tilespmem:$0x19B8] =	vst v0  }
0x19a: {  	[tilespmem:$0x19C8] =	vst v0  }
0x19b: {  	[tilespmem:$0x19D8] =	vst v0  }
0x19c: {  	[tilespmem:$0x19E8] =	vst v0  }
0x19d: {  	[tilespmem:$0x19F8] =	vst v0  }
0x19e: {  	[tilespmem:$0x1A08] =	vst v0  }
0x19f: {  	[tilespmem:$0x1A18] =	vst v0  }
0x1a0: {  	[tilespmem:$0x1A28] =	vst v0  }
0x1a1: {  	[tilespmem:$0x1A38] =	vst v0  }
0x1a2: {  	[tilespmem:$0x1A48] =	vst v0  }
0x1a3: {  	[tilespmem:$0x1A58] =	vst v0  }
0x1a4: {  	[tilespmem:$0x1A68] =	vst v0  }
0x1a5: {  	[tilespmem:$0x1A78] =	vst v0  }
0x1a6: {  	[tilespmem:$0x1A88] =	vst v0  }
0x1a7: {  	[tilespmem:$0x1A98] =	vst v0  }
0x1a8: {  	[tilespmem:$0x1AA8] =	vst v0  }
0x1a9: {  	[tilespmem:$0x1AB8] =	vst v0  }
0x1aa: {  	[tilespmem:$0x1AC8] =	vst v0  }
0x1ab: {  	[tilespmem:$0x1AD8] =	vst v0  }
0x1ac: {  	[tilespmem:$0x1AE8] =	vst v0  }
0x1ad: {  	[tilespmem:$0x1AF8] =	vst v0  }
0x1ae: {  	[tilespmem:$0x1B08] =	vst v0  }
0x1af: {  	[tilespmem:$0x1B18] =	vst v0  }
0x1b0: {  	[tilespmem:$0x1B28] =	vst v0  }
0x1b1: {  	[tilespmem:$0x1B38] =	vst v0  }
0x1b2: {  	[tilespmem:$0x1B48] =	vst v0  }
0x1b3: {  	[tilespmem:$0x1B58] =	vst v0  }
0x1b4: {  	[tilespmem:$0x1B68] =	vst v0  }
0x1b5: {  	[tilespmem:$0x1B78] =	vst v0  }
0x1b6: {  	[tilespmem:$0x1B88] =	vst v0  }
0x1b7: {  	[tilespmem:$0x1B98] =	vst v0  }
0x1b8: {  	[tilespmem:$0x1BA8] =	vst v0  }
0x1b9: {  	[tilespmem:$0x1BB8] =	vst v0  }
0x1ba: {  	[tilespmem:$0x1BC8] =	vst v0  }
0x1bb: {  	[tilespmem:$0x1BD8] =	vst v0  }
0x1bc: {  	[tilespmem:$0x1BE8] =	vst v0  }
0x1bd: {  	[tilespmem:$0x1BF8] =	vst v0  }
0x1be: {  	[tilespmem:$0x1C08] =	vst v0  }
0x1bf: {  	[tilespmem:$0x1C18] =	vst v0  }
0x1c0: {  	[tilespmem:$0x1C28] =	vst v0  }
0x1c1: {  	[tilespmem:$0x1C38] =	vst v0  }
0x1c2: {  	[tilespmem:$0x1C48] =	vst v0  }
0x1c3: {  	[tilespmem:$0x1C58] =	vst v0  }
0x1c4: {  	[tilespmem:$0x1C68] =	vst v0  }
0x1c5: {  	[tilespmem:$0x1C78] =	vst v0  }
0x1c6: {  	[tilespmem:$0x1C88] =	vst v0  }
0x1c7: {  	[tilespmem:$0x1C98] =	vst v0  }
0x1c8: {  	[tilespmem:$0x1CA8] =	vst v0  }
0x1c9: {  	[tilespmem:$0x1CB8] =	vst v0  }
0x1ca: {  	[tilespmem:$0x1CC8] =	vst v0  }
0x1cb: {  	[tilespmem:$0x1CD8] =	vst v0  }
0x1cc: {  	[tilespmem:$0x1CE8] =	vst v0  }
0x1cd: {  	[tilespmem:$0x1CF8] =	vst v0  }
0x1ce: {  	[tilespmem:$0x1D08] =	vst v0  }
0x1cf: {  	[tilespmem:$0x1D18] =	vst v0  }
0x1d0: {  	[tilespmem:$0x1D28] =	vst v0  }
0x1d1: {  	[tilespmem:$0x1D38] =	vst v0  }
0x1d2: {  	[tilespmem:$0x1D48] =	vst v0  }
0x1d3: {  	[tilespmem:$0x1D58] =	vst v0  }
0x1d4: {  	[tilespmem:$0x1D68] =	vst v0  }
0x1d5: {  	[tilespmem:$0x1D78] =	vst v0  }
0x1d6: {  	[tilespmem:$0x1D88] =	vst v0  }
0x1d7: {  	[tilespmem:$0x1D98] =	vst v0  }
0x1d8: {  	[tilespmem:$0x1DA8] =	vst v0  }
0x1d9: {  	[tilespmem:$0x1DB8] =	vst v0  }
0x1da: {  	[tilespmem:$0x1DC8] =	vst v0  }
0x1db: {  	[tilespmem:$0x1DD8] =	vst v0  }
0x1dc: {  	[tilespmem:$0x1DE8] =	vst v0  }
0x1dd: {  	[tilespmem:$0x1DF8] =	vst v0  }
0x1de: {  	[tilespmem:$0x1E08] =	vst v0  }
0x1df: {  	[tilespmem:$0x1E18] =	vst v0  }
0x1e0: {  	[tilespmem:$0x1E28] =	vst v0  }
0x1e1: {  	[tilespmem:$0x1E38] =	vst v0  }
0x1e2: {  	[tilespmem:$0x1E48] =	vst v0  }
0x1e3: {  	[tilespmem:$0x1E58] =	vst v0  }
0x1e4: {  	[tilespmem:$0x1E68] =	vst v0  }
0x1e5: {  	[tilespmem:$0x1E78] =	vst v0  }
0x1e6: {  	[tilespmem:$0x1E88] =	vst v0  }
0x1e7: {  	[tilespmem:$0x1E98] =	vst v0  }
0x1e8: {  	[tilespmem:$0x1EA8] =	vst v0  }
0x1e9: {  	[tilespmem:$0x1EB8] =	vst v0  }
0x1ea: {  	[tilespmem:$0x1EC8] =	vst v0  }
0x1eb: {  	[tilespmem:$0x1ED8] =	vst v0  }
0x1ec: {  	[tilespmem:$0x1EE8] =	vst v0  }
0x1ed: {  	[tilespmem:$0x1EF8] =	vst v0  }
0x1ee: {  	[tilespmem:$0x1F08] =	vst v0  }
0x1ef: {  	[tilespmem:$0x1F18] =	vst v0  }
0x1f0: {  	[tilespmem:$0x1F28] =	vst v0  }
0x1f1: {  	[tilespmem:$0x1F38] =	vst v0  }
0x1f2: {  	[tilespmem:$0x1F48] =	vst v0  }
0x1f3: {  	[tilespmem:$0x1F58] =	vst v0  }
0x1f4: {  	[tilespmem:$0x1F68] =	vst v0  }
0x1f5: {  	[tilespmem:$0x1F78] =	vst v0  }
0x1f6: {  	[tilespmem:$0x1F88] =	vst v0  }
0x1f7: {  	[tilespmem:$0x1F98] =	vst v0  }
0x1f8: {  	[tilespmem:$0x1FA8] =	vst v0  }
0x1f9: {  	[tilespmem:$0x1FB8] =	vst v0  }
0x1fa: {  	[tilespmem:$0x1FC8] =	vst v0  }
0x1fb: {  	[tilespmem:$0x1FD8] =	vst v0  }
0x1fc: {  	[tilespmem:$0x1FE8] =	vst v0  }
0x1fd: {  	[tilespmem:$0x1FF8] =	vst v0  }
0x1fe: {  	[tilespmem:$0x2008] =	vst v0  }
0x1ff: {  	[tilespmem:$0x2018] =	vst v0  }
0x200: {  	[tilespmem:$0x2028] =	vst v0  }
0x201: {  	[tilespmem:$0x2038] =	vst v0  }
0x202: {  	[tilespmem:$0x2048] =	vst v0  }
0x203: {  	[tilespmem:$0x2058] =	vst v0  }
0x204: {  	[tilespmem:$0x2068] =	vst v0  }
0x205: {  	[tilespmem:$0x2078] =	vst v0  }
0x206: {  	[tilespmem:$0x2088] =	vst v0  }
0x207: {  	[tilespmem:$0x2098] =	vst v0  }
0x208: {  	[tilespmem:$0x20A8] =	vst v0  }
0x209: {  	[tilespmem:$0x20B8] =	vst v0  }
0x20a: {  	[tilespmem:$0x20C8] =	vst v0  }
0x20b: {  	[tilespmem:$0x20D8] =	vst v0  }
0x20c: {  	[tilespmem:$0x20E8] =	vst v0  }
0x20d: {  	[tilespmem:$0x20F8] =	vst v0  }
0x20e: {  	[tilespmem:$0x2108] =	vst v0  }
0x20f: {  	[tilespmem:$0x2118] =	vst v0  }
0x210: {  	[tilespmem:$0x2128] =	vst v0  }
0x211: {  	[tilespmem:$0x2138] =	vst v0  }
0x212: {  	[tilespmem:$0x2148] =	vst v0  }
0x213: {  	[tilespmem:$0x2158] =	vst v0  }
0x214: {  	[tilespmem:$0x2168] =	vst v0  }
0x215: {  	[tilespmem:$0x2178] =	vst v0  }
0x216: {  	[tilespmem:$0x2188] =	vst v0  }
0x217: {  	[tilespmem:$0x2198] =	vst v0  }
0x218: {  	[tilespmem:$0x21A8] =	vst v0  }
0x219: {  	[tilespmem:$0x21B8] =	vst v0  }
0x21a: {  	[tilespmem:$0x21C8] =	vst v0  }
0x21b: {  	[tilespmem:$0x21D8] =	vst v0  }
0x21c: {  	[tilespmem:$0x21E8] =	vst v0  }
0x21d: {  	[tilespmem:$0x21F8] =	vst v0  }
0x21e: {  	[tilespmem:$0x2208] =	vst v0  }
0x21f: {  	[tilespmem:$0x2218] =	vst v0  }
0x220: {  	[tilespmem:$0x2228] =	vst v0  }
0x221: {  	[tilespmem:$0x2238] =	vst v0  }
0x222: {  	[tilespmem:$0x2248] =	vst v0  }
0x223: {  	[tilespmem:$0x2258] =	vst v0  }
0x224: {  	[tilespmem:$0x2268] =	vst v0  }
0x225: {  	[tilespmem:$0x2278] =	vst v0  }
0x226: {  	[tilespmem:$0x2288] =	vst v0  }
0x227: {  	[tilespmem:$0x2298] =	vst v0  }
0x228: {  	[tilespmem:$0x22A8] =	vst v0  }
0x229: {  	[tilespmem:$0x22B8] =	vst v0  }
0x22a: {  	[tilespmem:$0x22C8] =	vst v0  }
0x22b: {  	[tilespmem:$0x22D8] =	vst v0  }
0x22c: {  	[tilespmem:$0x22E8] =	vst v0  }
0x22d: {  	[tilespmem:$0x22F8] =	vst v0  }
0x22e: {  	[tilespmem:$0x2308] =	vst v0  }
0x22f: {  	[tilespmem:$0x2318] =	vst v0  }
0x230: {  	[tilespmem:$0x2328] =	vst v0  }
0x231: {  	[tilespmem:$0x2338] =	vst v0  }
0x232: {  	[tilespmem:$0x2348] =	vst v0  }
0x233: {  	[tilespmem:$0x2358] =	vst v0  }
0x234: {  	[tilespmem:$0x2368] =	vst v0  }
0x235: {  	[tilespmem:$0x2378] =	vst v0  }
0x236: {  	[tilespmem:$0x2388] =	vst v0  }
0x237: {  	[tilespmem:$0x2398] =	vst v0  }
0x238: {  	[tilespmem:$0x23A8] =	vst v0  }
0x239: {  	[tilespmem:$0x23B8] =	vst v0  }
0x23a: {  	[tilespmem:$0x23C8] =	vst v0  }
0x23b: {  	[tilespmem:$0x23D8] =	vst v0  }
0x23c: {  	[tilespmem:$0x23E8] =	vst v0  }
0x23d: {  	[tilespmem:$0x23F8] =	vst v0  }
0x23e: {  	[tilespmem:$0x2408] =	vst v0  }
0x23f: {  	[tilespmem:$0x2418] =	vst v0  }
0x240: {  	[tilespmem:$0x2428] =	vst v0  }
0x241: {  	[tilespmem:$0x2438] =	vst v0  }
0x242: {  	[tilespmem:$0x2448] =	vst v0  }
0x243: {  	[tilespmem:$0x2458] =	vst v0  }
0x244: {  	[tilespmem:$0x2468] =	vst v0  }
0x245: {  	[tilespmem:$0x2478] =	vst v0  }
0x246: {  	[tilespmem:$0x2488] =	vst v0  }
0x247: {  	[tilespmem:$0x2498] =	vst v0  }
0x248: {  	[tilespmem:$0x24A8] =	vst v0  }
0x249: {  	[tilespmem:$0x24B8] =	vst v0  }
0x24a: {  	[tilespmem:$0x24C8] =	vst v0  }
0x24b: {  	[tilespmem:$0x24D8] =	vst v0  }
0x24c: {  	[tilespmem:$0x24E8] =	vst v0  }
0x24d: {  	[tilespmem:$0x24F8] =	vst v0  }
0x24e: {  	[tilespmem:$0x2508] =	vst v0  }
0x24f: {  	[tilespmem:$0x2518] =	vst v0  }
0x250: {  	[tilespmem:$0x2528] =	vst v0  }
0x251: {  	[tilespmem:$0x2538] =	vst v0  }
0x252: {  	[tilespmem:$0x2548] =	vst v0  }
0x253: {  	[tilespmem:$0x2558] =	vst v0  }
0x254: {  	[tilespmem:$0x2568] =	vst v0  }
0x255: {  	[tilespmem:$0x2578] =	vst v0  }
0x256: {  	[tilespmem:$0x2588] =	vst v0  }
0x257: {  	[tilespmem:$0x2598] =	vst v0  }
0x258: {  	[tilespmem:$0x25A8] =	vst v0  }
0x259: {  	[tilespmem:$0x25B8] =	vst v0  }
0x25a: {  	[tilespmem:$0x25C8] =	vst v0  }
0x25b: {  	[tilespmem:$0x25D8] =	vst v0  }
0x25c: {  	[tilespmem:$0x25E8] =	vst v0  }
0x25d: {  	[tilespmem:$0x25F8] =	vst v0  }
0x25e: {  	[tilespmem:$0x2608] =	vst v0  }
0x25f: {  	[tilespmem:$0x2618] =	vst v0  }
0x260: {  	[tilespmem:$0x2628] =	vst v0  }
0x261: {  	[tilespmem:$0x2638] =	vst v0  }
0x262: {  	[tilespmem:$0x2648] =	vst v0  }
0x263: {  	[tilespmem:$0x2658] =	vst v0  }
0x264: {  	[tilespmem:$0x2668] =	vst v0  }
0x265: {  	[tilespmem:$0x2678] =	vst v0  }
0x266: {  	[tilespmem:$0x2688] =	vst v0  }
0x267: {  	[tilespmem:$0x2698] =	vst v0  }
0x268: {  	[tilespmem:$0x26A8] =	vst v0  }
0x269: {  	[tilespmem:$0x26B8] =	vst v0  }
0x26a: {  	[tilespmem:$0x26C8] =	vst v0  }
0x26b: {  	[tilespmem:$0x26D8] =	vst v0  }
0x26c: {  	[tilespmem:$0x26E8] =	vst v0  }
0x26d: {  	[tilespmem:$0x26F8] =	vst v0  }
0x26e: {  	[tilespmem:$0x2708] =	vst v0  }
0x26f: {  	[tilespmem:$0x2718] =	vst v0  }
0x270: {  	[tilespmem:$0x2728] =	vst v0  }
0x271: {  	[tilespmem:$0x2738] =	vst v0  }
0x272: {  	[tilespmem:$0x2748] =	vst v0  }
0x273: {  	[tilespmem:$0x2758] =	vst v0  }
0x274: {  	[tilespmem:$0x2768] =	vst v0  }
0x275: {  	[tilespmem:$0x2778] =	vst v0  }
0x276: {  	[tilespmem:$0x2788] =	vst v0  }
0x277: {  	[tilespmem:$0x2798] =	vst v0  }
0x278: {  	[tilespmem:$0x27A8] =	vst v0  }
0x279: {  	[tilespmem:$0x27B8] =	vst v0  }
0x27a: {  	[tilespmem:$0x27C8] =	vst v0  }
0x27b: {  	[tilespmem:$0x27D8] =	vst v0  }
0x27c: {  	[tilespmem:$0x27E8] =	vst v0  }
0x27d: {  	[tilespmem:$0x27F8] =	vst v0  }
0x27e: {  	[tilespmem:$0x2808] =	vst v0  }
0x27f: {  	[tilespmem:$0x2818] =	vst v0  }
0x280: {  	[tilespmem:$0x2828] =	vst v0  }
0x281: {  	[tilespmem:$0x2838] =	vst v0  }
0x282: {  	[tilespmem:$0x2848] =	vst v0  }
0x283: {  	[tilespmem:$0x2858] =	vst v0  }
0x284: {  	[tilespmem:$0x2868] =	vst v0  }
0x285: {  	[tilespmem:$0x2878] =	vst v0  }
0x286: {  	[tilespmem:$0x2888] =	vst v0  }
0x287: {  	[tilespmem:$0x2898] =	vst v0  }
0x288: {  	[tilespmem:$0x28A8] =	vst v0  }
0x289: {  	[tilespmem:$0x28B8] =	vst v0  }
0x28a: {  	[tilespmem:$0x28C8] =	vst v0  }
0x28b: {  	[tilespmem:$0x28D8] =	vst v0  }
0x28c: {  	[tilespmem:$0x28E8] =	vst v0  }
0x28d: {  	[tilespmem:$0x28F8] =	vst v0  }
0x28e: {  	[tilespmem:$0x2908] =	vst v0  }
0x28f: {  	[tilespmem:$0x2918] =	vst v0  }
0x290: {  	[tilespmem:$0x2928] =	vst v0  }
0x291: {  	[tilespmem:$0x2938] =	vst v0  }
0x292: {  	[tilespmem:$0x2948] =	vst v0  }
0x293: {  	[tilespmem:$0x2958] =	vst v0  }
0x294: {  	[tilespmem:$0x2968] =	vst v0  }
0x295: {  	[tilespmem:$0x2978] =	vst v0  }
0x296: {  	[tilespmem:$0x2988] =	vst v0  }
0x297: {  	[tilespmem:$0x2998] =	vst v0  }
0x298: {  	[tilespmem:$0x29A8] =	vst v0  }
0x299: {  	[tilespmem:$0x29B8] =	vst v0  }
0x29a: {  	[tilespmem:$0x29C8] =	vst v0  }
0x29b: {  	[tilespmem:$0x29D8] =	vst v0  }
0x29c: {  	[tilespmem:$0x29E8] =	vst v0  }
0x29d: {  	[tilespmem:$0x29F8] =	vst v0  }
0x29e: {  	[tilespmem:$0x2A08] =	vst v0  }
0x29f: {  	[tilespmem:$0x2A18] =	vst v0  }
0x2a0: {  	[tilespmem:$0x2A28] =	vst v0  }
0x2a1: {  	[tilespmem:$0x2A38] =	vst v0  }
0x2a2: {  	[tilespmem:$0x2A48] =	vst v0  }
0x2a3: {  	[tilespmem:$0x2A58] =	vst v0  }
0x2a4: {  	[tilespmem:$0x2A68] =	vst v0  }
0x2a5: {  	[tilespmem:$0x2A78] =	vst v0  }
0x2a6: {  	[tilespmem:$0x2A88] =	vst v0  }
0x2a7: {  	[tilespmem:$0x2A98] =	vst v0  }
0x2a8: {  	[tilespmem:$0x2AA8] =	vst v0  }
0x2a9: {  	[tilespmem:$0x2AB8] =	vst v0  }
0x2aa: {  	[tilespmem:$0x2AC8] =	vst v0  }
0x2ab: {  	[tilespmem:$0x2AD8] =	vst v0  }
0x2ac: {  	[tilespmem:$0x2AE8] =	vst v0  }
0x2ad: {  	[tilespmem:$0x2AF8] =	vst v0  }
0x2ae: {  	[tilespmem:$0x2B08] =	vst v0  }
0x2af: {  	[tilespmem:$0x2B18] =	vst v0  }
0x2b0: {  	[tilespmem:$0x2B28] =	vst v0  }
0x2b1: {  	[tilespmem:$0x2B38] =	vst v0  }
0x2b2: {  	[tilespmem:$0x2B48] =	vst v0  }
0x2b3: {  	[tilespmem:$0x2B58] =	vst v0  }
0x2b4: {  	[tilespmem:$0x2B68] =	vst v0  }
0x2b5: {  	[tilespmem:$0x2B78] =	vst v0  }
0x2b6: {  	[tilespmem:$0x2B88] =	vst v0  }
0x2b7: {  	[tilespmem:$0x2B98] =	vst v0  }
0x2b8: {  	[tilespmem:$0x2BA8] =	vst v0  }
0x2b9: {  	[tilespmem:$0x2BB8] =	vst v0  }
0x2ba: {  	[tilespmem:$0x2BC8] =	vst v0  }
0x2bb: {  	[tilespmem:$0x2BD8] =	vst v0  }
0x2bc: {  	[tilespmem:$0x2BE8] =	vst v0  }
0x2bd: {  	[tilespmem:$0x2BF8] =	vst v0  }
0x2be: {  	[tilespmem:$0x2C08] =	vst v0  }
0x2bf: {  	[tilespmem:$0x2C18] =	vst v0  }
0x2c0: {  	[tilespmem:$0x2C28] =	vst v0  }
0x2c1: {  	[tilespmem:$0x2C38] =	vst v0  }
0x2c2: {  	[tilespmem:$0x2C48] =	vst v0  }
0x2c3: {  	[tilespmem:$0x2C58] =	vst v0  }
0x2c4: {  	[tilespmem:$0x2C68] =	vst v0  }
0x2c5: {  	[tilespmem:$0x2C78] =	vst v0  }
0x2c6: {  	[tilespmem:$0x2C88] =	vst v0  }
0x2c7: {  	[tilespmem:$0x2C98] =	vst v0  }
0x2c8: {  	[tilespmem:$0x2CA8] =	vst v0  }
0x2c9: {  	[tilespmem:$0x2CB8] =	vst v0  }
0x2ca: {  	[tilespmem:$0x2CC8] =	vst v0  }
0x2cb: {  	[tilespmem:$0x2CD8] =	vst v0  }
0x2cc: {  	[tilespmem:$0x2CE8] =	vst v0  }
0x2cd: {  	[tilespmem:$0x2CF8] =	vst v0  }
0x2ce: {  	[tilespmem:$0x2D08] =	vst v0  }
0x2cf: {  	[tilespmem:$0x2D18] =	vst v0  }
0x2d0: {  	[tilespmem:$0x2D28] =	vst v0  }
0x2d1: {  	[tilespmem:$0x2D38] =	vst v0  }
0x2d2: {  	[tilespmem:$0x2D48] =	vst v0  }
0x2d3: {  	[tilespmem:$0x2D58] =	vst v0  }
0x2d4: {  	[tilespmem:$0x2D68] =	vst v0  }
0x2d5: {  	[tilespmem:$0x2D78] =	vst v0  }
0x2d6: {  	[tilespmem:$0x2D88] =	vst v0  }
0x2d7: {  	[tilespmem:$0x2D98] =	vst v0  }
0x2d8: {  	[tilespmem:$0x2DA8] =	vst v0  }
0x2d9: {  	[tilespmem:$0x2DB8] =	vst v0  }
0x2da: {  	[tilespmem:$0x2DC8] =	vst v0  }
0x2db: {  	[tilespmem:$0x2DD8] =	vst v0  }
0x2dc: {  	[tilespmem:$0x2DE8] =	vst v0  }
0x2dd: {  	[tilespmem:$0x2DF8] =	vst v0  }
0x2de: {  	[tilespmem:$0x2E08] =	vst v0  }
0x2df: {  	[tilespmem:$0x2E18] =	vst v0  }
0x2e0: {  	[tilespmem:$0x2E28] =	vst v0  }
0x2e1: {  	[tilespmem:$0x2E38] =	vst v0  }
0x2e2: {  	[tilespmem:$0x2E48] =	vst v0  }
0x2e3: {  	[tilespmem:$0x2E58] =	vst v0  }
0x2e4: {  	[tilespmem:$0x2E68] =	vst v0  }
0x2e5: {  	[tilespmem:$0x2E78] =	vst v0  }
0x2e6: {  	[tilespmem:$0x2E88] =	vst v0  }
0x2e7: {  	[tilespmem:$0x2E98] =	vst v0  }
0x2e8: {  	[tilespmem:$0x2EA8] =	vst v0  }
0x2e9: {  	[tilespmem:$0x2EB8] =	vst v0  }
0x2ea: {  	[tilespmem:$0x2EC8] =	vst v0  }
0x2eb: {  	[tilespmem:$0x2ED8] =	vst v0  }
0x2ec: {  	[tilespmem:$0x2EE8] =	vst v0  }
0x2ed: {  	[tilespmem:$0x2EF8] =	vst v0  }
0x2ee: {  	[tilespmem:$0x2F08] =	vst v0  }
0x2ef: {  	[tilespmem:$0x2F18] =	vst v0  }
0x2f0: {  	[tilespmem:$0x2F28] =	vst v0  }
0x2f1: {  	[tilespmem:$0x2F38] =	vst v0  }
0x2f2: {  	[tilespmem:$0x2F48] =	vst v0  }
0x2f3: {  	[tilespmem:$0x2F58] =	vst v0  }
0x2f4: {  	[tilespmem:$0x2F68] =	vst v0  }
0x2f5: {  	[tilespmem:$0x2F78] =	vst v0  }
0x2f6: {  	[tilespmem:$0x2F88] =	vst v0  }
0x2f7: {  	[tilespmem:$0x2F98] =	vst v0  }
0x2f8: {  	[tilespmem:$0x2FA8] =	vst v0  }
0x2f9: {  	[tilespmem:$0x2FB8] =	vst v0  }
0x2fa: {  	[tilespmem:$0x2FC8] =	vst v0  }
0x2fb: {  	[tilespmem:$0x2FD8] =	vst v0  }
0x2fc: {  	[tilespmem:$0x2FE8] =	vst v0  }
0x2fd: {  	[tilespmem:$0x2FF8] =	vst v0  }
0x2fe: {  	[tilespmem:$0x3008] =	vst v0  }
0x2ff: {  	[tilespmem:$0x3018] =	vst v0  }
0x300: {  	[tilespmem:$0x3028] =	vst v0  }
0x301: {  	[tilespmem:$0x3038] =	vst v0  }
0x302: {  	[tilespmem:$0x3048] =	vst v0  }
0x303: {  	[tilespmem:$0x3058] =	vst v0  }
0x304: {  	[tilespmem:$0x3068] =	vst v0  }
0x305: {  	[tilespmem:$0x3078] =	vst v0  }
0x306: {  	[tilespmem:$0x3088] =	vst v0  }
0x307: {  	[tilespmem:$0x3098] =	vst v0  }
0x308: {  	[tilespmem:$0x30A8] =	vst v0  }
0x309: {  	[tilespmem:$0x30B8] =	vst v0  }
0x30a: {  	[tilespmem:$0x30C8] =	vst v0  }
0x30b: {  	[tilespmem:$0x30D8] =	vst v0  }
0x30c: {  	[tilespmem:$0x30E8] =	vst v0  }
0x30d: {  	[tilespmem:$0x30F8] =	vst v0  }
0x30e: {  	[tilespmem:$0x3108] =	vst v0  }
0x30f: {  	[tilespmem:$0x3118] =	vst v0  }
0x310: {  	[tilespmem:$0x3128] =	vst v0  }
0x311: {  	[tilespmem:$0x3138] =	vst v0  }
0x312: {  	[tilespmem:$0x3148] =	vst v0  }
0x313: {  	[tilespmem:$0x3158] =	vst v0  }
0x314: {  	[tilespmem:$0x3168] =	vst v0  }
0x315: {  	[tilespmem:$0x3178] =	vst v0  }
0x316: {  	[tilespmem:$0x3188] =	vst v0  }
0x317: {  	[tilespmem:$0x3198] =	vst v0  }
0x318: {  	[tilespmem:$0x31A8] =	vst v0  }
0x319: {  	[tilespmem:$0x31B8] =	vst v0  }
0x31a: {  	[tilespmem:$0x31C8] =	vst v0  }
0x31b: {  	[tilespmem:$0x31D8] =	vst v0  }
0x31c: {  	[tilespmem:$0x31E8] =	vst v0  }
0x31d: {  	[tilespmem:$0x31F8] =	vst v0  }
0x31e: {  	[tilespmem:$0x3208] =	vst v0  }
0x31f: {  	[tilespmem:$0x3218] =	vst v0  }
0x320: {  	[tilespmem:$0x3228] =	vst v0  }
0x321: {  	[tilespmem:$0x3238] =	vst v0  }
0x322: {  	[tilespmem:$0x3248] =	vst v0  }
0x323: {  	[tilespmem:$0x3258] =	vst v0  }
0x324: {  	[tilespmem:$0x3268] =	vst v0  }
0x325: {  	[tilespmem:$0x3278] =	vst v0  }
0x326: {  	[tilespmem:$0x3288] =	vst v0  }
0x327: {  	[tilespmem:$0x3298] =	vst v0  }
0x328: {  	[tilespmem:$0x32A8] =	vst v0  }
0x329: {  	[tilespmem:$0x32B8] =	vst v0  }
0x32a: {  	[tilespmem:$0x32C8] =	vst v0  }
0x32b: {  	[tilespmem:$0x32D8] =	vst v0  }
0x32c: {  	[tilespmem:$0x32E8] =	vst v0  }
0x32d: {  	[tilespmem:$0x32F8] =	vst v0  }
0x32e: {  	[tilespmem:$0x3308] =	vst v0  }
0x32f: {  	[tilespmem:$0x3318] =	vst v0  }
0x330: {  	[tilespmem:$0x3328] =	vst v0  }
0x331: {  	[tilespmem:$0x3338] =	vst v0  }
0x332: {  	[tilespmem:$0x3348] =	vst v0  }
0x333: {  	[tilespmem:$0x3358] =	vst v0  }
0x334: {  	[tilespmem:$0x3368] =	vst v0  }
0x335: {  	[tilespmem:$0x3378] =	vst v0  }
0x336: {  	[tilespmem:$0x3388] =	vst v0  }
0x337: {  	[tilespmem:$0x3398] =	vst v0  }
0x338: {  	[tilespmem:$0x3458] =	vst v0  }
0x339: {  	[tilespmem:$0x33D8] =	vst v0  }
0x33a: {  	[tilespmem:$0x4288] =	vst v0  }
0x33b: {  	[tilespmem:$0x4278] =	vst v0  }
0x33c: {  	[tilespmem:$0x4268] =	vst v0  }
0x33d: {  	[tilespmem:$0x4258] =	vst v0  }
0x33e: {  	[tilespmem:$0x4248] =	vst v0  }
0x33f: {  	[tilespmem:$0x4238] =	vst v0  }
0x340: {  	[tilespmem:$0x4228] =	vst v0  }
0x341: {  	[tilespmem:$0x4218] =	vst v0  }
0x342: {  	[tilespmem:$0x4208] =	vst v0  }
0x343: {  	[tilespmem:$0x41F8] =	vst v0  }
0x344: {  	[tilespmem:$0x41E8] =	vst v0  }
0x345: {  	[tilespmem:$0x41D8] =	vst v0  }
0x346: {  	[tilespmem:$0x41C8] =	vst v0  }
0x347: {  	[tilespmem:$0x41B8] =	vst v0  }
0x348: {  	[tilespmem:$0x41A8] =	vst v0  }
0x349: {  	[tilespmem:$0x4198] =	vst v0  }
0x34a: {  	[tilespmem:$0x4188] =	vst v0  }
0x34b: {  	[tilespmem:$0x4178] =	vst v0  }
0x34c: {  	[tilespmem:$0x4168] =	vst v0  }
0x34d: {  	[tilespmem:$0x4158] =	vst v0  }
0x34e: {  	[tilespmem:$0x4148] =	vst v0  }
0x34f: {  	[tilespmem:$0x4138] =	vst v0  }
0x350: {  	[tilespmem:$0x4128] =	vst v0  }
0x351: {  	[tilespmem:$0x4118] =	vst v0  }
0x352: {  	[tilespmem:$0x4108] =	vst v0  }
0x353: {  	[tilespmem:$0x40F8] =	vst v0  }
0x354: {  	[tilespmem:$0x40E8] =	vst v0  }
0x355: {  	[tilespmem:$0x40D8] =	vst v0  }
0x356: {  	[tilespmem:$0x40C8] =	vst v0  }
0x357: {  	[tilespmem:$0x40B8] =	vst v0  }
0x358: {  	[tilespmem:$0x40A8] =	vst v0  }
0x359: {  	[tilespmem:$0x4098] =	vst v0  }
0x35a: {  	[tilespmem:$0x4088] =	vst v0  }
0x35b: {  	[tilespmem:$0x4078] =	vst v0  }
0x35c: {  	[tilespmem:$0x4068] =	vst v0  }
0x35d: {  	[tilespmem:$0x4058] =	vst v0  }
0x35e: {  	[tilespmem:$0x4048] =	vst v0  }
0x35f: {  	[tilespmem:$0x4038] =	vst v0  }
0x360: {  	[tilespmem:$0x4028] =	vst v0  }
0x361: {  	[tilespmem:$0x4018] =	vst v0  }
0x362: {  	[tilespmem:$0x4008] =	vst v0  }
0x363: {  	[tilespmem:$0x3FF8] =	vst v0  }
0x364: {  	[tilespmem:$0x3FE8] =	vst v0  }
0x365: {  	[tilespmem:$0x3FD8] =	vst v0  }
0x366: {  	[tilespmem:$0x3FC8] =	vst v0  }
0x367: {  	[tilespmem:$0x3FB8] =	vst v0  }
0x368: {  	[tilespmem:$0x3FA8] =	vst v0  }
0x369: {  	[tilespmem:$0x3F98] =	vst v0  }
0x36a: {  	[tilespmem:$0x3F88] =	vst v0  }
0x36b: {  	[tilespmem:$0x3F78] =	vst v0  }
0x36c: {  	[tilespmem:$0x3F68] =	vst v0  }
0x36d: {  	[tilespmem:$0x3F58] =	vst v0  }
0x36e: {  	[tilespmem:$0x3F48] =	vst v0  }
0x36f: {  	[tilespmem:$0x3F38] =	vst v0  }
0x370: {  	[tilespmem:$0x3F28] =	vst v0  }
0x371: {  	[tilespmem:$0x3F18] =	vst v0  }
0x372: {  	[tilespmem:$0x3F08] =	vst v0  }
0x373: {  	[tilespmem:$0x3EF8] =	vst v0  }
0x374: {  	[tilespmem:$0x3EE8] =	vst v0  }
0x375: {  	[tilespmem:$0x3ED8] =	vst v0  }
0x376: {  	[tilespmem:$0x3EC8] =	vst v0  }
0x377: {  	[tilespmem:$0x3EB8] =	vst v0  }
0x378: {  	[tilespmem:$0x3EA8] =	vst v0  }
0x379: {  	[tilespmem:$0x3E98] =	vst v0  }
0x37a: {  	[tilespmem:$0x3E88] =	vst v0  }
0x37b: {  	[tilespmem:$0x3E78] =	vst v0  }
0x37c: {  	[tilespmem:$0x3E68] =	vst v0  }
0x37d: {  	[tilespmem:$0x3E58] =	vst v0  }
0x37e: {  	[tilespmem:$0x3E48] =	vst v0  }
0x37f: {  	[tilespmem:$0x3E38] =	vst v0  }
0x380: {  	[tilespmem:$0x3E28] =	vst v0  }
0x381: {  	[tilespmem:$0x3E18] =	vst v0  }
0x382: {  	[tilespmem:$0x3E08] =	vst v0  }
0x383: {  	[tilespmem:$0x3DF8] =	vst v0  }
0x384: {  	[tilespmem:$0x3DE8] =	vst v0  }
0x385: {  	[tilespmem:$0x3DD8] =	vst v0  }
0x386: {  	[tilespmem:$0x3DC8] =	vst v0  }
0x387: {  	[tilespmem:$0x3DB8] =	vst v0  }
0x388: {  	[tilespmem:$0x3DA8] =	vst v0  }
0x389: {  	[tilespmem:$0x3D98] =	vst v0  }
0x38a: {  	[tilespmem:$0x3D88] =	vst v0  }
0x38b: {  	[tilespmem:$0x3D78] =	vst v0  }
0x38c: {  	[tilespmem:$0x3D68] =	vst v0  }
0x38d: {  	[tilespmem:$0x3D58] =	vst v0  }
0x38e: {  	[tilespmem:$0x3D48] =	vst v0  }
0x38f: {  	[tilespmem:$0x3D38] =	vst v0  }
0x390: {  	[tilespmem:$0x3D28] =	vst v0  }
0x391: {  	[tilespmem:$0x3D18] =	vst v0  }
0x392: {  	[tilespmem:$0x3D08] =	vst v0  }
0x393: {  	[tilespmem:$0x3CF8] =	vst v0  }
0x394: {  	[tilespmem:$0x3CE8] =	vst v0  }
0x395: {  	[tilespmem:$0x3CD8] =	vst v0  }
0x396: {  	[tilespmem:$0x3CC8] =	vst v0  }
0x397: {  	[tilespmem:$0x3CB8] =	vst v0  }
0x398: {  	[tilespmem:$0x3CA8] =	vst v0  }
0x399: {  	[tilespmem:$0x3C98] =	vst v0  }
0x39a: {  	[tilespmem:$0x3C88] =	vst v0  }
0x39b: {  	[tilespmem:$0x3C78] =	vst v0  }
0x39c: {  	[tilespmem:$0x3C68] =	vst v0  }
0x39d: {  	[tilespmem:$0x3C58] =	vst v0  }
0x39e: {  	[tilespmem:$0x3C48] =	vst v0  }
0x39f: {  	[tilespmem:$0x3C38] =	vst v0  }
0x3a0: {  	[tilespmem:$0x3C28] =	vst v0  }
0x3a1: {  	[tilespmem:$0x3C18] =	vst v0  }
0x3a2: {  	[tilespmem:$0x3C08] =	vst v0  }
0x3a3: {  	[tilespmem:$0x3BF8] =	vst v0  }
0x3a4: {  	[tilespmem:$0x3BE8] =	vst v0  }
0x3a5: {  	[tilespmem:$0x3BD8] =	vst v0  }
0x3a6: {  	[tilespmem:$0x3BC8] =	vst v0  }
0x3a7: {  	[tilespmem:$0x3BB8] =	vst v0  }
0x3a8: {  	[tilespmem:$0x3BA8] =	vst v0  }
0x3a9: {  	[tilespmem:$0x3B98] =	vst v0  }
0x3aa: {  	[tilespmem:$0x3B88] =	vst v0  }
0x3ab: {  	[tilespmem:$0x3B78] =	vst v0  }
0x3ac: {  	[tilespmem:$0x3B68] =	vst v0  }
0x3ad: {  	[tilespmem:$0x3B58] =	vst v0  }
0x3ae: {  	[tilespmem:$0x3B48] =	vst v0  }
0x3af: {  	[tilespmem:$0x3B38] =	vst v0  }
0x3b0: {  	[tilespmem:$0x3B28] =	vst v0  }
0x3b1: {  	[tilespmem:$0x3B18] =	vst v0  }
0x3b2: {  	[tilespmem:$0x3B08] =	vst v0  }
0x3b3: {  	[tilespmem:$0x3AF8] =	vst v0  }
0x3b4: {  	[tilespmem:$0x3AE8] =	vst v0  }
0x3b5: {  	[tilespmem:$0x3AD8] =	vst v0  }
0x3b6: {  	[tilespmem:$0x3AC8] =	vst v0  }
0x3b7: {  	[tilespmem:$0x3AB8] =	vst v0  }
0x3b8: {  	[tilespmem:$0x3AA8] =	vst v0  }
0x3b9: {  	[tilespmem:$0x3A98] =	vst v0  }
0x3ba: {  	[tilespmem:$0x3A88] =	vst v0  }
0x3bb: {  	[tilespmem:$0x3A78] =	vst v0  }
0x3bc: {  	[tilespmem:$0x3A68] =	vst v0  }
0x3bd: {  	[tilespmem:$0x3A58] =	vst v0  }
0x3be: {  	[tilespmem:$0x3A48] =	vst v0  }
0x3bf: {  	[tilespmem:$0x3A38] =	vst v0  }
0x3c0: {  	[tilespmem:$0x3A28] =	vst v0  }
0x3c1: {  	[tilespmem:$0x3A18] =	vst v0  }
0x3c2: {  	[tilespmem:$0x3A08] =	vst v0  }
0x3c3: {  	[tilespmem:$0x39F8] =	vst v0  }
0x3c4: {  	[tilespmem:$0x39E8] =	vst v0  }
0x3c5: {  	[tilespmem:$0x39D8] =	vst v0  }
0x3c6: {  	[tilespmem:$0x39C8] =	vst v0  }
0x3c7: {  	[tilespmem:$0x39B8] =	vst v0  }
0x3c8: {  	[tilespmem:$0x39A8] =	vst v0  }
0x3c9: {  	[tilespmem:$0x3998] =	vst v0  }
0x3ca: {  	[tilespmem:$0x3988] =	vst v0  }
0x3cb: {  	[tilespmem:$0x3978] =	vst v0  }
0x3cc: {  	[tilespmem:$0x3968] =	vst v0  }
0x3cd: {  	[tilespmem:$0x3958] =	vst v0  }
0x3ce: {  	[tilespmem:$0x3948] =	vst v0  }
0x3cf: {  	[tilespmem:$0x3938] =	vst v0  }
0x3d0: {  	[tilespmem:$0x3928] =	vst v0  }
0x3d1: {  	[tilespmem:$0x3918] =	vst v0  }
0x3d2: {  	[tilespmem:$0x3908] =	vst v0  }
0x3d3: {  	[tilespmem:$0x38F8] =	vst v0  }
0x3d4: {  	[tilespmem:$0x38E8] =	vst v0  }
0x3d5: {  	[tilespmem:$0x38D8] =	vst v0  }
0x3d6: {  	[tilespmem:$0x38C8] =	vst v0  }
0x3d7: {  	[tilespmem:$0x38B8] =	vst v0  }
0x3d8: {  	[tilespmem:$0x38A8] =	vst v0  }
0x3d9: {  	[tilespmem:$0x3898] =	vst v0  }
0x3da: {  	[tilespmem:$0x3888] =	vst v0  }
0x3db: {  	[tilespmem:$0x3878] =	vst v0  }
0x3dc: {  	[tilespmem:$0x3868] =	vst v0  }
0x3dd: {  	[tilespmem:$0x3858] =	vst v0  }
0x3de: {  	[tilespmem:$0x3848] =	vst v0  }
0x3df: {  	[tilespmem:$0x3838] =	vst v0  }
0x3e0: {  	[tilespmem:$0x3828] =	vst v0  }
0x3e1: {  	[tilespmem:$0x3818] =	vst v0  }
0x3e2: {  	[tilespmem:$0x3808] =	vst v0  }
0x3e3: {  	[tilespmem:$0x37F8] =	vst v0  }
0x3e4: {  	[tilespmem:$0x37E8] =	vst v0  }
0x3e5: {  	[tilespmem:$0x37D8] =	vst v0  }
0x3e6: {  	[tilespmem:$0x37C8] =	vst v0  }
0x3e7: {  	[tilespmem:$0x37B8] =	vst v0  }
0x3e8: {  	[tilespmem:$0x37A8] =	vst v0  }
0x3e9: {  	[tilespmem:$0x3798] =	vst v0  }
0x3ea: {  	[tilespmem:$0x3788] =	vst v0  }
0x3eb: {  	[tilespmem:$0x3778] =	vst v0  }
0x3ec: {  	[tilespmem:$0x3768] =	vst v0  }
0x3ed: {  	[tilespmem:$0x3758] =	vst v0  }
0x3ee: {  	[tilespmem:$0x3748] =	vst v0  }
0x3ef: {  	[tilespmem:$0x3738] =	vst v0  }
0x3f0: {  	[tilespmem:$0x3728] =	vst v0  }
0x3f1: {  	[tilespmem:$0x3718] =	vst v0  }
0x3f2: {  	[tilespmem:$0x3708] =	vst v0  }
0x3f3: {  	[tilespmem:$0x36F8] =	vst v0  }
0x3f4: {  	[tilespmem:$0x36E8] =	vst v0  }
0x3f5: {  	[tilespmem:$0x36D8] =	vst v0  }
0x3f6: {  	[tilespmem:$0x36C8] =	vst v0  }
0x3f7: {  	[tilespmem:$0x36B8] =	vst v0  }
0x3f8: {  	[tilespmem:$0x36A8] =	vst v0  }
0x3f9: {  	[tilespmem:$0x3698] =	vst v0  }
0x3fa: {  	[tilespmem:$0x3688] =	vst v0  }
0x3fb: {  	[tilespmem:$0x3678] =	vst v0  }
0x3fc: {  	[tilespmem:$0x3668] =	vst v0  }
0x3fd: {  	[tilespmem:$0x3658] =	vst v0  }
0x3fe: {  	[tilespmem:$0x3648] =	vst v0  }
0x3ff: {  	[tilespmem:$0x3638] =	vst v0  }
0x400: {  	[tilespmem:$0x3628] =	vst v0  }
0x401: {  	[tilespmem:$0x3618] =	vst v0  }
0x402: {  	[tilespmem:$0x3608] =	vst v0  }
0x403: {  	[tilespmem:$0x35F8] =	vst v0  }
0x404: {  	[tilespmem:$0x35E8] =	vst v0  }
0x405: {  	[tilespmem:$0x35D8] =	vst v0  }
0x406: {  	[tilespmem:$0x35C8] =	vst v0  }
0x407: {  	[tilespmem:$0x35B8] =	vst v0  }
0x408: {  	[tilespmem:$0x35A8] =	vst v0  }
0x409: {  	[tilespmem:$0x3598] =	vst v0  }
0x40a: {  	[tilespmem:$0x3588] =	vst v0  }
0x40b: {  	[tilespmem:$0x3578] =	vst v0  }
0x40c: {  	[tilespmem:$0x3568] =	vst v0  }
0x40d: {  	[tilespmem:$0x3558] =	vst v0  }
0x40e: {  	[tilespmem:$0x3548] =	vst v0  }
0x40f: {  	[tilespmem:$0x3538] =	vst v0  }
0x410: {  	[tilespmem:$0x3528] =	vst v0  }
0x411: {  	[tilespmem:$0x3518] =	vst v0  }
0x412: {  	[tilespmem:$0x3508] =	vst v0  }
0x413: {  	[tilespmem:$0x34F8] =	vst v0  }
0x414: {  	[tilespmem:$0x34E8] =	vst v0  }
0x415: {  	[tilespmem:$0x34D8] =	vst v0  }
0x416: {  	[tilespmem:$0x34C8] =	vst v0  }
0x417: {  	[tilespmem:$0x34B8] =	vst v0  }
0x418: {  	s9 =	stileid.u32;
	[tilespmem:$0x34A8] =	vst v0  }
0x419: {  	s0 =	smul.u32 $0x3A, s9;
	[tilespmem:$0x3498] =	vst v0  }
0x41a: {  	s1 =	smin.u32 s9, $0xA;
	[tilespmem:$0x3488] =	vst v0  }
0x41b: {  	[tilespmem:$0x3478] =	vst v0;
	s0 =	sadd.s32 s1, s0  }
0x41c: {  	p0 =	slt.u32 s9, $0xA;
	[tilespmem:$0x3468] =	vst v0;
	s1 =	simm.s32 $0x5120;
	s6 =	smul.u32 $0x160, s0  }
0x41d: {  	s1 =	simm.s32 @!p0 $0x4FC0;
	[tilespmem:$0x3438] =	vst v0  }
0x41e: {  	[tilespmem:$0x3448] =	vst v0;
	s0 =	sadd.s32 s1, s6  }
0x41f: {  	[tilespmem:$0x3428] =	vst v0;
	s7 =	smin.u32 s0, $0x50910  }
0x420: {  	[tilespmem:$0x33B8] =	vst v0;
	s0 =	ssub.s32 s7, s6  }
0x421: {  	s4 =	simm.s32 $0x2;
	[tilespmem:$0x3418] =	vst v0;
	p0 =	sgt.s32 s0, $0x0  }
0x422: {  	s11 =	simm.s32 $0x7;
	s30 =	simm.s32 $0x8;
	[tilespmem:$0x3408] =	vst v0;
	s0 =	simm.s32 @!p0 $0x0  }
0x423: {  	s15 =	simm.s32 $0x0;
	p1 =	por $0x0, $0x0;
	[tilespmem:$0x33F8] =	vst v0;
	s29 =	smulhi.u32 $0x2E8BA2E9, s0  }
0x424: {  	s16 =	simm.s32 $0xA;
	s20 =	simm.s32 $0x0;
	s17 =	simm.s32 $0x0;
	[tilespmem:$0x33E8] =	vst v0  }
0x425: {  	s19 =	simm.s32 $0x0;
	s31 =	smul.u32 $0x180, s9;
	[tilespmem:$0x33C8] =	vst v0;
	s1 =	sshrl.u32 s29, $0x6  }
0x426: {  	[tilespmem:$0x33A8] =	vst v0;
	[sflag:s4] =	ssyncpa.u1 $0x0;
	s4 =	sadd.s32 $0x56CA00, s3;
	s5 =	smul.u32 $0x160, s1  }
.Ltmp0:
0x427: {  	s10 =	sadd.s32 $0x63800, s3;
	v0 =	vimm.s32 $0xFFFFFFFF;
	s3 =	sadd.s32 $0x5A0200, s3;
	(pc) =	sbr.rel .LBB2_1-.Ltmp0, $4  }
0x428: {  	[tilespmem:$0x84C8] =	vst v0;
	[sflag:s11] =	ssyncpa.u1 $0x0;
	p0 =	sne.s32 s0, s5;
	s0 =	simm.s32 $0x1  }
0x429: {  	s11 =	simm.s32 $0x9;
	[sflag:s30] =	ssyncpa.u1 $0x0;
	s0 =	simm.s32 @!p0 $0x0  }
0x42a: {  	s13 =	sshrl.u32 s31, $0x2;
	[sflag:s11] =	ssyncpa.u1 $0x0;
	s12 =	sadd.s32 s0, s1  }
0x42b: {  	v0 =	vlaneseq.u32;
	s18 =	smov.u32 s6;
	p0 =	por $0x1, $0x1;
	s14 =	sadd.s32 $0x1, s12  }
.LBB2_22:
0x42c: {  	s0 =	sshrl.u32 s29, $0x2  }
.LBB2_24:
0x42d: {  	_ =	swait.ge [sflag:s16], s0  }
0x42e: {  	s31 =	ssub.s32 $0x0, s0;
	v1 =	vmov s22;
	vm0 =	veq.s32 v0, $0x0;
	[sflag:s16] =	ssyncset.done $0x0  }
0x42f: {  	vm15 =	veq.s32 v0, $0x2;
	v1 =	vsel vm0, s28, v1;
	[sflag:s16] =	ssyncadd.s32 s31  }
0x430: {  	v1 =	vsel vm15, s20, v1;
	[sflag:s16] =	ssyncpa.u1 $0x1  }
0x431: {  	[tilespmem:$0x84C8] =	vst v1  }
.LBB2_25:
0x432: {  	s0 =	sadd.s32 $0x160, s18  }
0x433: {  	s1 =	smov.u32 s6;
	p2 =	slt.s32 s0, s7  }
0x434: {  	s1 =	smov.u32 @p2 s0;
	p2 =	sne.s32 s19, s14  }
.Ltmp1:
0x435: {  	_ = 	snop;
	(pc) =	sbr.rel @!p2 .LBB2_26-.Ltmp1, $4  }
0x436: {  	_ = 	snop  }
0x437: {  	s20 =	smov.u32 s17  }
0x438: {  	s31 =	sadd.s32 $0x1, s19;
	s17 =	smov.u32 s18;
	p0 =	por !p0, !p0  }
0x439: {  	p1 =	por !p1, !p1;
	s19 =	smov.u32 s31;
	s18 =	smov.u32 s1  }
.LBB2_1:
0x43a: {  	p2 =	sge.u32 s19, s12  }
0x43b: {  	s0 =	smulhi.u32 @!p2 $0xAAAAAAAB, s19  }
0x43c: {  	s1 =	smov.u32 s18;
	p3 =	sgt.s32 @!p2 s18, $0x507B0  }
0x43d: {  	s5 =	sshra.s32 @!p2 s18, $0x1F;
	p3 =	por !p3, p2;
	s0 =	sshrl.u32 @!p2 s0, $0x1  }
0x43e: {  	s5 =	sand.u32 @!p2 s5, s18;
	s1 =	simm.s32 @p3 $0x507B0;
	s0 =	smul.u32 @!p2 $0x3, s0  }
0x43f: {  	s1 =	ssub.s32 @!p2 s1, s5  }
0x440: {  	s22 =	sadd.s32 $0xFFFFFFFF, s19;
	s1 =	sadd.s32 @!p2 $0xFFFAF850, s1;
	s0 =	ssub.s32 @!p2 s19, s0  }
0x441: {  	s5 =	sshll.u32 @!p2 s1, $0x2;
	p3 =	sgt.s32 @!p2 s1, $0x15F;
	s0 =	smul.u32 @!p2 $0x580, s0  }
0x442: {  	s21 =	sand.u32 @!p2 $0x7, s18;
	s1 =	ssub.s32 @!p2 $0x580, s5;
	p3 =	por !p3, p2  }
0x443: {  	s5 =	sshrl.u32 @!p2 s18, $0x3;
	s1 =	sshrl.u32 @!p2 s1, $0x2;
	s0 =	sshrl.u32 @!p2 s0, $0x2  }
0x444: {  	s5 =	sadd.s32 @!p2 s3, s5;
	s1 =	simm.s32 @!p3 $0x0;
	s0 =	sadd.s32 @!p2 $0x8AF8, s0  }
0x445: {  	[tilespmem:s0], [sflag:$0x8] =	stream.linear.gather @!p2 [hbm4b:s5+s21], s1, $0x38;
	[tilespmem:$0x1F1D8] =	vst v63  }
0x446: {  	p2 =	sge.u32 s22, s12  }
0x447: {  	p3 =	sgt.s32 @!p2 s17, $0x507B0  }
0x448: {  	s0 =	smov.u32 s17;
	s1 =	sshra.s32 @!p2 s17, $0x1F;
	p3 =	por !p3, p2  }
0x449: {  	s1 =	sand.u32 @!p2 s1, s17;
	s0 =	simm.s32 @p3 $0x507B0  }
0x44a: {  	s0 =	ssub.s32 @!p2 s0, s1  }
0x44b: {  	s0 =	sadd.s32 @!p2 $0xFFFAF850, s0  }
0x44c: {  	s1 =	sshll.u32 @!p2 s0, $0x2  }
0x44d: {  	p3 =	sgt.s32 @!p2 s0, $0x15F;
	s0 =	ssub.s32 @!p2 $0x580, s1  }
0x44e: {  	p3 =	por !p3, p2;
	s0 =	sshrl.u32 @!p2 s0, $0x2  }
0x44f: {  	s5 =	simm.s32 @!p2 $0x8;
	s1 =	sand.u32 @!p2 $0x1, s22;
	s0 =	simm.s32 @!p3 $0x0  }
0x450: {  	s1 =	smul.u32 @!p2 $0x580, s1;
	_ =	swait.ge @!p2 [sflag:s5], s0  }
0x451: {  	s21 =	ssub.s32 @!p2 $0x0, s0;
	[sflag:s5] =	ssyncset.done @!p2 $0x0  }
0x452: {  	s1 =	sshrl.u32 @!p2 s1, $0x2;
	[sflag:s5] =	ssyncadd.s32 @!p2 s21;
	s5 =	sshrl.u32 @!p2 s17, $0x3  }
0x453: {  	s1 =	sadd.s32 @!p2 $0x8F18, s1;
	s21 =	sand.u32 @!p2 $0x7, s17;
	s5 =	sadd.s32 @!p2 s8, s5  }
0x454: {  	[tilespmem:s1], [sflag:$0x9] =	stream.linear.gather @!p2 [hbm4b:s5+s21], s0, $0x38;
	[tilespmem:$0x1F1D8] =	vst v63  }
0x455: {  	s21 =	ssub.s32 @!p2 $0x50910, s17  }
0x456: {  	p3 =	slt.s32 @!p2 s21, $0x1  }
0x457: {  	p3 =	por p2, p3  }
.Ltmp2:
0x458: {  	_ = 	snop;
	(pc) =	sbr.rel @p3 .LBB2_7-.Ltmp2, $1  }
0x459: {  	_ =	sdelay $0x3  }
0x45a: {  	s0 =	smulhi.u32 $0xAAAAAAAB, s22;
	_ =	sdelay $0x1  }
0x45b: {  	s0 =	sshrl.u32 s0, $0x1  }
0x45c: {  	s0 =	smul.u32 $0x3, s0;
	_ =	sdelay $0x1  }
0x45d: {  	s0 =	ssub.s32 s22, s0  }
0x45e: {  	s1 =	simm.s32 $0x1;
	s0 =	smul.u32 $0x580, s0  }
.Ltmp3:
0x45f: {  	s1 =	simm.s32 @!p0 $0x0;
	(pc) =	sbr.rel .LBB2_4-.Ltmp3, $4  }
0x460: {  	s1 =	smul.u32 $0x2C000, s1  }
0x461: {  	p3 =	slt.s32 @!p2 s21, $0x160;
	s0 =	sshrl.u32 s0, $0x2  }
0x462: {  	p2 =	por !p3, p2;
	s1 =	sshrl.u32 s1, $0x2;
	s0 =	sadd.s32 $0x8AF8, s0  }
0x463: {  	s23 =	simm.s32 $0x0;
	s21 =	simm.s32 @p2 $0x160;
	s22 =	sadd.s32 $0x91D8, s1;
	v1 =	vmov s0  }
.LBB2_3:
0x464: {  	p2 =	sge.s32 s23, s21  }
.Ltmp4:
0x465: {  	_ = 	snop;
	(pc) =	sbr.rel @p2 .LBB2_7-.Ltmp4, $2  }
0x466: {  	_ =	sdelay $0x2  }
0x467: {  	s22 =	sadd.s32 $0x800, s22  }
.LBB2_4:
0x468: {  	p2 =	sle.s32 s21, s23  }
.Ltmp5:
0x469: {  	_ = 	snop;
	(pc) =	sbr.rel @p2 .LBB2_3-.Ltmp5, $2  }
0x46a: {  	_ =	sdelay $0x2  }
0x46b: {  	s24 =	smov.u32 s23;
	s23 =	sadd.s32 $0x10, s23  }
0x46c: {  	s0 =	ssub.s32 s21, s24  }
0x46d: {  	p2 =	slt.s32 s0, $0x10  }
0x46e: {  	s0 =	simm.s32 @!p2 $0x10  }
0x46f: {  	v2 =	vmov s0  }
0x470: {  	vm0 =	vgt.s32 v2, v0;
	_ =	sdelay $0x5  }
0x471: {  	v2 =	vld.idx.msk [tilespmem:v1+s24+$0x0 ss:$0x1], vm0;
	_ =	sdelay $0x2  }
0x472: {  	p2 =	slt.s32 s23, s21;
	s0 =	smov.u32 s21  }
0x473: {  	s5 =	smov.u32 s22;
	s25 =	simm.s32 $0x0;
	s0 =	smov.u32 @p2 s23  }
.LBB2_6:
0x474: {  	(v2sf) =	vpush v2, s25;
	_ =	sdelay $0xc  }
0x475: {  	s25 =	sadd.s32 $0x1, s25  }
0x476: {  	s31 =	sadd.s32 s25, s24  }
0x477: {  	p2 =	slt.s32 s31, s0;
	s1 =	spop (v2sf)  }
.Ltmp6:
0x478: {  	s1 =	sshll.u32 s1, $0x4;
	(pc) =	sbr.rel @p2 .LBB2_6-.Ltmp6, $4  }
0x479: {  	s1 =	sand.u32 $0x1FFFFFF0, s1  }
0x47a: {  	s1 =	sadd.s32 s10, s1  }
0x47b: {  	[tilespmem:s5], [sflag:$0x7] =	stream.linear.gather [hbm4b:s1+s15], $0x28, $0x38;
	[tilespmem:$0x1F1D8] =	vst v63  }
0x47c: {  	s5 =	sadd.s32 $0x80, s5  }
.Ltmp7:
0x47d: {  	_ = 	snop;
	(pc) =	sbr.rel .LBB2_3-.Ltmp7, $1  }
0x47e: {  	_ =	sdelay $0x3  }
.LBB2_7:
0x47f: {  	p2 =	slt.u32 s19, $0x2  }
.Ltmp8:
0x480: {  	_ = 	snop;
	(pc) =	sbr.rel @p2 .LBB2_25-.Ltmp8, $1  }
0x481: {  	_ =	sdelay $0x3  }
0x482: {  	s0 =	ssub.s32 $0x50910, s20;
	p2 =	sgt.s32 s20, $0x507B0;
	s1 =	smov.u32 s20  }
0x483: {  	s5 =	sshra.s32 s20, $0x1F;
	p3 =	slt.s32 s0, $0x160;
	s21 =	smov.u32 s0  }
0x484: {  	s1 =	simm.s32 @!p2 $0x507B0;
	s5 =	sand.u32 s5, s20;
	s21 =	simm.s32 @!p3 $0x160  }
0x485: {  	s1 =	ssub.s32 s1, s5;
	s25 =	smul.u32 $0xA0, s21  }
0x486: {  	s1 =	sadd.s32 $0xFFFAF850, s1  }
0x487: {  	s9 =	simm.s32 $0x7;
	s26 =	sshll.u32 s1, $0x2;
	s5 =	sshrl.u32 s25, $0x2  }
0x488: {  	p2 =	sgt.s32 s1, $0x15F;
	s29 =	ssub.s32 $0x580, s26;
	_ =	swait.ge [sflag:s9], s5  }
0x489: {  	s5 =	ssub.s32 $0x0, s5;
	s1 =	sshrl.u32 s29, $0x2;
	[sflag:s9] =	ssyncset.done $0x0  }
0x48a: {  	s1 =	simm.s32 @p2 $0x0;
	[sflag:s9] =	ssyncadd.s32 s5  }
0x48b: {  	_ =	swait.ge [sflag:s11], s1  }
0x48c: {  	s1 =	ssub.s32 $0x0, s1;
	[sflag:s11] =	ssyncset.done $0x0  }
0x48d: {  	[sflag:s11] =	ssyncadd.s32 s1  }
0x48e: {  	v1 =	vld [tilespmem:$0x84C8];
	_ =	sdelay $0x4  }
0x48f: {  	(v2sf) =	vpush v1, $0x0  }
0x490: {  	(v2sf) =	vpush v1, $0x1  }
0x491: {  	(v2sf) =	vpush v1, $0x2;
	_ =	sdelay $0x3  }
0x492: {  	s1 =	sadd.s32 $0x160, s20  }
0x493: {  	p2 =	slt.s32 s7, s1  }
0x494: {  	s1 =	smov.u32 @p2 s7;
	p2 =	sgt.s32 s0, $0x0  }
0x495: {  	s23 =	ssub.s32 s1, s20;
	s0 =	simm.s32 @!p2 $0x0  }
0x496: {  	p2 =	slt.s32 s0, s23  }
0x497: {  	s23 =	smov.u32 @p2 s0  }
0x498: {  	s24 =	simm.s32 $0x1;
	p2 =	slt.s32 s23, $0x1  }
.Ltmp9:
0x499: {  	s24 =	simm.s32 @!p1 $0x0;
	(pc) =	sbr.rel @p2 .LBB2_12-.Ltmp9, $4  }
0x49a: {  	s30 =	smul.u32 $0x580, s24  }
0x49b: {  	s25 =	spop (v2sf)  }
0x49c: {  	s31 =	sshrl.u32 s30, $0x2;
	s28 =	spop (v2sf)  }
0x49d: {  	s21 =	sadd.s32 $0x8F18, s31;
	s20 =	spop (v2sf)  }
0x49e: {  	s0 =	smin.u32 s23, $0x10  }
0x49f: {  	v1 =	vmov s0  }
0x4a0: {  	p3 =	sgt.s32 s23, $0x10;
	vm1 =	vgt.u32 v1, v0  }
.Ltmp10:
0x4a1: {  	_ = 	snop;
	(pc) =	sbr.rel @!p3 .LBB2_11-.Ltmp10, $2  }
0x4a2: {  	_ =	sdelay $0x2  }
0x4a3: {  	s26 =	simm.s32 $0x10;
	s29 =	sadd.s32 $0xFFFFFFF0, s23;
	s22 =	smov.u32 s21;
	vm0 =	vmmov vm1  }
.LBB2_10:
0x4a4: {  	s0 =	smin.u32 s29, $0x10;
	s26 =	sadd.s32 $0x10, s26;
	v1 =	vld.msk [tilespmem:s22+$0x0 ss:$0x1], vm1  }
0x4a5: {  	v2 =	vmov s0;
	p3 =	slt.s32 s26, s23  }
0x4a6: {  	vm1 =	vgt.u32 v2, v0  }
.Ltmp11:
0x4a7: {  	(pc) =	sbr.rel @p3 .LBB2_10-.Ltmp11, $3  }
0x4a8: {  	_ =	sdelay $0x1  }
0x4a9: {  	v1 =	vshll.u32 v1, $0x4  }
0x4aa: {  	s29 =	sadd.s32 $0xFFFFFFF0, s29;
	[tilespmem:s22+$0x0] =	vst.msk vm0, v1;
	s22 =	sadd.s32 $0x10, s22;
	vm0 =	vmmov vm1  }
.LBB2_11:
0x4ab: {  	_ =	sdelay $0x4  }
0x4ac: {  	v1 =	vld.msk [tilespmem:s22+$0x0 ss:$0x1], vm1;
	_ =	sdelay $0x4  }
0x4ad: {  	v1 =	vshll.u32 v1, $0x4  }
0x4ae: {  	[tilespmem:s22+$0x0] =	vst.msk vm0, v1  }
.LBB2_12:
0x4af: {  	s0 =	sand.u32 $0x1, s19  }
0x4b0: {  	s0 =	smul.u32 $0x160, s0  }
0x4b1: {  	p3 =	sne.s32 s28, $0xFFFFFFFF  }
0x4b2: {  	v1 =	vld.msk @!p3 [tilespmem:s0+$0x8F18], $0x1;
	_ =	sdelay $0x4  }
0x4b3: {  	(v2sf) =	vpush @!p3 v1, $0x0;
	_ =	sdelay $0xc  }
.Ltmp12:
0x4b4: {  	_ = 	snop;
	(pc) =	sbr.rel @p2 .LBB2_23-.Ltmp12, $4  }
0x4b5: {  	_ = 	snop  }
0x4b6: {  	s26 =	spop @!p3 (v2sf)  }
0x4b7: {  	s20 =	simm.s32 @!p3 $0x0;
	s22 =	smov.u32 s26  }
0x4b8: {  	[sflag:s16] =	ssyncpa.u1 $0x0;
	s26 =	smov.u32 @p3 s25;
	s22 =	smov.u32 @p3 s28  }
0x4b9: {  	v1 =	vld.msk [tilespmem:s21+$0x0], $0x1;
	_ =	sdelay $0x4  }
0x4ba: {  	(v2sf) =	vpush v1, $0x0;
	_ =	sdelay $0xd  }
0x4bb: {  	s0 =	smul.u32 $0x2C000, s24  }
0x4bc: {  	s23 =	ssub.s32 $0x0, s23;
	s24 =	simm.s32 $0x0;
	s30 =	spop (v2sf)  }
0x4bd: {  	s5 =	smov.u32 s26;
	s28 =	sadd.s32 $0x1, s23;
	p2 =	seq.s32 s26, s30  }
0x4be: {  	p4 =	seq.s32 s28, $0x0;
	p3 =	sgt.s32 @!p2 s26, $0x0;
	s1 =	smul.u32 @!p2 $0xC0, s24  }
.Ltmp13:
0x4bf: {  	s0 =	sshrl.u32 s0, $0x2;
	p3 =	por !p3, p2;
	(pc) =	sbr.rel @p4 .LBB2_15-.Ltmp13, $4  }
0x4c0: {  	s9 =	smov.u32 s8;
	s25 =	sadd.s32 $0x91E8, s0;
	s5 =	simm.s32 @p3 $0x0  }
0x4c1: {  	s31 =	simm.s32 @!p2 $0x1;
	s0 =	sshra.s32 @!p2 s1, $0x2;
	s1 =	smin.u32 @!p2 s5, $0x271FB  }
0x4c2: {  	s31 =	smov.u32 @p2 s24;
	s0 =	sadd.s32 @!p2 $0x4298, s0;
	s29 =	sand.u32 @!p2 $0x3FFF8, s1  }
0x4c3: {  	s5 =	sand.u32 @!p2 $0x7, s1;
	s1 =	sadd.s32 @!p2 s4, s29;
	s29 =	sadd.s32 $0x1, s21  }
.LBB2_14:
0x4c4: {  	s8 =	smov.u32 s31  }
0x4c5: {  	[tilespmem:s0], [sflag:$0x2] =	stream.linear.gather @!p2 [hbm4b:s1+s5], $0x28, $0x38;
	[tilespmem:$0x1F1D8] =	vst v63  }
0x4c6: {  	s28 =	sadd.s32 $0x1, s28;
	s0 =	smov.u32 s30;
	v1 =	vld.msk [tilespmem:s29+$0x0], $0x1  }
0x4c7: {  	p3 =	seq.s32 s28, $0x0;
	_ =	sdelay $0x3  }
0x4c8: {  	(v2sf) =	vpush v1, $0x0;
	_ =	sdelay $0xe  }
0x4c9: {  	s30 =	spop (v2sf)  }
0x4ca: {  	p2 =	seq.s32 s0, s30  }
0x4cb: {  	p4 =	sgt.s32 @!p2 s0, $0x0;
	s1 =	smul.u32 @!p2 $0xC0, s31;
	s31 =	sadd.s32 @!p2 $0x1, s31  }
.Ltmp14:
0x4cc: {  	p4 =	por !p4, p2;
	s31 =	smov.u32 @p2 s8;
	(pc) =	sbr.rel @!p3 .LBB2_14-.Ltmp14, $4  }
0x4cd: {  	s0 =	simm.s32 @p4 $0x0;
	s1 =	sshra.s32 @!p2 s1, $0x2  }
0x4ce: {  	s5 =	smin.u32 @!p2 s0, $0x271FB;
	s0 =	sadd.s32 @!p2 $0x4298, s1  }
0x4cf: {  	s1 =	sand.u32 @!p2 $0x3FFF8, s5;
	s5 =	sand.u32 @!p2 $0x7, s5  }
0x4d0: {  	s29 =	sadd.s32 $0x1, s29;
	s1 =	sadd.s32 @!p2 s4, s1  }
.LBB2_15:
0x4d1: {  	s8 =	smul.u32 $0xA0, s31  }
0x4d2: {  	[tilespmem:s0], [sflag:$0x2] =	stream.linear.gather @!p2 [hbm4b:s1+s5], $0x28, $0x38;
	[tilespmem:$0x1F1D8] =	vst v63  }
.Ltmp15:
0x4d3: {  	_ = 	snop;
	(pc) =	sbr.rel .LBB2_16-.Ltmp15, $4  }
0x4d4: {  	s31 =	simm.s32 $0x2;
	s30 =	sshrl.u32 s8, $0x2  }
0x4d5: {  	_ =	swait.ge [sflag:s31], s30  }
0x4d6: {  	s0 =	ssub.s32 $0x0, s30;
	[sflag:s31] =	ssyncset.done $0x0  }
0x4d7: {  	s29 =	simm.s32 $0x0;
	s8 =	smov.u32 s9;
	[sflag:s31] =	ssyncadd.s32 s0  }
.LBB2_17:
0x4d8: {  	v1 =	vld [tilespmem:s25+$0xFFFFFFF0];
	_ =	sdelay $0x4  }
0x4d9: {  	[tilespmem:s30+$0x68] =	vst.add.f32.msk $0xffff, v1  }
0x4da: {  	v1 =	vld [tilespmem:s25+$0x0];
	_ =	sdelay $0x4  }
0x4db: {  	[tilespmem:s30+$0x78] =	vst.add.f32.msk $0xffff, v1  }
0x4dc: {  	v1 =	vld.msk [tilespmem:s25+$0x10], $0xff;
	_ =	sdelay $0x4  }
0x4dd: {  	[tilespmem:s30+$0x88] =	vst.add.f32.msk $0xff, v1  }
.LBB2_21:
0x4de: {  	s23 =	sadd.s32 $0x1, s23  }
0x4df: {  	p2 =	seq.s32 s23, $0x0  }
.Ltmp16:
0x4e0: {  	_ = 	snop;
	(pc) =	sbr.rel @p2 .LBB2_22-.Ltmp16, $2  }
0x4e1: {  	_ =	sdelay $0x2  }
0x4e2: {  	s25 =	sadd.s32 $0x80, s25;
	s21 =	sadd.s32 $0x1, s21;
	s26 =	smov.u32 s28  }
.LBB2_16:
0x4e3: {  	v1 =	vld.msk [tilespmem:s21+$0x0], $0x1;
	_ =	sdelay $0x4  }
0x4e4: {  	(v2sf) =	vpush v1, $0x0;
	_ =	sdelay $0xe  }
0x4e5: {  	s28 =	spop (v2sf)  }
0x4e6: {  	p2 =	sne.s32 s26, s28  }
.Ltmp17:
0x4e7: {  	_ = 	snop;
	(pc) =	sbr.rel @!p2 .LBB2_17-.Ltmp17, $3  }
0x4e8: {  	_ = 	snop  }
0x4e9: {  	s0 =	smul.u32 $0xC0, s20;
	_ =	sdelay $0x1  }
0x4ea: {  	s30 =	sshra.s32 s0, $0x2  }
0x4eb: {  	p2 =	seq.s32 s26, s22  }
.Ltmp18:
0x4ec: {  	_ = 	snop;
	(pc) =	sbr.rel @!p2 .LBB2_19-.Ltmp18, $1  }
0x4ed: {  	_ =	sdelay $0x3  }
.Ltmp19:
0x4ee: {  	s0 =	sadd.s32 $0x68, s30;
	(pc) =	sbr.rel .LBB2_20-.Ltmp19, $4  }
0x4ef: {  	[spmem:s13] =	stream.linear.scatter [tilespmem:s0], [sflag:$0x1], $0x28, $0x38;
	[tilespmem:$0x1F1D8] =	vst v63  }
0x4f0: {  	_ =	swait.ge [sflag:s2], $0x28  }
0x4f1: {  	[sflag:s2] =	ssyncset.done $0x0  }
0x4f2: {  	[sflag:s2] =	ssyncadd.s32 $0xFFFFFFD8  }
.LBB2_19:
0x4f3: {  	s0 =	smul.u32 $0xC0, s24;
	_ =	sdelay $0x1  }
0x4f4: {  	s0 =	sshra.s32 s0, $0x2  }
0x4f5: {  	v1 =	vld [tilespmem:s0+$0x4298];
	_ =	sdelay $0x4  }
0x4f6: {  	[tilespmem:s30+$0x68] =	vst.add.f32.msk $0xffff, v1  }
0x4f7: {  	v1 =	vld [tilespmem:s0+$0x42A8];
	_ =	sdelay $0x4  }
0x4f8: {  	[tilespmem:s30+$0x78] =	vst.add.f32.msk $0xffff, v1  }
0x4f9: {  	v1 =	vld.msk [tilespmem:s0+$0x42B8], $0xff;
	_ =	sdelay $0x2  }
0x4fa: {  	p2 =	sgt.u32 s26, $0x271FB  }
0x4fb: {  	s0 =	sand.u32 @!p2 $0x3FFF8, s26  }
0x4fc: {  	s1 =	sadd.s32 $0x68, s30;
	s5 =	sand.u32 @!p2 $0x7, s26;
	s0 =	sadd.s32 @!p2 s4, s0;
	[tilespmem:s30+$0x88] =	vst.add.f32.msk $0xff, v1  }
0x4fd: {  	[hbm4b:s0+s5] =	stream.linear.scatter @!p2 [tilespmem:s1], [sflag:$0xA], $0x28, $0x38;
	[tilespmem:$0x1F1D8] =	vst v63  }
0x4fe: {  	s0 =	simm.s32 $0x0  }
0x4ff: {  	s0 =	simm.s32 @!p2 $0xA0  }
0x500: {  	s29 =	sadd.s32 s0, s29  }
.LBB2_20:
0x501: {  	s0 =	sadd.s32 $0x1, s20  }
0x502: {  	s1 =	smulhi.u32 $0xBA2E8BA3, s0;
	_ =	sdelay $0x1  }
0x503: {  	s1 =	sshrl.u32 s1, $0x8  }
0x504: {  	s1 =	smul.u32 $0x160, s1  }
0x505: {  	v1 =	vld [tilespmem:s25+$0xFFFFFFF0]  }
0x506: {  	s20 =	ssub.s32 s0, s1  }
0x507: {  	s0 =	smul.u32 $0xC0, s20;
	_ =	sdelay $0x1  }
0x508: {  	s0 =	sshrl.u32 s0, $0x2  }
0x509: {  	[tilespmem:s0+$0x68] =	vst v1  }
0x50a: {  	v1 =	vld [tilespmem:s25+$0x0];
	_ =	sdelay $0x4  }
0x50b: {  	[tilespmem:s0+$0x78] =	vst v1  }
0x50c: {  	v1 =	vld.msk [tilespmem:s25+$0x10], $0xff  }
.Ltmp20:
0x50d: {  	_ = 	snop;
	(pc) =	sbr.rel .LBB2_21-.Ltmp20, $2  }
0x50e: {  	_ =	sdelay $0x2  }
0x50f: {  	s24 =	sadd.s32 $0x1, s24;
	[tilespmem:s0+$0x88] =	vst.msk $0xff, v1  }
.LBB2_23:
.Ltmp21:
0x510: {  	(pc) =	sbr.rel .LBB2_24-.Ltmp21, $4  }
0x511: {  	_ = 	snop  }
0x512: {  	s0 =	simm.s32 $0x2  }
0x513: {  	_ =	swait.ge [sflag:s0], $0x0  }
0x514: {  	s28 =	smov.u32 s26;
	[sflag:s0] =	ssyncset.done $0x0;
	s0 =	simm.s32 $0x0  }
.LBB2_26:
0x515: {  	_ =	sfence.sel $0x180000  }
0x516: {  	s0 =	simm.s32 $0x7;
	[bflag:$0x0] =	sbarrier.arrive $0xFFFF  }
0x517: {  	s25 =	simm.s32 $0x8;
	[sflag:s0] =	ssyncpa.u1 $0x1  }
0x518: {  	s26 =	simm.s32 $0x9;
	[sflag:s25] =	ssyncpa.u1 $0x1  }
0x519: {  	s28 =	simm.s32 $0x2;
	[sflag:s26] =	ssyncpa.u1 $0x1  }
0x51a: {  	[sflag:s28] =	ssyncpa.u1 $0x1  }
0x51b: {  	v0 =	vld [tilespmem:$0x84C8];
	_ =	sdelay $0x4  }
0x51c: {  	(v2sf) =	vpush v0, $0x0  }
0x51d: {  	(v2sf) =	vpush v0, $0x1  }
0x51e: {  	(v2sf) =	vpush v0, $0x2;
	_ =	sdelay $0xc  }
0x51f: {  	s0 =	spop (v2sf)  }
0x520: {  	s1 =	spop (v2sf)  }
0x521: {  	s2 =	smov.u32 s0;
	p0 =	sne.s32 s0, s1;
	s3 =	spop (v2sf)  }
0x522: {  	s2 =	simm.s32 @!p0 $0xFFFFFFFF;
	p0 =	seq.s32 s3, $0xFFFFFFFF  }
0x523: {  	v2 =	vimm.s32 $0x1;
	v3 =	vlaneseq.u32;
	v1 =	vmov s2;
	p1 =	sne.s32 @!p0 s0, s1  }
0x524: {  	s7 =	stileid.u32;
	v0 =	vperm.xlane v0, v2;
	s0 =	simm.s32 @!p0 $0x1;
	v1 =	vperm.xlane v1, v3;
	p1 =	por !p1, p0  }
0x525: {  	vm0 =	vcmask $0x3F04;
	s2 =	sshll.u32 s7, $0x1;
	s1 =	smul.u32 @!p0 $0xC0, s3;
	s0 =	simm.s32 @p1 $0x0  }
0x526: {  	s6 =	simm.s32 $0x84C8;
	v0 =	vsel vm0, v1, v0;
	s0 =	sor.u32 @!p0 s0, s2  }
0x527: {  	s5 =	sor.u32 $0x600, s2;
	s1 =	sshra.s32 @!p0 s1, $0x2;
	[tilespmem:$0x84C8] =	vst v0;
	s0 =	smul.u32 @!p0 $0xC0, s0  }
0x528: {  	[spmem:s5] =	stream.linear.scatter [tilespmem:s6], [sflag:$0x1], $0x2, $0x38;
	[tilespmem:$0x1F1D8] =	vst v63  }
0x529: {  	s1 =	sadd.s32 @!p0 $0x68, s1;
	s0 =	sshrl.u32 @!p0 s0, $0x2  }
0x52a: {  	[spmem:s0] =	stream.linear.scatter @!p0 [tilespmem:s1], [sflag:$0x1], $0x30, $0x38;
	[tilespmem:$0x1F1D8] =	vst v63  }
0x52b: {  	s1 =	simm.s32 @!p0 $0x32  }
0x52c: {  	s0 =	simm.s32 $0x1;
	s1 =	simm.s32 @p0 $0x2  }
0x52d: {  	_ =	swait.ge [sflag:s0], s1  }
0x52e: {  	s1 =	ssub.s32 $0x0, s1;
	[sflag:s0] =	ssyncset.done $0x0  }
0x52f: {  	[sflag:s0] =	ssyncadd.s32 s1  }
0x530: {  	_ =	sfence.stream.spmem  }
0x531: {  	s29 =	simm.s32 $0x3;
	[bflag:$0x0] =	sbarrier.arrive $0xFFFF  }
0x532: {  	s30 =	simm.s32 $0x4;
	[sflag:s29] =	ssyncpa.u1 $0x1  }
0x533: {  	s31 =	simm.s32 $0x3C;
	[sflag:s30] =	ssyncpa.u1 $0x1  }
0x534: {  	p0 =	sne.s32 s7, $0x0;
	[sflag:s31] =	ssyncpa.u1 $0x1  }
0x535: {  	_ =	sfence @p0  }
0x536: {  	[sflag:s0] =	ssyncpa.u1 @p0 $0x1  }
0x537: {  	_ =	strace @p0 $0x90000053  }
0x538: {  	[bflag:$0x2] =	sbarrier.arrive @p0 $0xFFFF  }
0x539: {  	_ =	shalt @p0  }
.LBB2_27:
0x53a: {  	_ =	sfence.stream.spmem;
	s0 =	simm.s32 $0x5  }
0x53b: {  	s1 =	simm.s32 $0x600;
	s2 =	simm.s32 $0x84D8;
	[sflag:s0] =	ssyncpa.u1 $0x0  }
0x53c: {  	[tilespmem:s2], [sflag:$0x5] =	stream.linear.gather [spmem:s1], $0x20, $0x38;
	[tilespmem:$0x1F1D8] =	vst v63  }
0x53d: {  	s30 =	simm.s32 $0x84F8;
	s1 =	simm.s32 $0x0  }
0x53e: {  	[tilespmem:s30], [sflag:$0x5] =	stream.linear.gather [spmem:s1], $0x600, $0x38;
	[tilespmem:$0x1F1D8] =	vst v63  }
.Ltmp22:
0x53f: {  	_ = 	snop;
	(pc) =	sbr.rel .LBB2_28-.Ltmp22, $4  }
0x540: {  	_ =	swait.ge [sflag:s0], $0x620  }
0x541: {  	[sflag:s0] =	ssyncset.done $0x0  }
0x542: {  	s31 =	simm.s32 $0x6;
	[sflag:s0] =	ssyncadd.s32 $0xFFFFF9E0  }
0x543: {  	s2 =	simm.s32 $0x0;
	[sflag:s31] =	ssyncpa.u1 $0x0  }
.LBB2_34:
0x544: {  	p0 =	slt.u32 s3, $0x271FC  }
0x545: {  	s0 =	sand.u32 @p0 $0x3FFF8, s3  }
0x546: {  	s3 =	sand.u32 @p0 $0x7, s3;
	s5 =	simm.s32 @p0 $0x8498;
	s0 =	sadd.s32 @p0 s4, s0  }
0x547: {  	[tilespmem:s5], [sflag:$0x6] =	stream.linear.gather @p0 [hbm4b:s0+s3], $0x28, $0x38;
	[tilespmem:$0x1F1D8] =	vst v63  }
0x548: {  	s0 =	simm.s32 @p0 $0x6  }
0x549: {  	_ =	swait.ge @p0 [sflag:s0], $0x28  }
0x54a: {  	[sflag:s0] =	ssyncset.done @p0 $0x0  }
0x54b: {  	[sflag:s0] =	ssyncadd.s32 @p0 $0xFFFFFFD8  }
0x54c: {  	v1 =	vld @p0 [tilespmem:$0x8498];
	_ =	sdelay $0x1  }
0x54d: {  	s0 =	smul.u32 @p0 $0xC0, s2;
	_ =	sdelay $0x1  }
0x54e: {  	s3 =	sshra.s32 @p0 s0, $0x2  }
0x54f: {  	[tilespmem:s3+$0x84F8] =	vst.add.f32.msk @p0 $0xffff, v1  }
0x550: {  	v1 =	vld @p0 [tilespmem:$0x84A8];
	_ =	sdelay $0x4  }
0x551: {  	[tilespmem:s3+$0x8508] =	vst.add.f32.msk @p0 $0xffff, v1  }
0x552: {  	v1 =	vld @p0 [tilespmem:$0x84B8];
	_ =	sdelay $0x2  }
0x553: {  	s5 =	smul.u32 @!p0 $0xC0, s2;
	_ =	sdelay $0x1  }
0x554: {  	s5 =	smov.u32 @p0 s0;
	[tilespmem:s3+$0x8518] =	vst.add.f32.msk @p0 $0xffff, v1  }
0x555: {  	s0 =	sshra.s32 s5, $0x2;
	[tilespmem:s1+$0x84D8] =	vst.msk $0x1, v0  }
0x556: {  	v0 =	vld [tilespmem:s0+$0x84F8];
	_ =	sdelay $0x1  }
0x557: {  	s31 =	smul.u32 $0xC0, s1;
	_ =	sdelay $0x1  }
0x558: {  	s3 =	sshra.s32 s31, $0x2  }
0x559: {  	[tilespmem:s3+$0x84F8] =	vst v0  }
0x55a: {  	v0 =	vld [tilespmem:s0+$0x8508];
	_ =	sdelay $0x4  }
0x55b: {  	[tilespmem:s3+$0x8508] =	vst v0  }
0x55c: {  	v0 =	vld [tilespmem:s0+$0x8518];
	_ =	sdelay $0x4  }
0x55d: {  	s1 =	sadd.s32 $0x1, s1;
	[tilespmem:s3+$0x8518] =	vst v0  }
.LBB2_35:
0x55e: {  	s2 =	sadd.s32 $0x1, s2  }
0x55f: {  	p0 =	sne.s32 s2, $0x20  }
.Ltmp23:
0x560: {  	_ = 	snop;
	(pc) =	sbr.rel @!p0 .LBB2_36-.Ltmp23, $1  }
0x561: {  	_ =	sdelay $0x3  }
.LBB2_28:
0x562: {  	v0 =	vld.msk [tilespmem:s2+$0x84D8], $0x1;
	_ =	sdelay $0x4  }
0x563: {  	(v2sf) =	vpush v0, $0x0;
	_ =	sdelay $0xe  }
0x564: {  	s3 =	spop (v2sf)  }
0x565: {  	p0 =	seq.s32 s3, $0xFFFFFFFF  }
.Ltmp24:
0x566: {  	_ = 	snop;
	(pc) =	sbr.rel @p0 .LBB2_35-.Ltmp24, $1  }
0x567: {  	_ =	sdelay $0x3  }
0x568: {  	p0 =	slt.s32 s1, $0x1  }
.Ltmp25:
0x569: {  	_ = 	snop;
	(pc) =	sbr.rel @p0 .LBB2_34-.Ltmp25, $1  }
0x56a: {  	_ =	sdelay $0x3  }
0x56b: {  	s5 =	simm.s32 $0x84D8;
	p0 =	por $0x0, $0x0  }
0x56c: {  	v1 =	vld.msk @!p0 [tilespmem:s5+$0x0], $0x1;
	_ =	sdelay $0x4  }
0x56d: {  	(v2sf) =	vpush @!p0 v1, $0x0;
	_ =	sdelay $0xd  }
0x56e: {  	p2 =	sne.s32 s1, $0x1  }
.Ltmp26:
0x56f: {  	s0 =	spop @!p0 (v2sf);
	(pc) =	sbr.rel @!p2 .LBB2_32-.Ltmp26, $4  }
0x570: {  	p1 =	seq.s32 @!p0 s3, s0  }
0x571: {  	s6 =	simm.s32 $0x0;
	p1 =	por !p1, p0  }
0x572: {  	s0 =	simm.s32 $0xFFFFFFFF;
	s6 =	simm.s32 @p1 $0xFFFFFFFF  }
0x573: {  	s7 =	simm.s32 $0x1;
	s6 =	smov.u32 @p0 s0  }
.LBB2_31:
0x574: {  	s0 =	smov.u32 s6;
	p0 =	sne.s32 s6, $0xFFFFFFFF  }
0x575: {  	s5 =	sadd.s32 $0x1, s5;
	s6 =	smov.u32 s7;
	s7 =	sadd.s32 $0x1, s7  }
0x576: {  	p1 =	sne.s32 s1, s7;
	v1 =	vld.msk @!p0 [tilespmem:s5+$0x0], $0x1;
	_ =	sdelay $0x4  }
0x577: {  	(v2sf) =	vpush @!p0 v1, $0x0;
	_ =	sdelay $0xe  }
.Ltmp27:
0x578: {  	s8 =	spop @!p0 (v2sf);
	(pc) =	sbr.rel @p1 .LBB2_31-.Ltmp27, $4  }
0x579: {  	p2 =	seq.s32 @!p0 s3, s8  }
0x57a: {  	p2 =	por !p2, p0  }
0x57b: {  	s6 =	simm.s32 @p2 $0xFFFFFFFF  }
0x57c: {  	s6 =	smov.u32 @p0 s0  }
.LBB2_32:
0x57d: {  	p0 =	seq.s32 s6, $0xFFFFFFFF  }
.Ltmp28:
0x57e: {  	_ = 	snop;
	(pc) =	sbr.rel @p0 .LBB2_34-.Ltmp28, $1  }
0x57f: {  	_ =	sdelay $0x3  }
0x580: {  	s0 =	smul.u32 $0xC0, s2;
	_ =	sdelay $0x1  }
0x581: {  	s0 =	sshra.s32 s0, $0x2  }
0x582: {  	v0 =	vld [tilespmem:s0+$0x84F8];
	_ =	sdelay $0x1  }
0x583: {  	s3 =	smul.u32 $0xC0, s6;
	_ =	sdelay $0x1  }
0x584: {  	s3 =	sshra.s32 s3, $0x2  }
0x585: {  	[tilespmem:s3+$0x84F8] =	vst.add.f32.msk $0xffff, v0  }
0x586: {  	v0 =	vld [tilespmem:s0+$0x8508];
	_ =	sdelay $0x4  }
0x587: {  	[tilespmem:s3+$0x8508] =	vst.add.f32.msk $0xffff, v0  }
0x588: {  	v0 =	vld [tilespmem:s0+$0x8518]  }
.Ltmp29:
0x589: {  	_ = 	snop;
	(pc) =	sbr.rel .LBB2_35-.Ltmp29, $2  }
0x58a: {  	_ =	sdelay $0x2  }
0x58b: {  	[tilespmem:s3+$0x8518] =	vst.add.f32.msk $0xffff, v0  }
.LBB2_36:
0x58c: {  	p0 =	slt.s32 s1, $0x1  }
.Ltmp30:
0x58d: {  	_ = 	snop;
	(pc) =	sbr.rel @p0 .LBB2_40-.Ltmp30, $3  }
0x58e: {  	_ =	sdelay $0x1  }
0x58f: {  	s0 =	simm.s32 $0x6  }
0x590: {  	s2 =	simm.s32 $0x0;
	[sflag:s0] =	ssyncpa.u1 $0x1  }
0x591: {  	s0 =	simm.s32 $0x84D8  }
0x592: {  	v0 =	vld.msk [tilespmem:s0+$0x0], $0x1;
	_ =	sdelay $0x4  }
0x593: {  	(v2sf) =	vpush v0, $0x0;
	_ =	sdelay $0xd  }
0x594: {  	s1 =	sadd.s32 $0xFFFFFFFF, s1  }
0x595: {  	p1 =	sne.s32 s1, $0x0;
	s0 =	spop (v2sf)  }
.Ltmp31:
0x596: {  	p0 =	sgt.u32 s0, $0x271FB;
	(pc) =	sbr.rel @!p1 .LBB2_39-.Ltmp31, $4  }
0x597: {  	s3 =	simm.s32 $0x84F8;
	s5 =	sand.u32 @!p0 $0x3FFF8, s0  }
0x598: {  	s6 =	simm.s32 $0x0;
	s0 =	sand.u32 @!p0 $0x7, s0;
	s5 =	sadd.s32 @!p0 s4, s5  }
0x599: {  	[hbm4b:s5+s0] =	stream.linear.scatter @!p0 [tilespmem:s3], [sflag:$0x5], $0x28, $0x38;
	[tilespmem:$0x1F1D8] =	vst v63  }
0x59a: {  	s6 =	simm.s32 @!p0 $0xA0;
	s5 =	simm.s32 $0x84D9  }
.LBB2_38:
0x59b: {  	v0 =	vld.msk [tilespmem:s5+$0x0], $0x1;
	s1 =	sadd.s32 $0xFFFFFFFF, s1;
	s2 =	sadd.s32 s2, s6  }
0x59c: {  	p0 =	sne.s32 s1, $0x0;
	_ =	sdelay $0x3  }
0x59d: {  	(v2sf) =	vpush v0, $0x0;
	_ =	sdelay $0xe  }
.Ltmp32:
0x59e: {  	s0 =	spop (v2sf);
	(pc) =	sbr.rel @p0 .LBB2_38-.Ltmp32, $4  }
0x59f: {  	s6 =	simm.s32 $0x0;
	p1 =	sgt.u32 s0, $0x271FB  }
0x5a0: {  	s3 =	sadd.s32 $0x30, s3;
	s6 =	simm.s32 @!p1 $0xA0;
	s7 =	sand.u32 @!p1 $0x3FFF8, s0  }
0x5a1: {  	s5 =	sadd.s32 $0x1, s5;
	s0 =	sand.u32 @!p1 $0x7, s0;
	s7 =	sadd.s32 @!p1 s4, s7  }
0x5a2: {  	[hbm4b:s7+s0] =	stream.linear.scatter @!p1 [tilespmem:s3], [sflag:$0x5], $0x28, $0x38;
	[tilespmem:$0x1F1D8] =	vst v63  }
.LBB2_39:
0x5a3: {  	s0 =	sadd.s32 s2, s6  }
0x5a4: {  	s2 =	sshrl.u32 s0, $0x2  }
.LBB2_40:
0x5a5: {  	s0 =	simm.s32 $0x5  }
0x5a6: {  	_ =	swait.ge [sflag:s0], s2  }
0x5a7: {  	s1 =	ssub.s32 $0x0, s2;
	[sflag:s0] =	ssyncset.done $0x0  }
0x5a8: {  	[sflag:s0] =	ssyncadd.s32 s1  }
0x5a9: {  	[sflag:s0] =	ssyncpa.u1 $0x1  }
0x5aa: {  	s30 =	simm.s32 $0x1;
	_ =	sfence  }
0x5ab: {  	[sflag:s30] =	ssyncpa.u1 $0x1  }
0x5ac: {  	_ =	strace $0x90000053  }
0x5ad: {  	[bflag:$0x2] =	sbarrier.arrive $0xFFFF  }
0x5ae: {  	s31 =	rddreg [dreg:$0x2]  }
0x5af: {  	s0 =	sadd.s32 $0x100000, s31  }
0x5b0: {  	[sflag:s0] =	ssyncadd.tile.s32 $0x1;
	_ =	shalt  }
.Lfunc_end2:
_tile_overlayer_lowered:
.L_overlay_start_2:
0x5b1: {  	(tag) =	ssettag $0x2  }
0x5b2: {  	s0 =	rddreg [dreg:$0x0];
	s2 =	stileid.u32  }
0x5b3: {  	s1 =	rddreg [dreg:$0x1];
	p0 =	sne.s32 s2, $0x0  }
0x5b4: {  	s3 =	rddreg [dreg:$0x2];
	[bflag:$0x3] =	sbarrier.arrive $0xFFFF;
	s2 =	simm.s32 @!p0 $0x1C01  }
0x5b5: {  	[timem:s3], [sflag:s2] =	dma.local @!p0 [hbm:s0], s1  }
0x5b6: {  	s0 =	simm.s32 @!p0 $0x1  }
0x5b7: {  	_ =	swait.ge @!p0 [sflag:s0], s1  }
0x5b8: {  	s1 =	ssub.s32 @!p0 $0x0, s1;
	[sflag:s0] =	ssyncset.done @!p0 $0x0  }
0x5b9: {  	[sflag:s0] =	ssyncadd.s32 @!p0 s1  }
0x5ba: {  	[bflag:$0x3] =	sbarrier.arrive $0xFFFF  }
0x5bb: {  	_ =	shalt  }

// kernel: scatter_offload_async_start
scs
__scs_entry_jumppad:
0x0: {  	(pc) =	sbr.rel $0x88, $3  }
0x1: {  	(tag) =	ssettag $0x0;
	lr =	simm.s32 $0x1  }
0x2: {  	[smem:$0x3F97] =	sst lr;
	_ =	strace $0xD0000000  }
0x3: {  	_ = 	snop  }
0x4: {  	_ = 	snop  }
0x5: {  	_ = 	snop  }
0x6: {  	_ = 	snop  }
0x7: {  	_ = 	snop  }
__scs_overlays_trampoline_lowered:
0x8: {  	[smem:$0x3FA6] =	sst s0  }
0x9: {  	[smem:$0x3FA7] =	sst s1  }
0xa: {  	[smem:$0x3FA8] =	sst s2  }
0xb: {  	[smem:$0x3FA9] =	sst s3  }
0xc: {  	[smem:$0x3FAA] =	sst s4  }
0xd: {  	[smem:$0x3FAB] =	sst s5  }
0xe: {  	[smem:$0x3FAC] =	sst s6  }
0xf: {  	[smem:$0x3FAD] =	sst s7  }
0x10: {  	[smem:$0x3FAE] =	sst s8  }
0x11: {  	[smem:$0x3FAF] =	sst s9;
	s0 =	simm.s32 @!p0 $0x0  }
0x12: {  	s1 =	sld [smem:$0x3F95];
	s0 =	simm.s32 @p0 $0x1  }
0x13: {  	[smem:$0x3FB0] =	sst s0;
	s0 =	simm.s32 @!p1 $0x0  }
0x14: {  	s2 =	sld [smem:$0x3F94];
	s0 =	simm.s32 @p1 $0x1  }
0x15: {  	[smem:$0x3FB1] =	sst s0;
	s0 =	simm.s32 @!p2 $0x0  }
0x16: {  	s3 =	sld [smem:$0x3FDB];
	s0 =	simm.s32 @p2 $0x1  }
0x17: {  	s4 =	simm.s32 $0x1BF5;
	[smem:$0x3FB3] =	sst s0  }
0x18: {  	s0 =	sld [smem:$0x3F96];
	_ =	swait.ge [sflag:s4], $0x0  }
0x19: {  	s7 =	sld [smem:$0x3F97]  }
0x1a: {  	s8 =	sadd.s32 $0xFFFFE003, lr  }
0x1b: {  	s9 =	sadd.s32 $0xFFFFFEF7, lr;
	s5 =	simm.s32 $0xFFFFFFFF;
	p2 =	slt.u32 s8, $0xFFFFF086  }
0x1c: {  	p1 =	slt.u32 s9, $0xF7A;
	s5 =	simm.s32 @!p2 $0x0  }
0x1d: {  	s5 =	simm.s32 @p1 $0x1;
	p0 =	seq.s32 s7, s2  }
0x1e: {  	s7 =	smul.u32 @!p0 $0xF7A, s2;
	p2 =	seq.s32 @!p0 s5, $0x0  }
0x1f: {  	s9 =	smul.u32 $0xF7A, s1;
	s8 =	simm.s32 @!p0 $0x1BF5;
	p2 =	por !p2, p0  }
0x20: {  	[sflag:s8] =	ssyncset.s32 @!p0 $0xFFFFF086;
	s6 =	sadd.s32 @!p0 s3, s7;
	s7 =	simm.s32 @!p0 $0x108  }
0x21: {  	s3 =	sadd.s32 s3, s9;
	s6 =	sadd.s32 @!p0 $0x88, s6;
	s7 =	simm.s32 @p2 $0x1082  }
0x22: {  	[simem:s7], [sflag:s8] =	dma.local @!p0 [hbm:s6], $0xF7A  }
0x23: {  	s9 =	sor.u32 $0xD0000000, s2;
	s6 =	simm.s32 $0x108;
	_ =	swait.ge @!p0 [sflag:s8], $0x0  }
0x24: {  	s3 =	sadd.s32 $0x88, s3;
	s6 =	simm.s32 @!p1 $0x1082;
	[sflag:s4] =	ssyncset.s32 $0xFFFFF086  }
0x25: {  	[simem:s6], [sflag:s4] =	dma.local [hbm:s3], $0xF7A  }
0x26: {  	[smem:$0x3F97] =	sst s1;
	(tag) =	ssettag s2;
	_ =	strace s9  }
0x27: {  	s1 =	sld [smem:$0x3FA7]  }
0x28: {  	s2 =	sld [smem:$0x3FA8]  }
0x29: {  	s4 =	sld [smem:$0x3FAA]  }
0x2a: {  	p0 =	seq.s32 s5, $0x0;
	s5 =	sld [smem:$0x3FAB]  }
0x2b: {  	s6 =	sld [smem:$0x3FAC]  }
0x2c: {  	s7 =	sld [smem:$0x3FAD]  }
0x2d: {  	s3 =	simm.s32 $0x108;
	s8 =	sld [smem:$0x3FAE]  }
0x2e: {  	s3 =	simm.s32 @!p0 $0x1082;
	s9 =	sld [smem:$0x3FAF]  }
0x2f: {  	lr =	sadd.s32 s0, s3;
	s0 =	sld [smem:$0x3FA6]  }
0x30: {  	s3 =	sld [smem:$0x3FA9]  }
0x31: {  	[smem:$0x3FB2] =	sst s10  }
0x32: {  	s10 =	sld [smem:$0x3FB0];
	_ =	sdelay $0x3  }
0x33: {  	p0 =	seq.s32 s10, $0x1;
	s10 =	sld [smem:$0x3FB2];
	_ =	sdelay $0x3  }
0x34: {  	[smem:$0x3FB2] =	sst s10  }
0x35: {  	s10 =	sld [smem:$0x3FB1];
	_ =	sdelay $0x3  }
0x36: {  	p1 =	seq.s32 s10, $0x1;
	s10 =	sld [smem:$0x3FB2];
	_ =	sdelay $0x3  }
0x37: {  	[smem:$0x3FB2] =	sst s10  }
0x38: {  	s10 =	sld [smem:$0x3FB3]  }
0x39: {  	_ = 	snop;
	(pc) =	sbr.ind lr, $3  }
0x3a: {  	_ = 	snop  }
0x3b: {  	_ = 	snop  }
0x3c: {  	p2 =	seq.s32 s10, $0x1;
	s10 =	sld [smem:$0x3FB2]  }
0x3d: {  	_ =	shalt  }
0x3e: {  	_ =	shalt  }
0x3f: {  	_ =	shalt  }
0x40: {  	_ =	shalt  }
0x41: {  	_ =	shalt  }
0x42: {  	_ =	shalt  }
0x43: {  	_ =	shalt  }
0x44: {  	_ =	shalt  }
0x45: {  	_ =	shalt  }
0x46: {  	_ =	shalt  }
0x47: {  	_ =	shalt  }
0x48: {  	_ =	shalt  }
0x49: {  	_ =	shalt  }
0x4a: {  	_ =	shalt  }
0x4b: {  	_ =	shalt  }
0x4c: {  	_ =	shalt  }
0x4d: {  	_ =	shalt  }
0x4e: {  	_ =	shalt  }
0x4f: {  	_ =	shalt  }
0x50: {  	_ =	shalt  }
0x51: {  	_ =	shalt  }
0x52: {  	_ =	shalt  }
0x53: {  	_ =	shalt  }
0x54: {  	_ =	shalt  }
0x55: {  	_ =	shalt  }
0x56: {  	_ =	shalt  }
0x57: {  	_ =	shalt  }
0x58: {  	_ =	shalt  }
0x59: {  	_ =	shalt  }
0x5a: {  	_ =	shalt  }
0x5b: {  	_ =	shalt  }
0x5c: {  	_ =	shalt  }
0x5d: {  	_ =	shalt  }
0x5e: {  	_ =	shalt  }
0x5f: {  	_ =	shalt  }
0x60: {  	_ =	shalt  }
0x61: {  	_ =	shalt  }
0x62: {  	_ =	shalt  }
0x63: {  	_ =	shalt  }
0x64: {  	_ =	shalt  }
0x65: {  	_ =	shalt  }
0x66: {  	_ =	shalt  }
0x67: {  	_ =	shalt  }
0x68: {  	_ =	shalt  }
0x69: {  	_ =	shalt  }
0x6a: {  	_ =	shalt  }
0x6b: {  	_ =	shalt  }
0x6c: {  	_ =	shalt  }
0x6d: {  	_ =	shalt  }
0x6e: {  	_ =	shalt  }
0x6f: {  	_ =	shalt  }
0x70: {  	_ =	shalt  }
0x71: {  	_ =	shalt  }
0x72: {  	_ =	shalt  }
0x73: {  	_ =	shalt  }
0x74: {  	_ =	shalt  }
0x75: {  	_ =	shalt  }
0x76: {  	_ =	shalt  }
0x77: {  	_ =	shalt  }
0x78: {  	_ =	shalt  }
0x79: {  	_ =	shalt  }
0x7a: {  	_ =	shalt  }
0x7b: {  	_ =	shalt  }
0x7c: {  	_ =	shalt  }
0x7d: {  	_ =	shalt  }
0x7e: {  	_ =	shalt  }
0x7f: {  	_ =	shalt  }
0x80: {  	_ =	shalt  }
0x81: {  	_ =	shalt  }
0x82: {  	_ =	shalt  }
0x83: {  	_ =	shalt  }
0x84: {  	_ =	shalt  }
0x85: {  	_ =	shalt  }
0x86: {  	_ =	shalt  }
0x87: {  	_ =	shalt  }
.Lfunc_end0:
.L_simem_size_0:
called_computation_lowered:
.L_overlay_start_0:
0x88: {  	s0 =	sld [smem:$0x3FD9]  }
0x89: {  	s1 =	sld [smem:$0x3FFE];
	_ =	sdelay $0x3  }
0x8a: {  	s0 =	sadd.s32 s1, s0  }
0x8b: {  	[smem:$0x3FBE] =	sst s0  }
0x8c: {  	_ = 	snop  }
0x8d: {  	s0 =	sld [smem:$0x3FD0];
	(tm) =	ssettm $0x1  }
0x8e: {  	s16 =	sld [smem:$0x3FFB];
	_ =	sdelay $0x3  }
0x8f: {  	_ =	strace s16  }
0x90: {  	s1 =	sld [smem:$0x3FFC];
	_ =	sdelay $0x3  }
0x91: {  	_ =	strace s1  }
0x92: {  	s1 =	sld [smem:$0x3FFD];
	_ =	sdelay $0x3  }
0x93: {  	_ =	strace s1  }
0x94: {  	_ =	strace $0x8FFFFFFF  }
0x95: {  	s17 =	sld [smem:$0x3FDB];
	_ =	sdelay $0x1  }
0x96: {  	s2 =	simm.s32 $_scs_section_size  }
0x97: {  	s3 =	simm.s32 $_size__tile_overlayer_lowered;
	s4 =	simm.s32 $_tile_overlayer_lowered  }
0x98: {  	s20 =	simm.s32 $0x1BFF;
	s19 =	sshll.u32 s4, $0x1;
	s1 =	sadd.s32 s2, s17  }
0x99: {  	s5 =	simm.s32 $0x0;
	s18 =	sshll.u32 s3, $0x1;
	s3 =	sadd.s32 s19, s1  }
0x9a: {  	[timem:s5], [sflag:s20] =	dma.local [hbm:s3], s18  }
0x9b: {  	_ =	swait.ge [sflag:s20], s18  }
0x9c: {  	s2 =	ssub.s32 $0x0, s18;
	[sflag:s20] =	ssyncset.done $0x0  }
0x9d: {  	[sflag:s20] =	ssyncadd.s32 s2;
	_ =	sdelay $0x1  }
0x9e: {  	s21 =	simm.s32 $0x1B8B  }
0x9f: {  	_ =	swait.ge [sflag:s21], $0x1  }
0xa0: {  	[sflag:s21] =	ssyncset.done $0x0  }
0xa1: {  	s23 =	simm.s32 $0x1B8E;
	s22 =	sld [smem:$0x3FFE];
	[sflag:s21] =	ssyncadd.s32 $0xFFFFFFFF  }
0xa2: {  	s24 =	simm.s32 $execute0_lowered;
	[smem:$0x3FD2] =	sst s23  }
0xa3: {  	s3 =	sshll.u32 s24, $0x1;
	_ =	strace $0x80000046;
	[dreg:$0x1] =	wrdreg $0xFFFFFFFF  }
0xa4: {  	s25 =	simm.s32 $_size_execute0_lowered;
	s1 =	sadd.s32 s1, s3;
	[dreg:$0x0] =	wrdreg $0x0  }
0xa5: {  	s3 =	sshll.u32 s25, $0x1;
	[dreg:$0x2] =	wrdreg s1  }
0xa6: {  	[dreg:$0x3] =	wrdreg s3  }
0xa7: {  	[dreg:$0x4] =	wrdreg $0xC0  }
0xa8: {  	_ =	task [dreg:s5], $0x5FFFF  }
0xa9: {  	[dreg:$0x1] =	wrdreg $0xFFFFFFFF  }
0xaa: {  	[dreg:$0x0] =	wrdreg $0x60  }
0xab: {  	[dreg:$0x2] =	wrdreg s22  }
0xac: {  	[dreg:$0x3] =	wrdreg s0  }
0xad: {  	[dreg:$0x4] =	wrdreg $0x9  }
0xae: {  	_ =	task.clear_ibuf [dreg:s5], $0x5FFFF;
	_ =	strace $0x90000046  }
0xaf: {  	s26 =	simm.s32 $0x9;
	_ =	strace $0x80000048  }
0xb0: {  	_ =	swait.ge [sflag:s26], $0x1  }
0xb1: {  	[sflag:s26] =	ssyncadd.s32 $0xFFFFFFFF  }
0xb2: {  	_ =	strace $0x90000048  }
0xb3: {  	_ =	sfence  }
0xb4: {  	s28 =	sld [smem:$0x0];
	_ =	sdelay $0x1  }
0xb5: {  	s29 =	srdreg.scid  }
0xb6: {  	s30 =	sshll.u32 s29, $0xD;
	s31 =	sshrl.u32 s29, $0x2  }
0xb7: {  	s2 =	sand.u32 $0x4000, s30;
	s1 =	sand.u32 $0x1, s29;
	s0 =	sadd.s32 s31, s28  }
0xb8: {  	s1 =	sor.u32 s2, s1;
	s0 =	sshll.u32 s0, $0x11  }
0xb9: {  	s0 =	sor.u32 s0, s1  }
0xba: {  	s0 =	sadd.s32 $0x8F2B, s0  }
0xbb: {  	[sflag:s0] =	ssyncadd.remote.s32 $0x1  }
0xbc: {  	_ =	sfence.sel $0xFFFF  }
0xbd: {  	[dreg:$0x0] =	wrdreg $0xFFFFFFFF;
	(pc) =	sbr.abs _section_cstart, $3  }
0xbe: {  	[dreg:$0x1] =	wrdreg $0xFFFFFFFF  }
0xbf: {  	_ =	task.clear_ibuf [dreg:s5], $0x2FFFF;
	_ =	strace $0x9FFFFFFF  }
0xc0: {  	(tm) =	ssettm $0x7FFFFFFF  }
0xc1: {  	_ =	shalt  }
tec
execute0_lowered:
.L_overlay_start_1:
0x0: {  	(tag) =	ssettag $0x1  }
0x1: {  	s8 =	rddreg [dreg:$0x0]  }
0x2: {  	s3 =	rddreg [dreg:$0x1];
	_ =	strace $0x80000047;
	s11 =	simm.s32 $0x1  }
0x3: {  	v0 =	vimm.s32 $0x0;
	[sflag:s11] =	ssyncpa.u1 $0x0  }
0x4: {  	[tilespmem:$0x28] =	vst v0  }
0x5: {  	[tilespmem:$0x38] =	vst v0  }
0x6: {  	[tilespmem:$0x48] =	vst v0  }
0x7: {  	[tilespmem:$0x58] =	vst v0  }
0x8: {  	[tilespmem:$0x68] =	vst v0  }
0x9: {  	[tilespmem:$0x78] =	vst v0  }
0xa: {  	[tilespmem:$0x88] =	vst v0  }
0xb: {  	[tilespmem:$0x98] =	vst v0  }
0xc: {  	[tilespmem:$0xA8] =	vst v0  }
0xd: {  	[tilespmem:$0xB8] =	vst v0  }
0xe: {  	[tilespmem:$0xC8] =	vst v0  }
0xf: {  	[tilespmem:$0xD8] =	vst v0  }
0x10: {  	[tilespmem:$0xE8] =	vst v0  }
0x11: {  	[tilespmem:$0xF8] =	vst v0  }
0x12: {  	[tilespmem:$0x108] =	vst v0  }
0x13: {  	[tilespmem:$0x118] =	vst v0  }
0x14: {  	[tilespmem:$0x128] =	vst v0  }
0x15: {  	[tilespmem:$0x138] =	vst v0  }
0x16: {  	[tilespmem:$0x148] =	vst v0  }
0x17: {  	[tilespmem:$0x158] =	vst v0  }
0x18: {  	[tilespmem:$0x168] =	vst v0  }
0x19: {  	[tilespmem:$0x178] =	vst v0  }
0x1a: {  	[tilespmem:$0x188] =	vst v0  }
0x1b: {  	[tilespmem:$0x198] =	vst v0  }
0x1c: {  	[tilespmem:$0x1A8] =	vst v0  }
0x1d: {  	[tilespmem:$0x1B8] =	vst v0  }
0x1e: {  	[tilespmem:$0x1C8] =	vst v0  }
0x1f: {  	[tilespmem:$0x1D8] =	vst v0  }
0x20: {  	[tilespmem:$0x1E8] =	vst v0  }
0x21: {  	[tilespmem:$0x1F8] =	vst v0  }
0x22: {  	[tilespmem:$0x208] =	vst v0  }
0x23: {  	[tilespmem:$0x218] =	vst v0  }
0x24: {  	[tilespmem:$0x228] =	vst v0  }
0x25: {  	[tilespmem:$0x238] =	vst v0  }
0x26: {  	[tilespmem:$0x248] =	vst v0  }
0x27: {  	[tilespmem:$0x258] =	vst v0  }
0x28: {  	[tilespmem:$0x268] =	vst v0  }
0x29: {  	[tilespmem:$0x278] =	vst v0  }
0x2a: {  	[tilespmem:$0x288] =	vst v0  }
0x2b: {  	[tilespmem:$0x298] =	vst v0  }
0x2c: {  	[tilespmem:$0x2A8] =	vst v0  }
0x2d: {  	[tilespmem:$0x2B8] =	vst v0  }
0x2e: {  	[tilespmem:$0x2C8] =	vst v0  }
0x2f: {  	[tilespmem:$0x2D8] =	vst v0  }
0x30: {  	[tilespmem:$0x2E8] =	vst v0  }
0x31: {  	[tilespmem:$0x2F8] =	vst v0  }
0x32: {  	[tilespmem:$0x308] =	vst v0  }
0x33: {  	[tilespmem:$0x318] =	vst v0  }
0x34: {  	[tilespmem:$0x328] =	vst v0  }
0x35: {  	[tilespmem:$0x338] =	vst v0  }
0x36: {  	[tilespmem:$0x348] =	vst v0  }
0x37: {  	[tilespmem:$0x358] =	vst v0  }
0x38: {  	[tilespmem:$0x368] =	vst v0  }
0x39: {  	[tilespmem:$0x378] =	vst v0  }
0x3a: {  	[tilespmem:$0x388] =	vst v0  }
0x3b: {  	[tilespmem:$0x398] =	vst v0  }
0x3c: {  	[tilespmem:$0x3A8] =	vst v0  }
0x3d: {  	[tilespmem:$0x3B8] =	vst v0  }
0x3e: {  	[tilespmem:$0x3C8] =	vst v0  }
0x3f: {  	[tilespmem:$0x3D8] =	vst v0  }
0x40: {  	[tilespmem:$0x3E8] =	vst v0  }
0x41: {  	[tilespmem:$0x3F8] =	vst v0  }
0x42: {  	[tilespmem:$0x408] =	vst v0  }
0x43: {  	[tilespmem:$0x418] =	vst v0  }
0x44: {  	[tilespmem:$0x428] =	vst v0  }
0x45: {  	[tilespmem:$0x438] =	vst v0  }
0x46: {  	[tilespmem:$0x448] =	vst v0  }
0x47: {  	[tilespmem:$0x458] =	vst v0  }
0x48: {  	[tilespmem:$0x468] =	vst v0  }
0x49: {  	[tilespmem:$0x478] =	vst v0  }
0x4a: {  	[tilespmem:$0x488] =	vst v0  }
0x4b: {  	[tilespmem:$0x498] =	vst v0  }
0x4c: {  	[tilespmem:$0x4A8] =	vst v0  }
0x4d: {  	[tilespmem:$0x4B8] =	vst v0  }
0x4e: {  	[tilespmem:$0x4C8] =	vst v0  }
0x4f: {  	[tilespmem:$0x4D8] =	vst v0  }
0x50: {  	[tilespmem:$0x4E8] =	vst v0  }
0x51: {  	[tilespmem:$0x4F8] =	vst v0  }
0x52: {  	[tilespmem:$0x508] =	vst v0  }
0x53: {  	[tilespmem:$0x518] =	vst v0  }
0x54: {  	[tilespmem:$0x528] =	vst v0  }
0x55: {  	[tilespmem:$0x538] =	vst v0  }
0x56: {  	[tilespmem:$0x548] =	vst v0  }
0x57: {  	[tilespmem:$0x558] =	vst v0  }
0x58: {  	[tilespmem:$0x568] =	vst v0  }
0x59: {  	[tilespmem:$0x578] =	vst v0  }
0x5a: {  	[tilespmem:$0x588] =	vst v0  }
0x5b: {  	[tilespmem:$0x598] =	vst v0  }
0x5c: {  	[tilespmem:$0x5A8] =	vst v0  }
0x5d: {  	[tilespmem:$0x5B8] =	vst v0  }
0x5e: {  	[tilespmem:$0x5C8] =	vst v0  }
0x5f: {  	[tilespmem:$0x5D8] =	vst v0  }
0x60: {  	[tilespmem:$0x5E8] =	vst v0  }
0x61: {  	[tilespmem:$0x5F8] =	vst v0  }
0x62: {  	[tilespmem:$0x608] =	vst v0  }
0x63: {  	[tilespmem:$0x618] =	vst v0  }
0x64: {  	[tilespmem:$0x628] =	vst v0  }
0x65: {  	[tilespmem:$0x638] =	vst v0  }
0x66: {  	[tilespmem:$0x648] =	vst v0  }
0x67: {  	[tilespmem:$0x658] =	vst v0  }
0x68: {  	[tilespmem:$0x668] =	vst v0  }
0x69: {  	[tilespmem:$0x678] =	vst v0  }
0x6a: {  	[tilespmem:$0x688] =	vst v0  }
0x6b: {  	[tilespmem:$0x698] =	vst v0  }
0x6c: {  	[tilespmem:$0x6A8] =	vst v0  }
0x6d: {  	[tilespmem:$0x6B8] =	vst v0  }
0x6e: {  	[tilespmem:$0x6C8] =	vst v0  }
0x6f: {  	[tilespmem:$0x6D8] =	vst v0  }
0x70: {  	[tilespmem:$0x6E8] =	vst v0  }
0x71: {  	[tilespmem:$0x6F8] =	vst v0  }
0x72: {  	[tilespmem:$0x708] =	vst v0  }
0x73: {  	[tilespmem:$0x718] =	vst v0  }
0x74: {  	[tilespmem:$0x728] =	vst v0  }
0x75: {  	[tilespmem:$0x738] =	vst v0  }
0x76: {  	[tilespmem:$0x748] =	vst v0  }
0x77: {  	[tilespmem:$0x758] =	vst v0  }
0x78: {  	[tilespmem:$0x768] =	vst v0  }
0x79: {  	[tilespmem:$0x778] =	vst v0  }
0x7a: {  	[tilespmem:$0x788] =	vst v0  }
0x7b: {  	[tilespmem:$0x798] =	vst v0  }
0x7c: {  	[tilespmem:$0x7A8] =	vst v0  }
0x7d: {  	[tilespmem:$0x7B8] =	vst v0  }
0x7e: {  	[tilespmem:$0x7C8] =	vst v0  }
0x7f: {  	[tilespmem:$0x7D8] =	vst v0  }
0x80: {  	[tilespmem:$0x7E8] =	vst v0  }
0x81: {  	[tilespmem:$0x7F8] =	vst v0  }
0x82: {  	[tilespmem:$0x808] =	vst v0  }
0x83: {  	[tilespmem:$0x818] =	vst v0  }
0x84: {  	[tilespmem:$0x828] =	vst v0  }
0x85: {  	[tilespmem:$0x838] =	vst v0  }
0x86: {  	[tilespmem:$0x848] =	vst v0  }
0x87: {  	[tilespmem:$0x858] =	vst v0  }
0x88: {  	[tilespmem:$0x868] =	vst v0  }
0x89: {  	[tilespmem:$0x878] =	vst v0  }
0x8a: {  	[tilespmem:$0x888] =	vst v0  }
0x8b: {  	[tilespmem:$0x898] =	vst v0  }
0x8c: {  	[tilespmem:$0x8A8] =	vst v0  }
0x8d: {  	[tilespmem:$0x8B8] =	vst v0  }
0x8e: {  	[tilespmem:$0x8C8] =	vst v0  }
0x8f: {  	[tilespmem:$0x8D8] =	vst v0  }
0x90: {  	[tilespmem:$0x8E8] =	vst v0  }
0x91: {  	[tilespmem:$0x8F8] =	vst v0  }
0x92: {  	[tilespmem:$0x908] =	vst v0  }
0x93: {  	[tilespmem:$0x918] =	vst v0  }
0x94: {  	[tilespmem:$0x928] =	vst v0  }
0x95: {  	[tilespmem:$0x938] =	vst v0  }
0x96: {  	[tilespmem:$0x948] =	vst v0  }
0x97: {  	[tilespmem:$0x958] =	vst v0  }
0x98: {  	[tilespmem:$0x968] =	vst v0  }
0x99: {  	[tilespmem:$0x978] =	vst v0  }
0x9a: {  	[tilespmem:$0x988] =	vst v0  }
0x9b: {  	[tilespmem:$0x998] =	vst v0  }
0x9c: {  	[tilespmem:$0x9A8] =	vst v0  }
0x9d: {  	[tilespmem:$0x9B8] =	vst v0  }
0x9e: {  	[tilespmem:$0x9C8] =	vst v0  }
0x9f: {  	[tilespmem:$0x9D8] =	vst v0  }
0xa0: {  	[tilespmem:$0x9E8] =	vst v0  }
0xa1: {  	[tilespmem:$0x9F8] =	vst v0  }
0xa2: {  	[tilespmem:$0xA08] =	vst v0  }
0xa3: {  	[tilespmem:$0xA18] =	vst v0  }
0xa4: {  	[tilespmem:$0xA28] =	vst v0  }
0xa5: {  	[tilespmem:$0xA38] =	vst v0  }
0xa6: {  	[tilespmem:$0xA48] =	vst v0  }
0xa7: {  	[tilespmem:$0xA58] =	vst v0  }
0xa8: {  	[tilespmem:$0xA68] =	vst v0  }
0xa9: {  	[tilespmem:$0xA78] =	vst v0  }
0xaa: {  	[tilespmem:$0xA88] =	vst v0  }
0xab: {  	[tilespmem:$0xA98] =	vst v0  }
0xac: {  	[tilespmem:$0xAA8] =	vst v0  }
0xad: {  	[tilespmem:$0xAB8] =	vst v0  }
0xae: {  	[tilespmem:$0xAC8] =	vst v0  }
0xaf: {  	[tilespmem:$0xAD8] =	vst v0  }
0xb0: {  	[tilespmem:$0xAE8] =	vst v0  }
0xb1: {  	[tilespmem:$0xAF8] =	vst v0  }
0xb2: {  	[tilespmem:$0xB08] =	vst v0  }
0xb3: {  	[tilespmem:$0xB18] =	vst v0  }
0xb4: {  	[tilespmem:$0xB28] =	vst v0  }
0xb5: {  	[tilespmem:$0xB38] =	vst v0  }
0xb6: {  	[tilespmem:$0xB48] =	vst v0  }
0xb7: {  	[tilespmem:$0xB58] =	vst v0  }
0xb8: {  	[tilespmem:$0xB68] =	vst v0  }
0xb9: {  	[tilespmem:$0xB78] =	vst v0  }
0xba: {  	[tilespmem:$0xB88] =	vst v0  }
0xbb: {  	[tilespmem:$0xB98] =	vst v0  }
0xbc: {  	[tilespmem:$0xBA8] =	vst v0  }
0xbd: {  	[tilespmem:$0xBB8] =	vst v0  }
0xbe: {  	[tilespmem:$0xBC8] =	vst v0  }
0xbf: {  	[tilespmem:$0xBD8] =	vst v0  }
0xc0: {  	[tilespmem:$0xBE8] =	vst v0  }
0xc1: {  	[tilespmem:$0xBF8] =	vst v0  }
0xc2: {  	[tilespmem:$0xC08] =	vst v0  }
0xc3: {  	[tilespmem:$0xC18] =	vst v0  }
0xc4: {  	[tilespmem:$0xC28] =	vst v0  }
0xc5: {  	[tilespmem:$0xC38] =	vst v0  }
0xc6: {  	[tilespmem:$0xC48] =	vst v0  }
0xc7: {  	[tilespmem:$0xC58] =	vst v0  }
0xc8: {  	[tilespmem:$0xC68] =	vst v0  }
0xc9: {  	[tilespmem:$0xC78] =	vst v0  }
0xca: {  	[tilespmem:$0xC88] =	vst v0  }
0xcb: {  	[tilespmem:$0xC98] =	vst v0  }
0xcc: {  	[tilespmem:$0xCA8] =	vst v0  }
0xcd: {  	[tilespmem:$0xCB8] =	vst v0  }
0xce: {  	[tilespmem:$0xCC8] =	vst v0  }
0xcf: {  	[tilespmem:$0xCD8] =	vst v0  }
0xd0: {  	[tilespmem:$0xCE8] =	vst v0  }
0xd1: {  	[tilespmem:$0xCF8] =	vst v0  }
0xd2: {  	[tilespmem:$0xD08] =	vst v0  }
0xd3: {  	[tilespmem:$0xD18] =	vst v0  }
0xd4: {  	[tilespmem:$0xD28] =	vst v0  }
0xd5: {  	[tilespmem:$0xD38] =	vst v0  }
0xd6: {  	[tilespmem:$0xD48] =	vst v0  }
0xd7: {  	[tilespmem:$0xD58] =	vst v0  }
0xd8: {  	[tilespmem:$0xD68] =	vst v0  }
0xd9: {  	[tilespmem:$0xD78] =	vst v0  }
0xda: {  	[tilespmem:$0xD88] =	vst v0  }
0xdb: {  	[tilespmem:$0xD98] =	vst v0  }
0xdc: {  	[tilespmem:$0xDA8] =	vst v0  }
0xdd: {  	[tilespmem:$0xDB8] =	vst v0  }
0xde: {  	[tilespmem:$0xDC8] =	vst v0  }
0xdf: {  	[tilespmem:$0xDD8] =	vst v0  }
0xe0: {  	[tilespmem:$0xDE8] =	vst v0  }
0xe1: {  	[tilespmem:$0xDF8] =	vst v0  }
0xe2: {  	[tilespmem:$0xE08] =	vst v0  }
0xe3: {  	[tilespmem:$0xE18] =	vst v0  }
0xe4: {  	[tilespmem:$0xE28] =	vst v0  }
0xe5: {  	[tilespmem:$0xE38] =	vst v0  }
0xe6: {  	[tilespmem:$0xE48] =	vst v0  }
0xe7: {  	[tilespmem:$0xE58] =	vst v0  }
0xe8: {  	[tilespmem:$0xE68] =	vst v0  }
0xe9: {  	[tilespmem:$0xE78] =	vst v0  }
0xea: {  	[tilespmem:$0xE88] =	vst v0  }
0xeb: {  	[tilespmem:$0xE98] =	vst v0  }
0xec: {  	[tilespmem:$0xEA8] =	vst v0  }
0xed: {  	[tilespmem:$0xEB8] =	vst v0  }
0xee: {  	[tilespmem:$0xEC8] =	vst v0  }
0xef: {  	[tilespmem:$0xED8] =	vst v0  }
0xf0: {  	[tilespmem:$0xEE8] =	vst v0  }
0xf1: {  	[tilespmem:$0xEF8] =	vst v0  }
0xf2: {  	[tilespmem:$0xF08] =	vst v0  }
0xf3: {  	[tilespmem:$0xF18] =	vst v0  }
0xf4: {  	[tilespmem:$0xF28] =	vst v0  }
0xf5: {  	[tilespmem:$0xF38] =	vst v0  }
0xf6: {  	[tilespmem:$0xF48] =	vst v0  }
0xf7: {  	[tilespmem:$0xF58] =	vst v0  }
0xf8: {  	[tilespmem:$0xF68] =	vst v0  }
0xf9: {  	[tilespmem:$0xF78] =	vst v0  }
0xfa: {  	[tilespmem:$0xF88] =	vst v0  }
0xfb: {  	[tilespmem:$0xF98] =	vst v0  }
0xfc: {  	[tilespmem:$0xFA8] =	vst v0  }
0xfd: {  	[tilespmem:$0xFB8] =	vst v0  }
0xfe: {  	[tilespmem:$0xFC8] =	vst v0  }
0xff: {  	[tilespmem:$0xFD8] =	vst v0  }
0x100: {  	[tilespmem:$0xFE8] =	vst v0  }
0x101: {  	[tilespmem:$0xFF8] =	vst v0  }
0x102: {  	[tilespmem:$0x1008] =	vst v0  }
0x103: {  	[tilespmem:$0x10D8] =	vst v0  }
0x104: {  	[tilespmem:$0x1B28] =	vst v0  }
0x105: {  	[tilespmem:$0x1B18] =	vst v0  }
0x106: {  	[tilespmem:$0x1B08] =	vst v0  }
0x107: {  	[tilespmem:$0x1AF8] =	vst v0  }
0x108: {  	[tilespmem:$0x1AE8] =	vst v0  }
0x109: {  	[tilespmem:$0x1AD8] =	vst v0  }
0x10a: {  	[tilespmem:$0x1AC8] =	vst v0  }
0x10b: {  	[tilespmem:$0x1AB8] =	vst v0  }
0x10c: {  	[tilespmem:$0x1AA8] =	vst v0  }
0x10d: {  	[tilespmem:$0x1A98] =	vst v0  }
0x10e: {  	[tilespmem:$0x1A88] =	vst v0  }
0x10f: {  	[tilespmem:$0x1A78] =	vst v0  }
0x110: {  	[tilespmem:$0x1A68] =	vst v0  }
0x111: {  	[tilespmem:$0x1A58] =	vst v0  }
0x112: {  	[tilespmem:$0x1A48] =	vst v0  }
0x113: {  	[tilespmem:$0x1A38] =	vst v0  }
0x114: {  	[tilespmem:$0x1A28] =	vst v0  }
0x115: {  	[tilespmem:$0x1A18] =	vst v0  }
0x116: {  	[tilespmem:$0x1A08] =	vst v0  }
0x117: {  	[tilespmem:$0x19F8] =	vst v0  }
0x118: {  	[tilespmem:$0x19E8] =	vst v0  }
0x119: {  	[tilespmem:$0x19D8] =	vst v0  }
0x11a: {  	[tilespmem:$0x19C8] =	vst v0  }
0x11b: {  	[tilespmem:$0x19B8] =	vst v0  }
0x11c: {  	[tilespmem:$0x19A8] =	vst v0  }
0x11d: {  	[tilespmem:$0x1998] =	vst v0  }
0x11e: {  	[tilespmem:$0x1988] =	vst v0  }
0x11f: {  	[tilespmem:$0x1978] =	vst v0  }
0x120: {  	[tilespmem:$0x1968] =	vst v0  }
0x121: {  	[tilespmem:$0x1958] =	vst v0  }
0x122: {  	[tilespmem:$0x1948] =	vst v0  }
0x123: {  	[tilespmem:$0x1938] =	vst v0  }
0x124: {  	[tilespmem:$0x1928] =	vst v0  }
0x125: {  	[tilespmem:$0x1918] =	vst v0  }
0x126: {  	[tilespmem:$0x1908] =	vst v0  }
0x127: {  	[tilespmem:$0x18F8] =	vst v0  }
0x128: {  	[tilespmem:$0x18E8] =	vst v0  }
0x129: {  	[tilespmem:$0x18D8] =	vst v0  }
0x12a: {  	[tilespmem:$0x18C8] =	vst v0  }
0x12b: {  	[tilespmem:$0x18B8] =	vst v0  }
0x12c: {  	[tilespmem:$0x18A8] =	vst v0  }
0x12d: {  	[tilespmem:$0x1898] =	vst v0  }
0x12e: {  	[tilespmem:$0x1888] =	vst v0  }
0x12f: {  	[tilespmem:$0x1878] =	vst v0  }
0x130: {  	[tilespmem:$0x1868] =	vst v0  }
0x131: {  	[tilespmem:$0x1858] =	vst v0  }
0x132: {  	[tilespmem:$0x1848] =	vst v0  }
0x133: {  	[tilespmem:$0x1838] =	vst v0  }
0x134: {  	[tilespmem:$0x1828] =	vst v0  }
0x135: {  	[tilespmem:$0x1818] =	vst v0  }
0x136: {  	[tilespmem:$0x1808] =	vst v0  }
0x137: {  	[tilespmem:$0x17F8] =	vst v0  }
0x138: {  	[tilespmem:$0x17E8] =	vst v0  }
0x139: {  	[tilespmem:$0x17D8] =	vst v0  }
0x13a: {  	[tilespmem:$0x17C8] =	vst v0  }
0x13b: {  	[tilespmem:$0x17B8] =	vst v0  }
0x13c: {  	[tilespmem:$0x17A8] =	vst v0  }
0x13d: {  	[tilespmem:$0x1798] =	vst v0  }
0x13e: {  	[tilespmem:$0x1788] =	vst v0  }
0x13f: {  	[tilespmem:$0x1778] =	vst v0  }
0x140: {  	[tilespmem:$0x1768] =	vst v0  }
0x141: {  	[tilespmem:$0x1758] =	vst v0  }
0x142: {  	[tilespmem:$0x1748] =	vst v0  }
0x143: {  	[tilespmem:$0x1738] =	vst v0  }
0x144: {  	[tilespmem:$0x1728] =	vst v0  }
0x145: {  	[tilespmem:$0x1718] =	vst v0  }
0x146: {  	[tilespmem:$0x1708] =	vst v0  }
0x147: {  	[tilespmem:$0x16F8] =	vst v0  }
0x148: {  	[tilespmem:$0x16E8] =	vst v0  }
0x149: {  	[tilespmem:$0x16D8] =	vst v0  }
0x14a: {  	[tilespmem:$0x16C8] =	vst v0  }
0x14b: {  	[tilespmem:$0x16B8] =	vst v0  }
0x14c: {  	[tilespmem:$0x16A8] =	vst v0  }
0x14d: {  	[tilespmem:$0x1698] =	vst v0  }
0x14e: {  	[tilespmem:$0x1688] =	vst v0  }
0x14f: {  	[tilespmem:$0x1678] =	vst v0  }
0x150: {  	[tilespmem:$0x1668] =	vst v0  }
0x151: {  	[tilespmem:$0x1658] =	vst v0  }
0x152: {  	[tilespmem:$0x1648] =	vst v0  }
0x153: {  	[tilespmem:$0x1638] =	vst v0  }
0x154: {  	[tilespmem:$0x1628] =	vst v0  }
0x155: {  	[tilespmem:$0x1618] =	vst v0  }
0x156: {  	[tilespmem:$0x1608] =	vst v0  }
0x157: {  	[tilespmem:$0x15F8] =	vst v0  }
0x158: {  	[tilespmem:$0x15E8] =	vst v0  }
0x159: {  	[tilespmem:$0x15D8] =	vst v0  }
0x15a: {  	[tilespmem:$0x15C8] =	vst v0  }
0x15b: {  	[tilespmem:$0x15B8] =	vst v0  }
0x15c: {  	[tilespmem:$0x15A8] =	vst v0  }
0x15d: {  	[tilespmem:$0x1598] =	vst v0  }
0x15e: {  	[tilespmem:$0x1588] =	vst v0  }
0x15f: {  	[tilespmem:$0x1578] =	vst v0  }
0x160: {  	[tilespmem:$0x1568] =	vst v0  }
0x161: {  	[tilespmem:$0x1558] =	vst v0  }
0x162: {  	[tilespmem:$0x1548] =	vst v0  }
0x163: {  	[tilespmem:$0x1538] =	vst v0  }
0x164: {  	[tilespmem:$0x1528] =	vst v0  }
0x165: {  	[tilespmem:$0x1518] =	vst v0  }
0x166: {  	[tilespmem:$0x1508] =	vst v0  }
0x167: {  	[tilespmem:$0x14F8] =	vst v0  }
0x168: {  	[tilespmem:$0x14E8] =	vst v0  }
0x169: {  	[tilespmem:$0x14D8] =	vst v0  }
0x16a: {  	[tilespmem:$0x14C8] =	vst v0  }
0x16b: {  	[tilespmem:$0x14B8] =	vst v0  }
0x16c: {  	[tilespmem:$0x14A8] =	vst v0  }
0x16d: {  	[tilespmem:$0x1498] =	vst v0  }
0x16e: {  	[tilespmem:$0x1488] =	vst v0  }
0x16f: {  	[tilespmem:$0x1478] =	vst v0  }
0x170: {  	[tilespmem:$0x1468] =	vst v0  }
0x171: {  	[tilespmem:$0x1458] =	vst v0  }
0x172: {  	[tilespmem:$0x1448] =	vst v0  }
0x173: {  	[tilespmem:$0x1438] =	vst v0  }
0x174: {  	[tilespmem:$0x1428] =	vst v0  }
0x175: {  	[tilespmem:$0x1418] =	vst v0  }
0x176: {  	[tilespmem:$0x1408] =	vst v0  }
0x177: {  	[tilespmem:$0x13F8] =	vst v0  }
0x178: {  	[tilespmem:$0x13E8] =	vst v0  }
0x179: {  	[tilespmem:$0x13D8] =	vst v0  }
0x17a: {  	[tilespmem:$0x13C8] =	vst v0  }
0x17b: {  	[tilespmem:$0x13B8] =	vst v0  }
0x17c: {  	[tilespmem:$0x13A8] =	vst v0  }
0x17d: {  	[tilespmem:$0x1398] =	vst v0  }
0x17e: {  	[tilespmem:$0x1388] =	vst v0  }
0x17f: {  	[tilespmem:$0x1378] =	vst v0  }
0x180: {  	[tilespmem:$0x1368] =	vst v0  }
0x181: {  	[tilespmem:$0x1358] =	vst v0  }
0x182: {  	[tilespmem:$0x1348] =	vst v0  }
0x183: {  	[tilespmem:$0x1338] =	vst v0  }
0x184: {  	[tilespmem:$0x1328] =	vst v0  }
0x185: {  	[tilespmem:$0x1318] =	vst v0  }
0x186: {  	[tilespmem:$0x1308] =	vst v0  }
0x187: {  	[tilespmem:$0x12F8] =	vst v0  }
0x188: {  	[tilespmem:$0x12E8] =	vst v0  }
0x189: {  	[tilespmem:$0x12D8] =	vst v0  }
0x18a: {  	[tilespmem:$0x12C8] =	vst v0  }
0x18b: {  	[tilespmem:$0x12B8] =	vst v0  }
0x18c: {  	[tilespmem:$0x12A8] =	vst v0  }
0x18d: {  	[tilespmem:$0x1298] =	vst v0  }
0x18e: {  	[tilespmem:$0x1288] =	vst v0  }
0x18f: {  	[tilespmem:$0x1278] =	vst v0  }
0x190: {  	[tilespmem:$0x1268] =	vst v0  }
0x191: {  	[tilespmem:$0x1258] =	vst v0  }
0x192: {  	[tilespmem:$0x1248] =	vst v0  }
0x193: {  	[tilespmem:$0x1238] =	vst v0  }
0x194: {  	[tilespmem:$0x1228] =	vst v0  }
0x195: {  	[tilespmem:$0x1218] =	vst v0  }
0x196: {  	[tilespmem:$0x1208] =	vst v0  }
0x197: {  	[tilespmem:$0x11F8] =	vst v0  }
0x198: {  	[tilespmem:$0x11E8] =	vst v0  }
0x199: {  	[tilespmem:$0x11D8] =	vst v0  }
0x19a: {  	[tilespmem:$0x11C8] =	vst v0  }
0x19b: {  	[tilespmem:$0x11B8] =	vst v0  }
0x19c: {  	[tilespmem:$0x11A8] =	vst v0  }
0x19d: {  	[tilespmem:$0x1198] =	vst v0  }
0x19e: {  	[tilespmem:$0x1188] =	vst v0  }
0x19f: {  	[tilespmem:$0x1178] =	vst v0  }
0x1a0: {  	[tilespmem:$0x1168] =	vst v0  }
0x1a1: {  	[tilespmem:$0x1158] =	vst v0  }
0x1a2: {  	[tilespmem:$0x1148] =	vst v0  }
0x1a3: {  	[tilespmem:$0x1138] =	vst v0  }
0x1a4: {  	[tilespmem:$0x1128] =	vst v0  }
0x1a5: {  	[tilespmem:$0x1118] =	vst v0  }
0x1a6: {  	s1 =	stileid.u32;
	[tilespmem:$0x1108] =	vst v0  }
0x1a7: {  	s0 =	smul.u32 $0x2F, s1;
	[tilespmem:$0x10F8] =	vst v0  }
0x1a8: {  	s2 =	smin.u32 s1, $0xC;
	[tilespmem:$0x10E8] =	vst v0  }
0x1a9: {  	[tilespmem:$0x10B8] =	vst v0;
	s0 =	sadd.s32 s2, s0  }
0x1aa: {  	p0 =	slt.u32 s1, $0xC;
	[tilespmem:$0x10C8] =	vst v0;
	s2 =	simm.s32 $0x5100;
	s4 =	smul.u32 $0x1B0, s0  }
0x1ab: {  	s2 =	simm.s32 @!p0 $0x4F50;
	[tilespmem:$0x10A8] =	vst v0  }
0x1ac: {  	[tilespmem:$0x1038] =	vst v0;
	s0 =	sadd.s32 s2, s4  }
0x1ad: {  	[tilespmem:$0x1098] =	vst v0;
	s5 =	smin.u32 s0, $0x50910  }
0x1ae: {  	[tilespmem:$0x1088] =	vst v0;
	s0 =	ssub.s32 s5, s4  }
0x1af: {  	s6 =	simm.s32 $0x2;
	[tilespmem:$0x1078] =	vst v0;
	p0 =	sgt.s32 s0, $0x0  }
0x1b0: {  	s29 =	simm.s32 $0x7;
	s13 =	simm.s32 $0x8;
	[tilespmem:$0x1068] =	vst v0;
	s0 =	simm.s32 @!p0 $0x0  }
0x1b1: {  	s30 =	simm.s32 $0x9;
	p4 =	por $0x0, $0x0;
	[tilespmem:$0x1058] =	vst v0;
	s28 =	smulhi.u32 $0x4BDA12F7, s0  }
0x1b2: {  	s14 =	simm.s32 $0xA;
	s18 =	simm.s32 $0x0;
	s15 =	simm.s32 $0x0;
	[tilespmem:$0x1048] =	vst v0  }
0x1b3: {  	s17 =	simm.s32 $0x0;
	s7 =	sadd.s32 $0x8CE00, s8;
	[tilespmem:$0x1028] =	vst v0;
	s12 =	sshrl.u32 s28, $0x7  }
0x1b4: {  	s31 =	sshll.u32 s1, $0x5;
	[tilespmem:$0x1018] =	vst v0;
	[sflag:s6] =	ssyncpa.u1 $0x0;
	v0 =	vimm.s32 $0xFFFFFFFF;
	s10 =	smul.u32 $0x1B0, s12  }
.Ltmp0:
0x1b5: {  	s6 =	sadd.s32 $0x5A0200, s8;
	[tilespmem:$0x3648] =	vst v0;
	[sflag:s29] =	ssyncpa.u1 $0x0;
	(pc) =	sbr.rel .LBB2_1-.Ltmp0, $4  }
0x1b6: {  	[dreg:$0x3] =	wrdreg s31;
	[sflag:s13] =	ssyncpa.u1 $0x0;
	p0 =	sne.s32 s0, s10  }
0x1b7: {  	s13 =	simm.s32 $0x0;
	[sflag:s30] =	ssyncpa.u1 $0x0;
	s11 =	simm.s32 @!p0 $0x0  }
0x1b8: {  	s2 =	sadd.s32 $0x5AA400, s8;
	s16 =	smov.u32 s4;
	s11 =	sadd.s32 s11, s12  }
0x1b9: {  	v0 =	vlaneseq.u32;
	[dreg:$0x4] =	wrdreg s4;
	p0 =	por $0x1, $0x1;
	s8 =	sadd.s32 $0x1, s11  }
.LBB2_18:
0x1ba: {  	s0 =	simm.s32 $0x2  }
0x1bb: {  	_ =	swait.ge [sflag:s0], $0x0  }
0x1bc: {  	[sflag:s0] =	ssyncset.done $0x0;
	s0 =	simm.s32 $0x0  }
.LBB2_19:
0x1bd: {  	_ =	swait.ge [sflag:s14], s0  }
0x1be: {  	s31 =	ssub.s32 $0x0, s0;
	v1 =	vmov s20;
	vm0 =	veq.s32 v0, $0x0;
	[sflag:s14] =	ssyncset.done $0x0  }
0x1bf: {  	vm15 =	veq.s32 v0, $0x2;
	v1 =	vsel vm0, s24, v1;
	[sflag:s14] =	ssyncadd.s32 s31  }
0x1c0: {  	v1 =	vsel vm15, s18, v1;
	[sflag:s14] =	ssyncpa.u1 $0x1  }
0x1c1: {  	[tilespmem:$0x3648] =	vst v1  }
.LBB2_20:
0x1c2: {  	s0 =	sadd.s32 $0x1B0, s16  }
0x1c3: {  	s1 =	smov.u32 s4;
	p1 =	slt.s32 s0, s5  }
0x1c4: {  	s1 =	smov.u32 @p1 s0;
	p1 =	sne.s32 s17, s8  }
.Ltmp1:
0x1c5: {  	_ = 	snop;
	(pc) =	sbr.rel @!p1 .LBB2_21-.Ltmp1, $4  }
0x1c6: {  	_ = 	snop  }
0x1c7: {  	s18 =	smov.u32 s15  }
0x1c8: {  	s31 =	sadd.s32 $0x1, s17;
	s15 =	smov.u32 s16;
	p0 =	por !p0, !p0  }
0x1c9: {  	p4 =	por !p4, !p4;
	s17 =	smov.u32 s31;
	s16 =	smov.u32 s1  }
.LBB2_1:
0x1ca: {  	p2 =	sge.u32 s17, s11  }
0x1cb: {  	s0 =	smulhi.u32 @!p2 $0xAAAAAAAB, s17  }
0x1cc: {  	s19 =	smov.u32 s16;
	p3 =	sgt.s32 @!p2 s16, $0x50760  }
0x1cd: {  	s20 =	sshra.s32 @!p2 s16, $0x1F;
	p3 =	por !p3, p2;
	s0 =	sshrl.u32 @!p2 s0, $0x1  }
0x1ce: {  	s20 =	sand.u32 @!p2 s20, s16;
	s19 =	simm.s32 @p3 $0x50760;
	s0 =	smul.u32 @!p2 $0x3, s0  }
0x1cf: {  	s19 =	ssub.s32 @!p2 s19, s20  }
0x1d0: {  	s19 =	sadd.s32 @!p2 $0xFFFAF8A0, s19;
	s0 =	ssub.s32 @!p2 s17, s0  }
0x1d1: {  	s20 =	sshll.u32 @!p2 s19, $0x2;
	p3 =	sgt.s32 @!p2 s19, $0x1AF;
	s0 =	smul.u32 @!p2 $0x6C0, s0  }
0x1d2: {  	s21 =	sand.u32 @!p2 $0x7, s16;
	s19 =	ssub.s32 @!p2 $0x6C0, s20;
	p3 =	por !p3, p2  }
0x1d3: {  	s20 =	sshrl.u32 @!p2 s16, $0x3;
	s19 =	sshrl.u32 @!p2 s19, $0x2;
	s0 =	sshrl.u32 @!p2 s0, $0x2  }
0x1d4: {  	s20 =	sadd.s32 @!p2 s6, s20;
	s19 =	simm.s32 @!p3 $0x0;
	s0 =	sadd.s32 @!p2 $0x3878, s0  }
0x1d5: {  	[tilespmem:s0], [sflag:$0x8] =	stream.linear.gather @!p2 [hbm4b:s20+s21], s19, $0x38;
	[tilespmem:$0x1F0E8] =	vst v63  }
0x1d6: {  	s20 =	sadd.s32 $0xFFFFFFFF, s17  }
0x1d7: {  	p2 =	sge.u32 s20, s11  }
0x1d8: {  	p3 =	sgt.s32 @!p2 s15, $0x50760  }
0x1d9: {  	s0 =	smov.u32 s15;
	s19 =	sshra.s32 @!p2 s15, $0x1F;
	p3 =	por !p3, p2  }
0x1da: {  	s19 =	sand.u32 @!p2 s19, s15;
	s0 =	simm.s32 @p3 $0x50760  }
0x1db: {  	s0 =	ssub.s32 @!p2 s0, s19  }
0x1dc: {  	s0 =	sadd.s32 @!p2 $0xFFFAF8A0, s0  }
0x1dd: {  	s19 =	sshll.u32 @!p2 s0, $0x2  }
0x1de: {  	p3 =	sgt.s32 @!p2 s0, $0x1AF;
	s0 =	ssub.s32 @!p2 $0x6C0, s19  }
0x1df: {  	p3 =	por !p3, p2;
	s0 =	sshrl.u32 @!p2 s0, $0x2  }
0x1e0: {  	s21 =	simm.s32 @!p2 $0x8;
	s19 =	sand.u32 @!p2 $0x1, s20;
	s0 =	simm.s32 @!p3 $0x0  }
0x1e1: {  	s19 =	smul.u32 @!p2 $0x6C0, s19;
	_ =	swait.ge @!p2 [sflag:s21], s0  }
0x1e2: {  	s22 =	ssub.s32 @!p2 $0x0, s0;
	[sflag:s21] =	ssyncset.done @!p2 $0x0  }
0x1e3: {  	s19 =	sshrl.u32 @!p2 s19, $0x2;
	[sflag:s21] =	ssyncadd.s32 @!p2 s22;
	s21 =	sshrl.u32 @!p2 s15, $0x3  }
0x1e4: {  	s19 =	sadd.s32 @!p2 $0x3D88, s19;
	s22 =	sand.u32 @!p2 $0x7, s15;
	s21 =	sadd.s32 @!p2 s3, s21  }
0x1e5: {  	[tilespmem:s19], [sflag:$0x9] =	stream.linear.gather @!p2 [hbm4b:s21+s22], s0, $0x38;
	[tilespmem:$0x1F0E8] =	vst v63  }
0x1e6: {  	s19 =	ssub.s32 @!p2 $0x50910, s15  }
0x1e7: {  	p3 =	slt.s32 @!p2 s19, $0x1  }
0x1e8: {  	p3 =	por p2, p3  }
.Ltmp2:
0x1e9: {  	_ = 	snop;
	(pc) =	sbr.rel @p3 .LBB2_7-.Ltmp2, $1  }
0x1ea: {  	_ =	sdelay $0x3  }
0x1eb: {  	s0 =	smulhi.u32 $0xAAAAAAAB, s20;
	_ =	sdelay $0x1  }
0x1ec: {  	s0 =	sshrl.u32 s0, $0x1  }
0x1ed: {  	s0 =	smul.u32 $0x3, s0;
	_ =	sdelay $0x1  }
0x1ee: {  	s0 =	ssub.s32 s20, s0  }
0x1ef: {  	s21 =	simm.s32 $0x1;
	s0 =	smul.u32 $0x6C0, s0  }
.Ltmp3:
0x1f0: {  	s21 =	simm.s32 @!p0 $0x0;
	(pc) =	sbr.rel .LBB2_4-.Ltmp3, $4  }
0x1f1: {  	s31 =	smul.u32 $0x36000, s21  }
0x1f2: {  	p3 =	slt.s32 @!p2 s19, $0x1B0;
	s0 =	sshrl.u32 s0, $0x2  }
0x1f3: {  	p2 =	por !p3, p2;
	s20 =	sshrl.u32 s31, $0x2;
	s0 =	sadd.s32 $0x3878, s0  }
0x1f4: {  	s19 =	simm.s32 @p2 $0x1B0;
	s21 =	simm.s32 $0x0;
	s20 =	sadd.s32 $0x40E8, s20;
	v1 =	vmov s0  }
.LBB2_3:
0x1f5: {  	p2 =	sge.s32 s21, s19  }
.Ltmp4:
0x1f6: {  	_ = 	snop;
	(pc) =	sbr.rel @p2 .LBB2_7-.Ltmp4, $2  }
0x1f7: {  	_ =	sdelay $0x2  }
0x1f8: {  	s20 =	sadd.s32 $0x800, s20  }
.LBB2_4:
0x1f9: {  	p2 =	sle.s32 s19, s21  }
.Ltmp5:
0x1fa: {  	_ = 	snop;
	(pc) =	sbr.rel @p2 .LBB2_3-.Ltmp5, $2  }
0x1fb: {  	_ =	sdelay $0x2  }
0x1fc: {  	s22 =	smov.u32 s21;
	s21 =	sadd.s32 $0x10, s21  }
0x1fd: {  	s0 =	ssub.s32 s19, s22  }
0x1fe: {  	p2 =	slt.s32 s0, $0x10  }
0x1ff: {  	s0 =	simm.s32 @!p2 $0x10  }
0x200: {  	v2 =	vmov s0  }
0x201: {  	vm0 =	vgt.s32 v2, v0;
	_ =	sdelay $0x5  }
0x202: {  	v2 =	vld.idx.msk [tilespmem:v1+s22+$0x0 ss:$0x1], vm0;
	_ =	sdelay $0x2  }
0x203: {  	s23 =	smov.u32 s19;
	p2 =	slt.s32 s21, s19  }
0x204: {  	s24 =	smov.u32 s20;
	s25 =	simm.s32 $0x0;
	s23 =	smov.u32 @p2 s21  }
.LBB2_6:
0x205: {  	(v2sf) =	vpush v2, s25;
	_ =	sdelay $0xc  }
0x206: {  	s25 =	sadd.s32 $0x1, s25  }
0x207: {  	s31 =	sadd.s32 s25, s22  }
0x208: {  	p2 =	slt.s32 s31, s23;
	s0 =	spop (v2sf)  }
.Ltmp6:
0x209: {  	s0 =	sshll.u32 s0, $0x4;
	(pc) =	sbr.rel @p2 .LBB2_6-.Ltmp6, $4  }
0x20a: {  	s0 =	sand.u32 $0x1FFFFFF0, s0  }
0x20b: {  	s0 =	sadd.s32 s7, s0  }
0x20c: {  	[tilespmem:s24], [sflag:$0x7] =	stream.linear.gather [hbm4b:s0+s13], $0x8, $0x38;
	[tilespmem:$0x1F0E8] =	vst v63  }
0x20d: {  	s24 =	sadd.s32 $0x80, s24  }
.Ltmp7:
0x20e: {  	_ = 	snop;
	(pc) =	sbr.rel .LBB2_3-.Ltmp7, $1  }
0x20f: {  	_ =	sdelay $0x3  }
.LBB2_7:
0x210: {  	p2 =	slt.u32 s17, $0x2  }
.Ltmp8:
0x211: {  	_ = 	snop;
	(pc) =	sbr.rel @p2 .LBB2_20-.Ltmp8, $1  }
0x212: {  	_ =	sdelay $0x3  }
0x213: {  	p2 =	sgt.s32 s18, $0x50760;
	s0 =	smov.u32 s18  }
0x214: {  	s19 =	sshra.s32 s18, $0x1F;
	s20 =	ssub.s32 $0x50910, s18;
	s0 =	simm.s32 @!p2 $0x50760  }
0x215: {  	s19 =	sand.u32 s19, s18;
	p2 =	slt.s32 s20, $0x1B0;
	s21 =	smov.u32 s20  }
0x216: {  	s0 =	ssub.s32 s0, s19;
	s21 =	simm.s32 @!p2 $0x1B0  }
0x217: {  	s0 =	sadd.s32 $0xFFFAF8A0, s0;
	s26 =	sshll.u32 s21, $0x3  }
0x218: {  	s1 =	simm.s32 $0x7;
	s28 =	sshll.u32 s0, $0x2;
	s19 =	sand.u32 $0x3FFFFFF8, s26  }
0x219: {  	p2 =	sgt.s32 s0, $0x1AF;
	s29 =	ssub.s32 $0x6C0, s28;
	_ =	swait.ge [sflag:s1], s19  }
0x21a: {  	s19 =	ssub.s32 $0x0, s19;
	[sflag:s1] =	ssyncset.done $0x0;
	s0 =	sshrl.u32 s29, $0x2  }
0x21b: {  	s30 =	simm.s32 $0x9;
	[sflag:s1] =	ssyncadd.s32 s19;
	s0 =	simm.s32 @p2 $0x0  }
0x21c: {  	_ =	swait.ge [sflag:s30], s0  }
0x21d: {  	s0 =	ssub.s32 $0x0, s0;
	[sflag:s30] =	ssyncset.done $0x0  }
0x21e: {  	[sflag:s30] =	ssyncadd.s32 s0  }
0x21f: {  	v1 =	vld [tilespmem:$0x3648];
	_ =	sdelay $0x4  }
0x220: {  	(v2sf) =	vpush v1, $0x0  }
0x221: {  	(v2sf) =	vpush v1, $0x1  }
0x222: {  	(v2sf) =	vpush v1, $0x2;
	_ =	sdelay $0x3  }
0x223: {  	s0 =	sadd.s32 $0x1B0, s18  }
0x224: {  	p2 =	slt.s32 s5, s0  }
0x225: {  	s0 =	smov.u32 @p2 s5;
	p2 =	sgt.s32 s20, $0x0  }
0x226: {  	s22 =	ssub.s32 s0, s18;
	s20 =	simm.s32 @!p2 $0x0  }
0x227: {  	p2 =	slt.s32 s20, s22  }
0x228: {  	s22 =	smov.u32 @p2 s20  }
0x229: {  	s21 =	simm.s32 $0x1;
	p2 =	slt.s32 s22, $0x1  }
.Ltmp9:
0x22a: {  	s21 =	simm.s32 @!p4 $0x0;
	(pc) =	sbr.rel @p2 .LBB2_12-.Ltmp9, $4  }
0x22b: {  	s31 =	smul.u32 $0x6C0, s21  }
0x22c: {  	s23 =	spop (v2sf)  }
0x22d: {  	s0 =	sshrl.u32 s31, $0x2;
	s25 =	spop (v2sf)  }
0x22e: {  	s19 =	sadd.s32 $0x3D88, s0;
	s18 =	spop (v2sf)  }
0x22f: {  	s0 =	smin.u32 s22, $0x10  }
0x230: {  	v1 =	vmov s0  }
0x231: {  	p3 =	sgt.s32 s22, $0x10;
	vm1 =	vgt.u32 v1, v0  }
.Ltmp10:
0x232: {  	_ = 	snop;
	(pc) =	sbr.rel @!p3 .LBB2_11-.Ltmp10, $2  }
0x233: {  	_ =	sdelay $0x2  }
0x234: {  	s24 =	simm.s32 $0x10;
	s26 =	sadd.s32 $0xFFFFFFF0, s22;
	s20 =	smov.u32 s19;
	vm0 =	vmmov vm1  }
.LBB2_10:
0x235: {  	s0 =	smin.u32 s26, $0x10;
	s24 =	sadd.s32 $0x10, s24;
	v1 =	vld.msk [tilespmem:s20+$0x0 ss:$0x1], vm1  }
0x236: {  	v2 =	vmov s0;
	p3 =	slt.s32 s24, s22  }
0x237: {  	vm1 =	vgt.u32 v2, v0  }
.Ltmp11:
0x238: {  	(pc) =	sbr.rel @p3 .LBB2_10-.Ltmp11, $3  }
0x239: {  	_ =	sdelay $0x1  }
0x23a: {  	v1 =	vshll.u32 v1, $0x4  }
0x23b: {  	s26 =	sadd.s32 $0xFFFFFFF0, s26;
	[tilespmem:s20+$0x0] =	vst.msk vm0, v1;
	s20 =	sadd.s32 $0x10, s20;
	vm0 =	vmmov vm1  }
.LBB2_11:
0x23c: {  	_ =	sdelay $0x4  }
0x23d: {  	v1 =	vld.msk [tilespmem:s20+$0x0 ss:$0x1], vm1;
	_ =	sdelay $0x4  }
0x23e: {  	v1 =	vshll.u32 v1, $0x4  }
0x23f: {  	[tilespmem:s20+$0x0] =	vst.msk vm0, v1  }
.LBB2_12:
0x240: {  	s0 =	sand.u32 $0x1, s17  }
0x241: {  	s0 =	smul.u32 $0x1B0, s0  }
0x242: {  	p3 =	sne.s32 s25, $0xFFFFFFFF  }
0x243: {  	v1 =	vld.msk @!p3 [tilespmem:s0+$0x3D88], $0x1;
	_ =	sdelay $0x4  }
0x244: {  	(v2sf) =	vpush @!p3 v1, $0x0;
	_ =	sdelay $0xc  }
.Ltmp12:
0x245: {  	_ = 	snop;
	(pc) =	sbr.rel @p2 .LBB2_18-.Ltmp12, $4  }
0x246: {  	_ = 	snop  }
0x247: {  	s24 =	spop @!p3 (v2sf)  }
0x248: {  	s18 =	simm.s32 @!p3 $0x0;
	s20 =	smov.u32 s24  }
0x249: {  	[sflag:s14] =	ssyncpa.u1 $0x0;
	s24 =	smov.u32 @p3 s23;
	s20 =	smov.u32 @p3 s25  }
0x24a: {  	v1 =	vld.msk [tilespmem:s19+$0x0], $0x1;
	_ =	sdelay $0x4  }
0x24b: {  	(v2sf) =	vpush v1, $0x0;
	_ =	sdelay $0xd  }
0x24c: {  	s0 =	simm.s32 @!p4 $0x0  }
0x24d: {  	s26 =	smul.u32 $0x36000, s21;
	s25 =	ssub.s32 $0x0, s22;
	s28 =	spop (v2sf)  }
0x24e: {  	s0 =	simm.s32 @p4 $0x1;
	s23 =	sadd.s32 $0x1, s25;
	p2 =	seq.s32 s24, s28  }
0x24f: {  	[smem:$0x7FD] =	sst s0;
	s0 =	sshrl.u32 s26, $0x2;
	p3 =	sgt.s32 @!p2 s24, $0x0  }
0x250: {  	s21 =	sadd.s32 $0x40E8, s0;
	s0 =	smov.u32 s24;
	p3 =	por !p3, p2  }
0x251: {  	s0 =	simm.s32 @p3 $0x0;
	p3 =	seq.s32 s23, $0x0  }
.Ltmp13:
0x252: {  	_ = 	snop;
	(pc) =	sbr.rel @p3 .LBB2_15-.Ltmp13, $4  }
0x253: {  	s4 =	smov.u32 s8;
	s12 =	smov.u32 s6;
	s8 =	smov.u32 s3  }
0x254: {  	s22 =	simm.s32 $0x0;
	s29 =	simm.s32 @!p2 $0x1;
	s0 =	smin.u32 @!p2 s0, $0x271FF  }
0x255: {  	s30 =	simm.s32 @!p2 $0x1B38;
	s29 =	smov.u32 @p2 s22;
	s26 =	sand.u32 @!p2 $0x3FFF8, s0  }
0x256: {  	s31 =	sand.u32 @!p2 $0x7, s0;
	s0 =	sadd.s32 @!p2 s2, s26;
	s26 =	sadd.s32 $0x1, s19  }
.LBB2_14:
0x257: {  	s3 =	smov.u32 s29  }
0x258: {  	[tilespmem:s30], [sflag:$0x2] =	stream.linear.gather @!p2 [hbm4b:s0+s31], $0x8, $0x38;
	[tilespmem:$0x1F0E8] =	vst v63  }
0x259: {  	s23 =	sadd.s32 $0x1, s23;
	s0 =	smov.u32 s28;
	v1 =	vld.msk [tilespmem:s26+$0x0], $0x1  }
0x25a: {  	p3 =	seq.s32 s23, $0x0;
	_ =	sdelay $0x3  }
0x25b: {  	(v2sf) =	vpush v1, $0x0;
	_ =	sdelay $0xe  }
0x25c: {  	s28 =	spop (v2sf)  }
0x25d: {  	p2 =	seq.s32 s0, s28  }
0x25e: {  	p4 =	sgt.s32 @!p2 s0, $0x0;
	s30 =	sshll.u32 @!p2 s29, $0x6;
	s29 =	sadd.s32 @!p2 $0x1, s29  }
.Ltmp14:
0x25f: {  	p4 =	por !p4, p2;
	s30 =	sshra.s32 @!p2 s30, $0x2;
	(pc) =	sbr.rel @!p3 .LBB2_14-.Ltmp14, $4  }
0x260: {  	s29 =	smov.u32 @p2 s3;
	s0 =	simm.s32 @p4 $0x0;
	s30 =	sadd.s32 @!p2 $0x1B38, s30  }
0x261: {  	s0 =	smin.u32 @!p2 s0, $0x271FF  }
0x262: {  	s3 =	sand.u32 @!p2 $0x3FFF8, s0;
	s31 =	sand.u32 @!p2 $0x7, s0  }
0x263: {  	s26 =	sadd.s32 $0x1, s26;
	s0 =	sadd.s32 @!p2 s2, s3  }
.LBB2_15:
0x264: {  	[tilespmem:s30], [sflag:$0x2] =	stream.linear.gather @!p2 [hbm4b:s0+s31], $0x8, $0x38;
	[tilespmem:$0x1F0E8] =	vst v63  }
0x265: {  	s31 =	sshll.u32 s29, $0x3  }
0x266: {  	s1 =	simm.s32 $0x2;
	s0 =	sand.u32 $0x3FFFFFF8, s31  }
0x267: {  	_ =	swait.ge [sflag:s1], s0  }
0x268: {  	s0 =	ssub.s32 $0x0, s0;
	[sflag:s1] =	ssyncset.done $0x0  }
0x269: {  	[sflag:s1] =	ssyncadd.s32 s0  }
0x26a: {  	v1 =	vld.msk [tilespmem:s19+$0x0], $0x1;
	_ =	sdelay $0x4  }
0x26b: {  	(v2sf) =	vpush v1, $0x0;
	_ =	sdelay $0xe  }
0x26c: {  	s23 =	spop (v2sf)  }
0x26d: {  	p2 =	sne.s32 s24, s23  }
0x26e: {  	p4 =	sne.s32 @p2 s24, s20  }
0x26f: {  	p3 =	por !p4, !p2  }
0x270: {  	s0 =	simm.s32 @!p3 $0x0  }
0x271: {  	v1 =	vld.msk @!p3 [tilespmem:s0+$0x1B38], $0xff  }
0x272: {  	p5 =	sgt.u32 @!p3 s24, $0x271FF  }
0x273: {  	s3 =	sshll.u32 @!p3 s18, $0x6;
	p6 =	por @p2 p5, !p4  }
0x274: {  	s3 =	sshra.s32 @!p3 s3, $0x2;
	p1 =	por p6, !p2;
	p6 =	por p4, !p2  }
0x275: {  	s26 =	sadd.s32 @!p3 $0x28, s3;
	s28 =	sand.u32 @!p1 $0x3FFF8, s24;
	s29 =	sshll.u32 @!p6 s18, $0x6  }
0x276: {  	s24 =	sand.u32 @!p1 $0x7, s24;
	[tilespmem:s3+$0x28] =	vst.add.f32.msk @!p3 $0xff, v1;
	s3 =	sadd.s32 @!p1 s2, s28;
	s28 =	sshra.s32 @!p6 s29, $0x2  }
0x277: {  	[hbm4b:s3+s24] =	stream.linear.scatter @!p1 [tilespmem:s26], [sflag:$0xA], $0x8, $0x38;
	[tilespmem:$0x1F0E8] =	vst v63  }
0x278: {  	s0 =	rddreg [dreg:$0x3];
	s3 =	sadd.s32 @!p6 $0x28, s28;
	s24 =	simm.s32 @!p6 $0x1  }
0x279: {  	[spmem:s0] =	stream.linear.scatter @!p6 [tilespmem:s3], [sflag:$0x1], $0x8, $0x38;
	[tilespmem:$0x1F0E8] =	vst v63  }
0x27a: {  	s0 =	sadd.s32 @p2 $0x1, s18;
	_ =	swait.ge @!p6 [sflag:s24], $0x8  }
0x27b: {  	s3 =	sshrl.u32 @p2 s0, $0x4;
	[sflag:s24] =	ssyncset.done @!p6 $0x0  }
0x27c: {  	s3 =	smulhi.u32 @p2 $0x97B425F, s3;
	[sflag:s24] =	ssyncadd.s32 @!p6 $0xFFFFFFF8  }
0x27d: {  	s24 =	sadd.s32 $0x1, s25;
	v1 =	vld.msk @p2 [tilespmem:s21+$0x0], $0xff  }
0x27e: {  	p1 =	por @p2 !p5, !p4;
	s3 =	smul.u32 @p2 $0x1B0, s3;
	p4 =	seq.s32 s24, $0x0  }
.Ltmp15:
0x27f: {  	p1 =	por !p1, !p2;
	s25 =	simm.s32 @!p3 $0x0;
	(pc) =	sbr.rel @p4 .LBB2_17-.Ltmp15, $4  }
0x280: {  	s26 =	sshll.u32 @!p2 s18, $0x6;
	s25 =	simm.s32 @!p1 $0x20;
	s0 =	ssub.s32 @p2 s0, s3  }
0x281: {  	s26 =	sshra.s32 @!p2 s26, $0x2;
	s28 =	sadd.s32 @!p3 $0x0, s25;
	s29 =	sshll.u32 @p2 s0, $0x4  }
0x282: {  	s25 =	simm.s32 $0x0;
	s3 =	simm.s32 @p2 $0x1;
	s28 =	smov.u32 @p3 s22;
	[tilespmem:s29+$0x28] =	vst.msk @p2 $0xff, v1  }
0x283: {  	s18 =	smov.u32 @p2 s0;
	s25 =	smov.u32 @p2 s28;
	s22 =	smov.u32 @p2 s3;
	v1 =	vld.msk @!p2 [tilespmem:s21+$0x0], $0xff  }
.LBB2_16:
0x284: {  	_ =	sdelay $0x3  }
0x285: {  	s19 =	sadd.s32 $0x1, s19;
	[tilespmem:s26+$0x28] =	vst.add.f32.msk @!p2 $0xff, v1  }
0x286: {  	v1 =	vld.msk [tilespmem:s19+$0x0], $0x1;
	_ =	sdelay $0x4  }
0x287: {  	(v2sf) =	vpush v1, $0x0;
	_ =	sdelay $0xe  }
0x288: {  	s0 =	smov.u32 s23;
	s23 =	spop (v2sf)  }
0x289: {  	p2 =	sne.s32 s0, s23  }
0x28a: {  	p5 =	sne.s32 @p2 s0, s20  }
0x28b: {  	p4 =	por !p5, !p2  }
0x28c: {  	s30 =	sshll.u32 @!p4 s22, $0x6  }
0x28d: {  	s30 =	sshra.s32 @!p4 s30, $0x2  }
0x28e: {  	p1 =	sgt.u32 @!p4 s0, $0x271FF;
	v1 =	vld.msk @!p4 [tilespmem:s30+$0x1B38], $0xff  }
0x28f: {  	s31 =	sshll.u32 @!p4 s18, $0x6;
	p6 =	por @p2 p1, !p5;
	p1 =	por @p2 !p1, !p5  }
0x290: {  	s1 =	simm.s32 @!p4 $0x0;
	s31 =	sshra.s32 @!p4 s31, $0x2;
	p1 =	por !p1, !p2  }
0x291: {  	p5 =	por p5, !p2;
	s1 =	simm.s32 @!p1 $0x20;
	p1 =	por p6, !p2  }
0x292: {  	s30 =	sadd.s32 @!p4 $0x28, s31;
	s10 =	sshll.u32 @!p5 s18, $0x6;
	s9 =	sand.u32 @!p1 $0x3FFF8, s0  }
0x293: {  	s10 =	sshra.s32 @!p5 s10, $0x2;
	s0 =	sand.u32 @!p1 $0x7, s0;
	s9 =	sadd.s32 @!p1 s2, s9;
	[tilespmem:s31+$0x28] =	vst.add.f32.msk @!p4 $0xff, v1  }
0x294: {  	[hbm4b:s9+s0] =	stream.linear.scatter @!p1 [tilespmem:s30], [sflag:$0xA], $0x8, $0x38;
	[tilespmem:$0x1F0E8] =	vst v63  }
0x295: {  	s3 =	rddreg [dreg:$0x3];
	s0 =	sadd.s32 @!p5 $0x28, s10;
	s9 =	simm.s32 @!p5 $0x1  }
0x296: {  	[spmem:s3] =	stream.linear.scatter @!p5 [tilespmem:s0], [sflag:$0x1], $0x8, $0x38;
	[tilespmem:$0x1F0E8] =	vst v63  }
0x297: {  	s28 =	sadd.s32 @p2 $0x1, s18;
	_ =	swait.ge @!p5 [sflag:s9], $0x8  }
0x298: {  	s29 =	sshrl.u32 @p2 s28, $0x4;
	[sflag:s9] =	ssyncset.done @!p5 $0x0  }
0x299: {  	s21 =	sadd.s32 $0x80, s21;
	s29 =	smulhi.u32 @p2 $0x97B425F, s29;
	[sflag:s9] =	ssyncadd.s32 @!p5 $0xFFFFFFF8  }
0x29a: {  	s24 =	sadd.s32 $0x1, s24;
	v1 =	vld.msk @p2 [tilespmem:s21+$0x0], $0xff  }
0x29b: {  	p3 =	seq.s32 s24, $0x0;
	s29 =	smul.u32 @p2 $0x1B0, s29  }
.Ltmp16:
0x29c: {  	_ = 	snop;
	(pc) =	sbr.rel @!p3 .LBB2_16-.Ltmp16, $4  }
0x29d: {  	s28 =	ssub.s32 @p2 s28, s29  }
0x29e: {  	s26 =	sshll.u32 @!p2 s18, $0x6;
	s1 =	sadd.s32 @!p4 s1, s25;
	s10 =	sshll.u32 @p2 s28, $0x4  }
0x29f: {  	s6 =	sadd.s32 @p2 $0x1, s22;
	s26 =	sshra.s32 @!p2 s26, $0x2;
	s1 =	smov.u32 @p4 s25;
	[tilespmem:s10+$0x28] =	vst.msk @p2 $0xff, v1  }
0x2a0: {  	s22 =	smov.u32 @p2 s6;
	s18 =	smov.u32 @p2 s28;
	s25 =	smov.u32 @p2 s1;
	v1 =	vld.msk @!p2 [tilespmem:s21+$0x0], $0xff  }
.LBB2_17:
.Ltmp17:
0x2a1: {  	_ = 	snop;
	(pc) =	sbr.rel .LBB2_19-.Ltmp17, $4  }
0x2a2: {  	s1 =	sld [smem:$0x7FD]  }
0x2a3: {  	s0 =	sshrl.u32 s25, $0x2  }
0x2a4: {  	s24 =	smov.u32 s23;
	s3 =	smov.u32 s8;
	s6 =	smov.u32 s12  }
0x2a5: {  	s8 =	smov.u32 s4;
	s4 =	rddreg [dreg:$0x4];
	p4 =	seq.s32 s1, $0x1;
	[tilespmem:s26+$0x28] =	vst.add.f32.msk @!p2 $0xff, v1  }
.LBB2_21:
0x2a6: {  	_ =	sfence.sel $0x180000  }
0x2a7: {  	s0 =	simm.s32 $0x7;
	[bflag:$0x0] =	sbarrier.arrive $0xFFFF  }
0x2a8: {  	s25 =	simm.s32 $0x8;
	[sflag:s0] =	ssyncpa.u1 $0x1  }
0x2a9: {  	s26 =	simm.s32 $0x9;
	[sflag:s25] =	ssyncpa.u1 $0x1  }
0x2aa: {  	s28 =	simm.s32 $0x2;
	[sflag:s26] =	ssyncpa.u1 $0x1  }
0x2ab: {  	[sflag:s28] =	ssyncpa.u1 $0x1  }
0x2ac: {  	v0 =	vld [tilespmem:$0x3648];
	_ =	sdelay $0x4  }
0x2ad: {  	(v2sf) =	vpush v0, $0x0  }
0x2ae: {  	(v2sf) =	vpush v0, $0x1;
	_ =	sdelay $0x1  }
0x2af: {  	(v2sf) =	vpush v0, $0x2;
	_ =	sdelay $0xb  }
0x2b0: {  	s0 =	spop (v2sf)  }
0x2b1: {  	s1 =	spop (v2sf)  }
0x2b2: {  	s3 =	smov.u32 s0;
	p0 =	sne.s32 s0, s1  }
0x2b3: {  	s4 =	spop (v2sf);
	s3 =	simm.s32 @!p0 $0xFFFFFFFF  }
0x2b4: {  	v2 =	vimm.s32 $0x1;
	v3 =	vlaneseq.u32;
	p0 =	seq.s32 s4, $0xFFFFFFFF;
	v1 =	vmov s3  }
0x2b5: {  	s7 =	stileid.u32;
	v0 =	vperm.xlane v0, v2;
	p1 =	sne.s32 @!p0 s0, s1;
	v1 =	vperm.xlane v1, v3  }
0x2b6: {  	vm0 =	vcmask $0x3F04;
	s6 =	simm.s32 $0x3648;
	s0 =	simm.s32 @!p0 $0x1;
	p1 =	por !p1, p0  }
0x2b7: {  	s3 =	sshll.u32 s7, $0x1;
	s1 =	sshll.u32 @!p0 s4, $0x6;
	s0 =	simm.s32 @p1 $0x0;
	v0 =	vsel vm0, v1, v0  }
0x2b8: {  	s5 =	sor.u32 $0x200, s3;
	s1 =	sshra.s32 @!p0 s1, $0x2;
	s0 =	sor.u32 @!p0 s0, s3;
	[tilespmem:$0x3648] =	vst v0  }
0x2b9: {  	[spmem:s5] =	stream.linear.scatter [tilespmem:s6], [sflag:$0x1], $0x2, $0x38;
	[tilespmem:$0x1F0E8] =	vst v63  }
0x2ba: {  	s1 =	sadd.s32 @!p0 $0x28, s1;
	s0 =	sshll.u32 @!p0 s0, $0x4  }
0x2bb: {  	[spmem:s0] =	stream.linear.scatter @!p0 [tilespmem:s1], [sflag:$0x1], $0x10, $0x38;
	[tilespmem:$0x1F0E8] =	vst v63  }
0x2bc: {  	s0 =	simm.s32 @!p0 $0x12  }
0x2bd: {  	s1 =	simm.s32 $0x1;
	s0 =	simm.s32 @p0 $0x2  }
0x2be: {  	_ =	swait.ge [sflag:s1], s0  }
0x2bf: {  	s0 =	ssub.s32 $0x0, s0;
	[sflag:s1] =	ssyncset.done $0x0  }
0x2c0: {  	[sflag:s1] =	ssyncadd.s32 s0  }
0x2c1: {  	_ =	sfence.stream.spmem  }
0x2c2: {  	s29 =	simm.s32 $0x3;
	[bflag:$0x0] =	sbarrier.arrive $0xFFFF  }
0x2c3: {  	s30 =	simm.s32 $0x4;
	[sflag:s29] =	ssyncpa.u1 $0x1  }
0x2c4: {  	s31 =	simm.s32 $0x3C;
	[sflag:s30] =	ssyncpa.u1 $0x1  }
0x2c5: {  	p0 =	sne.s32 s7, $0x0;
	[sflag:s31] =	ssyncpa.u1 $0x1  }
0x2c6: {  	_ =	sfence @p0  }
0x2c7: {  	[sflag:s1] =	ssyncpa.u1 @p0 $0x1  }
0x2c8: {  	_ =	strace @p0 $0x90000047  }
0x2c9: {  	[bflag:$0x2] =	sbarrier.arrive @p0 $0xFFFF  }
0x2ca: {  	_ =	shalt @p0  }
.LBB2_22:
0x2cb: {  	_ =	sfence.stream.spmem;
	s0 =	simm.s32 $0x5  }
0x2cc: {  	s1 =	simm.s32 $0x200;
	s3 =	simm.s32 $0x3658;
	[sflag:s0] =	ssyncpa.u1 $0x0  }
0x2cd: {  	[tilespmem:s3], [sflag:$0x5] =	stream.linear.gather [spmem:s1], $0x20, $0x38;
	[tilespmem:$0x1F0E8] =	vst v63  }
0x2ce: {  	s30 =	simm.s32 $0x3678;
	s1 =	simm.s32 $0x0  }
0x2cf: {  	[tilespmem:s30], [sflag:$0x5] =	stream.linear.gather [spmem:s1], $0x200, $0x38;
	[tilespmem:$0x1F0E8] =	vst v63  }
.Ltmp18:
0x2d0: {  	_ = 	snop;
	(pc) =	sbr.rel .LBB2_23-.Ltmp18, $4  }
0x2d1: {  	_ =	swait.ge [sflag:s0], $0x220  }
0x2d2: {  	[sflag:s0] =	ssyncset.done $0x0  }
0x2d3: {  	s31 =	simm.s32 $0x6;
	[sflag:s0] =	ssyncadd.s32 $0xFFFFFDE0  }
0x2d4: {  	s3 =	simm.s32 $0x0;
	[sflag:s31] =	ssyncpa.u1 $0x0  }
.LBB2_28:
0x2d5: {  	p0 =	slt.u32 s4, $0x27200  }
0x2d6: {  	s0 =	sand.u32 @p0 $0x3FFF8, s4  }
0x2d7: {  	s4 =	sand.u32 @p0 $0x7, s4;
	s5 =	simm.s32 @p0 $0x3638;
	s0 =	sadd.s32 @p0 s2, s0  }
0x2d8: {  	[tilespmem:s5], [sflag:$0x6] =	stream.linear.gather @p0 [hbm4b:s0+s4], $0x8, $0x38;
	[tilespmem:$0x1F0E8] =	vst v63  }
0x2d9: {  	s0 =	simm.s32 @p0 $0x6  }
0x2da: {  	_ =	swait.ge @p0 [sflag:s0], $0x8  }
0x2db: {  	[sflag:s0] =	ssyncset.done @p0 $0x0  }
0x2dc: {  	[sflag:s0] =	ssyncadd.s32 @p0 $0xFFFFFFF8  }
0x2dd: {  	v1 =	vld @p0 [tilespmem:$0x3638];
	_ =	sdelay $0x2  }
0x2de: {  	s0 =	sshll.u32 @p0 s3, $0x6  }
0x2df: {  	s5 =	sshll.u32 @!p0 s3, $0x6;
	s4 =	sshrl.u32 @p0 s0, $0x2  }
0x2e0: {  	s5 =	smov.u32 @p0 s0;
	[tilespmem:s4+$0x3678] =	vst.add.f32.msk @p0 $0xffff, v1  }
0x2e1: {  	s0 =	sshrl.u32 s5, $0x2;
	[tilespmem:s1+$0x3658] =	vst.msk $0x1, v0  }
0x2e2: {  	v0 =	vld [tilespmem:s0+$0x3678];
	_ =	sdelay $0x2  }
0x2e3: {  	s31 =	sshll.u32 s1, $0x6  }
0x2e4: {  	s0 =	sshra.s32 s31, $0x2  }
0x2e5: {  	s1 =	sadd.s32 $0x1, s1;
	[tilespmem:s0+$0x3678] =	vst v0  }
.LBB2_30:
0x2e6: {  	s3 =	sadd.s32 $0x1, s3  }
0x2e7: {  	p0 =	sne.s32 s3, $0x20  }
.Ltmp19:
0x2e8: {  	_ = 	snop;
	(pc) =	sbr.rel @!p0 .LBB2_31-.Ltmp19, $1  }
0x2e9: {  	_ =	sdelay $0x3  }
.LBB2_23:
0x2ea: {  	v0 =	vld.msk [tilespmem:s3+$0x3658], $0x1;
	_ =	sdelay $0x4  }
0x2eb: {  	(v2sf) =	vpush v0, $0x0;
	_ =	sdelay $0xe  }
0x2ec: {  	s4 =	spop (v2sf)  }
0x2ed: {  	p0 =	seq.s32 s4, $0xFFFFFFFF  }
.Ltmp20:
0x2ee: {  	_ = 	snop;
	(pc) =	sbr.rel @p0 .LBB2_30-.Ltmp20, $1  }
0x2ef: {  	_ =	sdelay $0x3  }
0x2f0: {  	p0 =	slt.s32 s1, $0x1  }
.Ltmp21:
0x2f1: {  	_ = 	snop;
	(pc) =	sbr.rel @p0 .LBB2_28-.Ltmp21, $1  }
0x2f2: {  	_ =	sdelay $0x3  }
0x2f3: {  	s5 =	simm.s32 $0x3658;
	p0 =	por $0x0, $0x0  }
0x2f4: {  	v1 =	vld.msk @!p0 [tilespmem:s5+$0x0], $0x1;
	_ =	sdelay $0x4  }
0x2f5: {  	(v2sf) =	vpush @!p0 v1, $0x0;
	_ =	sdelay $0xd  }
0x2f6: {  	p2 =	sne.s32 s1, $0x1  }
.Ltmp22:
0x2f7: {  	s0 =	spop @!p0 (v2sf);
	(pc) =	sbr.rel @!p2 .LBB2_27-.Ltmp22, $4  }
0x2f8: {  	p1 =	seq.s32 @!p0 s4, s0  }
0x2f9: {  	s6 =	simm.s32 $0x0;
	p1 =	por !p1, p0  }
0x2fa: {  	s0 =	simm.s32 $0xFFFFFFFF;
	s6 =	simm.s32 @p1 $0xFFFFFFFF  }
0x2fb: {  	s7 =	simm.s32 $0x1;
	s6 =	smov.u32 @p0 s0  }
.LBB2_26:
0x2fc: {  	s0 =	smov.u32 s6;
	p0 =	sne.s32 s6, $0xFFFFFFFF  }
0x2fd: {  	s5 =	sadd.s32 $0x1, s5;
	s6 =	smov.u32 s7;
	s7 =	sadd.s32 $0x1, s7  }
0x2fe: {  	p1 =	sne.s32 s1, s7;
	v1 =	vld.msk @!p0 [tilespmem:s5+$0x0], $0x1;
	_ =	sdelay $0x4  }
0x2ff: {  	(v2sf) =	vpush @!p0 v1, $0x0;
	_ =	sdelay $0xe  }
.Ltmp23:
0x300: {  	s8 =	spop @!p0 (v2sf);
	(pc) =	sbr.rel @p1 .LBB2_26-.Ltmp23, $4  }
0x301: {  	p2 =	seq.s32 @!p0 s4, s8  }
0x302: {  	p2 =	por !p2, p0  }
0x303: {  	s6 =	simm.s32 @p2 $0xFFFFFFFF  }
0x304: {  	s6 =	smov.u32 @p0 s0  }
.LBB2_27:
0x305: {  	p0 =	sne.s32 s6, $0xFFFFFFFF  }
.Ltmp24:
0x306: {  	_ = 	snop;
	(pc) =	sbr.rel @!p0 .LBB2_28-.Ltmp24, $1  }
0x307: {  	_ =	sdelay $0x3  }
0x308: {  	s0 =	sshll.u32 s3, $0x4  }
0x309: {  	s0 =	sand.u32 $0x3FFFFFF0, s0  }
0x30a: {  	v0 =	vld [tilespmem:s0+$0x3678]  }
.Ltmp25:
0x30b: {  	_ = 	snop;
	(pc) =	sbr.rel .LBB2_30-.Ltmp25, $4  }
0x30c: {  	_ = 	snop  }
0x30d: {  	s31 =	sshll.u32 s6, $0x6  }
0x30e: {  	s0 =	sshra.s32 s31, $0x2  }
0x30f: {  	[tilespmem:s0+$0x3678] =	vst.add.f32.msk $0xffff, v0  }
.LBB2_31:
0x310: {  	p0 =	slt.s32 s1, $0x1  }
.Ltmp26:
0x311: {  	_ = 	snop;
	(pc) =	sbr.rel @p0 .LBB2_35-.Ltmp26, $3  }
0x312: {  	_ =	sdelay $0x1  }
0x313: {  	s0 =	simm.s32 $0x6  }
0x314: {  	s3 =	simm.s32 $0x0;
	[sflag:s0] =	ssyncpa.u1 $0x1  }
0x315: {  	s0 =	simm.s32 $0x3658  }
0x316: {  	v0 =	vld.msk [tilespmem:s0+$0x0], $0x1;
	_ =	sdelay $0x4  }
0x317: {  	(v2sf) =	vpush v0, $0x0;
	_ =	sdelay $0xd  }
0x318: {  	s1 =	sadd.s32 $0xFFFFFFFF, s1  }
0x319: {  	p1 =	sne.s32 s1, $0x0;
	s0 =	spop (v2sf)  }
.Ltmp27:
0x31a: {  	p0 =	sgt.u32 s0, $0x271FF;
	(pc) =	sbr.rel @!p1 .LBB2_34-.Ltmp27, $4  }
0x31b: {  	s4 =	simm.s32 $0x3678;
	s5 =	sand.u32 @!p0 $0x3FFF8, s0  }
0x31c: {  	s6 =	simm.s32 $0x0;
	s0 =	sand.u32 @!p0 $0x7, s0;
	s5 =	sadd.s32 @!p0 s2, s5  }
0x31d: {  	[hbm4b:s5+s0] =	stream.linear.scatter @!p0 [tilespmem:s4], [sflag:$0x5], $0x8, $0x38;
	[tilespmem:$0x1F0E8] =	vst v63  }
0x31e: {  	s6 =	simm.s32 @!p0 $0x20;
	s5 =	simm.s32 $0x3659  }
.LBB2_33:
0x31f: {  	v0 =	vld.msk [tilespmem:s5+$0x0], $0x1;
	s1 =	sadd.s32 $0xFFFFFFFF, s1;
	s3 =	sadd.s32 s3, s6  }
0x320: {  	p0 =	sne.s32 s1, $0x0;
	_ =	sdelay $0x3  }
0x321: {  	(v2sf) =	vpush v0, $0x0;
	_ =	sdelay $0xe  }
.Ltmp28:
0x322: {  	s0 =	spop (v2sf);
	(pc) =	sbr.rel @p0 .LBB2_33-.Ltmp28, $4  }
0x323: {  	s6 =	simm.s32 $0x0;
	p1 =	sgt.u32 s0, $0x271FF  }
0x324: {  	s4 =	sadd.s32 $0x10, s4;
	s6 =	simm.s32 @!p1 $0x20;
	s7 =	sand.u32 @!p1 $0x3FFF8, s0  }
0x325: {  	s5 =	sadd.s32 $0x1, s5;
	s0 =	sand.u32 @!p1 $0x7, s0;
	s7 =	sadd.s32 @!p1 s2, s7  }
0x326: {  	[hbm4b:s7+s0] =	stream.linear.scatter @!p1 [tilespmem:s4], [sflag:$0x5], $0x8, $0x38;
	[tilespmem:$0x1F0E8] =	vst v63  }
.LBB2_34:
0x327: {  	s0 =	sadd.s32 s3, s6  }
0x328: {  	s3 =	sshrl.u32 s0, $0x2  }
.LBB2_35:
0x329: {  	s0 =	simm.s32 $0x5  }
0x32a: {  	_ =	swait.ge [sflag:s0], s3  }
0x32b: {  	s1 =	ssub.s32 $0x0, s3;
	[sflag:s0] =	ssyncset.done $0x0  }
0x32c: {  	[sflag:s0] =	ssyncadd.s32 s1  }
0x32d: {  	[sflag:s0] =	ssyncpa.u1 $0x1  }
0x32e: {  	s30 =	simm.s32 $0x1;
	_ =	sfence  }
0x32f: {  	[sflag:s30] =	ssyncpa.u1 $0x1  }
0x330: {  	_ =	strace $0x90000047  }
0x331: {  	[bflag:$0x2] =	sbarrier.arrive $0xFFFF  }
0x332: {  	s31 =	rddreg [dreg:$0x2]  }
0x333: {  	s0 =	sadd.s32 $0x100000, s31  }
0x334: {  	[sflag:s0] =	ssyncadd.tile.s32 $0x1;
	_ =	shalt  }
.Lfunc_end2:
_tile_overlayer_lowered:
.L_overlay_start_2:
0x335: {  	(tag) =	ssettag $0x2  }
0x336: {  	s0 =	rddreg [dreg:$0x0];
	s2 =	stileid.u32  }
0x337: {  	s1 =	rddreg [dreg:$0x1];
	p0 =	sne.s32 s2, $0x0  }
0x338: {  	s3 =	rddreg [dreg:$0x2];
	[bflag:$0x3] =	sbarrier.arrive $0xFFFF;
	s2 =	simm.s32 @!p0 $0x1C01  }
0x339: {  	[timem:s3], [sflag:s2] =	dma.local @!p0 [hbm:s0], s1  }
0x33a: {  	s0 =	simm.s32 @!p0 $0x1  }
0x33b: {  	_ =	swait.ge @!p0 [sflag:s0], s1  }
0x33c: {  	s1 =	ssub.s32 @!p0 $0x0, s1;
	[sflag:s0] =	ssyncset.done @!p0 $0x0  }
0x33d: {  	[sflag:s0] =	ssyncadd.s32 @!p0 s1  }
0x33e: {  	[bflag:$0x3] =	sbarrier.arrive $0xFFFF  }
0x33f: {  	_ =	shalt  }

// kernel: sparse-core-data-format-call.cloned.1.call-start
scs
called_computation.4_lowered:
.L_overlay_start_0:
0x0: {  	s1 =	sld [smem:$0x3FD9]  }
0x1: {  	s2 =	sld [smem:$0x3FFE];
	_ =	sdelay $0x1  }
0x2: {  	s3 =	srdreg.scid  }
0x3: {  	s0 =	sand.u32 $0x1, s3  }
0x4: {  	s17 =	sshll.u32 s0, $0xA;
	s1 =	sadd.s32 s2, s1  }
0x5: {  	s1 =	sadd.s32 s1, s17  }
0x6: {  	[smem:$0x3FBE] =	sst s1  }
0x7: {  	_ = 	snop  }
0x8: {  	(tm) =	ssettm $0x1  }
0x9: {  	s18 =	sld [smem:$0x3FFB];
	_ =	sdelay $0x3  }
0xa: {  	_ =	strace s18  }
0xb: {  	s1 =	sld [smem:$0x3FFC];
	_ =	sdelay $0x3  }
0xc: {  	_ =	strace s1  }
0xd: {  	s1 =	sld [smem:$0x3FFD];
	_ =	sdelay $0x3  }
0xe: {  	_ =	strace s1  }
0xf: {  	_ =	strace $0x8FFFFFFF  }
0x10: {  	s19 =	sld [smem:$0x3FDB];
	_ =	sdelay $0x1  }
0x11: {  	s20 =	simm.s32 $_scs_section_size  }
0x12: {  	s4 =	simm.s32 $_size__tile_overlayer_lowered;
	s5 =	simm.s32 $_tile_overlayer_lowered  }
0x13: {  	s23 =	simm.s32 $0x1BFF;
	s22 =	sshll.u32 s5, $0x1;
	s1 =	sadd.s32 s20, s19  }
0x14: {  	s6 =	simm.s32 $0x0;
	s21 =	sshll.u32 s4, $0x1;
	s4 =	sadd.s32 s22, s1  }
0x15: {  	[timem:s6], [sflag:s23] =	dma.local [hbm:s4], s21  }
0x16: {  	_ =	swait.ge [sflag:s23], s21  }
0x17: {  	s2 =	ssub.s32 $0x0, s21;
	[sflag:s23] =	ssyncset.done $0x0  }
0x18: {  	[sflag:s23] =	ssyncadd.s32 s2;
	_ =	sdelay $0x1  }
0x19: {  	s24 =	simm.s32 $0x1B8B  }
0x1a: {  	_ =	swait.ge [sflag:s24], $0x1  }
0x1b: {  	[sflag:s24] =	ssyncset.done $0x0  }
0x1c: {  	s26 =	simm.s32 $0x1B8E;
	s25 =	sld [smem:$0x3FFE];
	[sflag:s24] =	ssyncadd.s32 $0xFFFFFFFF  }
0x1d: {  	s27 =	simm.s32 $execute0_lowered;
	[smem:$0x3FD2] =	sst s26  }
0x1e: {  	s4 =	sshll.u32 s27, $0x1;
	_ =	strace $0x80000049;
	[dreg:$0x1] =	wrdreg $0xFFFFFFFF  }
0x1f: {  	s28 =	simm.s32 $_size_execute0_lowered;
	s1 =	sadd.s32 s1, s4;
	[dreg:$0x0] =	wrdreg $0x0  }
0x20: {  	s4 =	sshll.u32 s28, $0x1;
	[dreg:$0x2] =	wrdreg s1  }
0x21: {  	[dreg:$0x3] =	wrdreg s4  }
0x22: {  	[dreg:$0x4] =	wrdreg $0xC0  }
0x23: {  	_ =	task [dreg:s6], $0x5FFFF  }
0x24: {  	[dreg:$0x1] =	wrdreg $0xFFFFFFFF  }
0x25: {  	[dreg:$0x0] =	wrdreg $0x60  }
0x26: {  	[dreg:$0x2] =	wrdreg s25  }
0x27: {  	[dreg:$0x3] =	wrdreg $0x9  }
0x28: {  	_ =	task.clear_ibuf [dreg:s6], $0x4FFFF;
	_ =	strace $0x90000049  }
0x29: {  	s29 =	simm.s32 $0x9;
	_ =	strace $0x8000004B  }
0x2a: {  	_ =	swait.ge [sflag:s29], $0x1  }
0x2b: {  	[sflag:s29] =	ssyncadd.s32 $0xFFFFFFFF  }
0x2c: {  	_ =	strace $0x9000004B  }
0x2d: {  	_ =	sfence  }
0x2e: {  	s30 =	sld [smem:$0x0];
	_ =	sdelay $0x2  }
0x2f: {  	s31 =	sshll.u32 s3, $0xD;
	s3 =	sshrl.u32 s3, $0x2  }
0x30: {  	s2 =	sand.u32 $0x4000, s31;
	s1 =	sadd.s32 s3, s30  }
0x31: {  	s0 =	sor.u32 s2, s0;
	s1 =	sshll.u32 s1, $0x11  }
0x32: {  	s0 =	sor.u32 s1, s0  }
0x33: {  	s0 =	sadd.s32 $0x8F2B, s0  }
0x34: {  	[sflag:s0] =	ssyncadd.remote.s32 $0x1  }
0x35: {  	_ =	sfence.sel $0xFFFF  }
0x36: {  	[dreg:$0x0] =	wrdreg $0xFFFFFFFF;
	(pc) =	sbr.abs _section_cstart, $3  }
0x37: {  	[dreg:$0x1] =	wrdreg $0xFFFFFFFF  }
0x38: {  	_ =	task.clear_ibuf [dreg:s6], $0x2FFFF;
	_ =	strace $0x9FFFFFFF  }
0x39: {  	(tm) =	ssettm $0x7FFFFFFF  }
tec
execute0_lowered:
.L_overlay_start_1:
0x0: {  	(tag) =	ssettag $0x1  }
0x1: {  	s0 =	srdreg.scid  }
0x2: {  	s4 =	rddreg [dreg:$0x0];
	s1 =	stileid.u32  }
0x3: {  	s5 =	simm.s32 $0x1;
	s7 =	simm.s32 $0x2;
	s14 =	simm.s32 $0x0  }
0x4: {  	p0 =	por $0x0, $0x0;
	s13 =	simm.s32 $0x0;
	s0 =	sshll.u32 s0, $0x4  }
0x5: {  	s8 =	simm.s32 $0x0;
	s9 =	simm.s32 $0x0;
	s2 =	sand.u32 $0x10, s0  }
.Ltmp0:
0x6: {  	s11 =	simm.s32 $0x0;
	s3 =	sor.u32 s1, s2;
	(pc) =	sbr.rel .LBB1_1-.Ltmp0, $4  }
0x7: {  	s12 =	simm.s32 $0x0;
	s0 =	rddreg [dreg:$0x1];
	s3 =	sshll.u32 s3, $0x7  }
0x8: {  	_ =	strace $0x8000004A;
	s2 =	sadd.s32 $0x3C400, s4;
	s6 =	ssub.s32 $0x50900, s3  }
0x9: {  	s4 =	sadd.s32 $0x5AA400, s4;
	[sflag:s5] =	ssyncpa.u1 $0x0;
	s6 =	sshrl.u32 s6, $0xC  }
0xa: {  	[sflag:s7] =	ssyncpa.u1 $0x0;
	s10 =	smov.u32 s3;
	s7 =	sadd.s32 $0x2, s6  }
.LBB1_5:
0xb: {  	p1 =	slt.u32 s12, $0x2  }
0xc: {  	p2 =	sgt.s32 @!p1 s14, $0x50890  }
0xd: {  	s15 =	smov.u32 s14;
	s16 =	sshra.s32 @!p1 s14, $0x1F;
	p2 =	por !p2, p1  }
0xe: {  	s14 =	sand.u32 @!p1 s16, s14;
	s15 =	simm.s32 @p2 $0x50890  }
0xf: {  	s14 =	ssub.s32 @!p1 s15, s14;
	s15 =	ssub.s32 @!p1 $0x0, s13  }
0x10: {  	s17 =	smov.u32 s11;
	s16 =	sadd.s32 @!p1 $0xFFFAF770, s14;
	s13 =	smin.u32 @!p1 s13, s15  }
0x11: {  	s14 =	ssub.s32 @!p1 $0x50910, s14;
	p2 =	sgt.s32 @!p1 s16, $0x7F;
	p3 =	sgt.s32 @!p1 s13, $0x7F  }
0x12: {  	s13 =	ssub.s32 @!p1 $0x80, s13;
	p2 =	por !p2, p1;
	p3 =	por !p3, p1  }
0x13: {  	s15 =	sadd.s32 $0x1000, s10;
	s14 =	simm.s32 @!p2 $0x0;
	s13 =	simm.s32 @!p3 $0x0  }
0x14: {  	p2 =	sgt.s32 s15, $0x5090F;
	s13 =	smul.u32 @!p1 s13, s14;
	s14 =	sadd.s32 $0x80, s11  }
0x15: {  	s17 =	smov.u32 @p2 s14  }
0x16: {  	s15 =	smov.u32 @p2 s3;
	p2 =	sgt.s32 s17, $0x7F  }
0x17: {  	s17 =	simm.s32 @p2 $0x0;
	p2 =	sne.s32 s12, s7  }
.Ltmp1:
0x18: {  	p0 =	por !p0, !p0;
	s16 =	simm.s32 @!p1 $0x2;
	(pc) =	sbr.rel @!p2 .LBB1_6-.Ltmp1, $4  }
0x19: {  	s14 =	smov.u32 s8;
	s8 =	smov.u32 s10;
	s13 =	sand.u32 @!p1 $0x3FFFFFFF, s13  }
0x1a: {  	s10 =	smov.u32 s15;
	_ =	swait.ge @!p1 [sflag:s16], s13;
	s18 =	ssub.s32 @!p1 $0x0, s13  }
0x1b: {  	s13 =	smov.u32 s9;
	s12 =	sadd.s32 $0x1, s12;
	[sflag:s16] =	ssyncset.done @!p1 $0x0  }
0x1c: {  	s9 =	smov.u32 s11;
	s11 =	smov.u32 s17;
	[sflag:s16] =	ssyncadd.s32 @!p1 s18  }
.LBB1_1:
0x1d: {  	p1 =	sgt.u32 s12, s6  }
0x1e: {  	s15 =	sshrl.u32 @!p1 s11, $0x3  }
0x1f: {  	s16 =	sshll.u32 @!p1 s10, $0x3;
	s15 =	smul.u32 @!p1 $0x284C00, s15  }
0x20: {  	s17 =	sshll.u32 @!p1 s11, $0x7;
	s16 =	sand.u32 @!p1 $0xFFFFFC00, s16  }
0x21: {  	s15 =	sadd.s32 @!p1 s15, s16;
	s16 =	sand.u32 @!p1 $0x380, s17  }
0x22: {  	s15 =	sor.u32 @!p1 s16, s15  }
0x23: {  	s16 =	sshrl.u32 @!p1 s15, $0x7  }
0x24: {  	s16 =	smulhi.u32 @!p1 $0x32D2A3, s16;
	_ =	sdelay $0x1  }
0x25: {  	s16 =	sshrl.u32 @!p1 s16, $0x1  }
0x26: {  	s17 =	sand.u32 @!p1 $0x7F, s10;
	s18 =	smul.u32 @!p1 $0x50980, s16  }
0x27: {  	s15 =	sor.u32 @!p1 s17, s15;
	s17 =	sxor.u32 @!p1 $0xFFFFFFFF, s12  }
0x28: {  	s17 =	sshll.u32 @!p1 s17, $0xE;
	s16 =	sand.u32 @!p1 $0x7F, s16;
	s15 =	ssub.s32 @!p1 s15, s18  }
0x29: {  	s16 =	smul.u32 @!p1 $0xA130, s16;
	s18 =	sshrl.u32 @!p1 s15, $0x3;
	s15 =	sand.u32 @!p1 $0x7, s15  }
0x2a: {  	s17 =	sand.u32 @!p1 $0x4000, s17;
	s18 =	sadd.s32 @!p1 s2, s18;
	s15 =	sshll.u32 @!p1 s15, $0x12  }
0x2b: {  	s16 =	sadd.s32 @!p1 s16, s18;
	s15 =	sor.u32 @!p1 $0x400, s15;
	s18 =	simm.s32 @!p1 $0x284C00  }
0x2c: {  	[tilespmem:s17], [sflag:$0x1] =	stream.strided.gather @!p1 [hbm4b:s16+s15], $0x4000, s18, s15, $0x38;
	[tilespmem:$0x10100] =	vst v63  }
0x2d: {  	p1 =	seq.s32 s12, $0x0  }
0x2e: {  	p2 =	sge.u32 @!p1 s12, s7  }
0x2f: {  	p1 =	por p1, p2  }
.Ltmp2:
0x30: {  	_ = 	snop;
	(pc) =	sbr.rel @p1 .LBB1_5-.Ltmp2, $1  }
0x31: {  	_ =	sdelay $0x3  }
0x32: {  	s15 =	simm.s32 $0x1  }
0x33: {  	_ =	swait.ge [sflag:s5], $0x4000;
	s15 =	simm.s32 @!p0 $0x0  }
0x34: {  	[sflag:s5] =	ssyncset.done $0x0;
	s16 =	sshll.u32 s15, $0xE  }
0x35: {  	[sflag:s5] =	ssyncadd.s32 $0xFFFFC000;
	s16 =	sor.u32 $0x40, s16  }
0x36: {  	s15 =	smul.u32 $0x10200, s15;
	v0 =	vld [tilespmem:s16+$0x30]  }
0x37: {  	v1 =	vld [tilespmem:s16+$0xFFFFFFD0]  }
0x38: {  	s15 =	sshrl.u32 s15, $0x2;
	v5 =	vld [tilespmem:s16+$0xFFFFFFE0]  }
0x39: {  	v6 =	vld [tilespmem:s16+$0xFFFFFFF0];
	s18 =	sor.u32 $0x8000, s15  }
0x3a: {  	s31 =	sand.u32 $0x1, s12;
	v4 =	vld [tilespmem:s16+$0x0];
	s17 =	sadd.s32 $0x0, s18  }
0x3b: {  	v3 =	vld [tilespmem:s16+$0x10];
	s15 =	smul.u32 $0x10200, s31;
	[tilespmem:s17+$0x3870 ss:$0x81] =	vst.msk $0xffff, v0  }
0x3c: {  	v2 =	vld [tilespmem:s16+$0x20];
	[tilespmem:s17+$0x810 ss:$0x81] =	vst.msk $0xffff, v1  }
0x3d: {  	s15 =	sshrl.u32 s15, $0x2;
	v0 =	vld [tilespmem:s16+$0xFFFFFFC0];
	[tilespmem:s17+$0x1020 ss:$0x81] =	vst.msk $0xffff, v5;
	s16 =	sadd.s32 $0x80, s16  }
0x3e: {  	s19 =	simm.s32 $0x4;
	s20 =	simm.s32 $0x8;
	s15 =	sor.u32 $0x8000, s15;
	[tilespmem:s17+$0x1830 ss:$0x81] =	vst.msk $0xffff, v6;
	v1 =	vld [tilespmem:s16+$0x30]  }
.LBB1_3:
0x3f: {  	p1 =	sne.s32 s20, $0x1FC;
	v5 =	vld [tilespmem:s16+$0xFFFFFFD0];
	[tilespmem:s17+$0x2040 ss:$0x81] =	vst.msk $0xffff, v4  }
0x40: {  	v6 =	vld [tilespmem:s16+$0xFFFFFFE0];
	[tilespmem:s17+$0x2850 ss:$0x81] =	vst.msk $0xffff, v3  }
0x41: {  	s21 =	sshra.s32 s19, $0x2;
	s19 =	smov.u32 s20;
	v7 =	vld [tilespmem:s16+$0xFFFFFFF0];
	[tilespmem:s17+$0x3060 ss:$0x81] =	vst.msk $0xffff, v2  }
.Ltmp3:
0x42: {  	v4 =	vld [tilespmem:s16+$0x0];
	[tilespmem:s17+$0x0 ss:$0x81] =	vst.msk $0xffff, v0;
	s17 =	sadd.s32 s21, s18;
	(pc) =	sbr.rel @p1 .LBB1_3-.Ltmp3, $4  }
0x43: {  	v3 =	vld [tilespmem:s16+$0x10];
	[tilespmem:s17+$0x3870 ss:$0x81] =	vst.msk $0xffff, v1  }
0x44: {  	[tilespmem:s17+$0x810 ss:$0x81] =	vst.msk $0xffff, v5;
	v2 =	vld [tilespmem:s16+$0x20]  }
0x45: {  	v0 =	vld [tilespmem:s16+$0xFFFFFFC0];
	[tilespmem:s17+$0x1020 ss:$0x81] =	vst.msk $0xffff, v6;
	s16 =	sadd.s32 $0x80, s16  }
0x46: {  	s20 =	sadd.s32 $0x4, s20;
	v1 =	vld [tilespmem:s16+$0x30];
	[tilespmem:s17+$0x1830 ss:$0x81] =	vst.msk $0xffff, v7  }
0x47: {  	s20 =	sshll.u32 s8, $0x7;
	s21 =	sshll.u32 s9, $0x3;
	s19 =	sshra.s32 s19, $0x2  }
0x48: {  	v5 =	vld [tilespmem:s16+$0xFFFFFFD0];
	[tilespmem:s17+$0x2040 ss:$0x81] =	vst.msk $0xffff, v4;
	p1 =	sgt.s32 s8, $0x50890;
	s22 =	sand.u32 $0xFFFFFC00, s20;
	s21 =	sand.u32 $0xFFFFFC00, s21  }
0x49: {  	v58 =	vld [tilespmem:s16+$0xFFFFFFE0];
	s24 =	sshra.s32 s8, $0x1F;
	s20 =	sand.u32 $0x380, s20;
	[tilespmem:s17+$0x2850 ss:$0x81] =	vst.msk $0xffff, v3;
	s21 =	sadd.s32 s21, s22  }
0x4a: {  	v59 =	vld [tilespmem:s16+$0xFFFFFFF0];
	s26 =	ssub.s32 $0x0, s9;
	s18 =	sadd.s32 s19, s18;
	[tilespmem:s17+$0x3060 ss:$0x81] =	vst.msk $0xffff, v2;
	s23 =	sor.u32 s20, s21  }
0x4b: {  	v60 =	vld [tilespmem:s16+$0x0];
	s28 =	smin.u32 s9, s26;
	s20 =	smov.u32 s8;
	[tilespmem:s17+$0x0 ss:$0x81] =	vst.msk $0xffff, v0;
	s19 =	sshrl.u32 s23, $0x7  }
0x4c: {  	v61 =	vld [tilespmem:s16+$0x10];
	s21 =	sand.u32 s24, s8;
	s20 =	simm.s32 @!p1 $0x50890;
	[tilespmem:s18+$0x3870 ss:$0x81] =	vst.msk $0xffff, v1;
	s25 =	smulhi.u32 $0x65AE1B, s19  }
0x4d: {  	v62 =	vld [tilespmem:s16+$0x20];
	s29 =	sshrl.u32 s9, $0x3;
	p2 =	sgt.s32 s28, $0x7F;
	s20 =	ssub.s32 s20, s21;
	[tilespmem:s18+$0x810 ss:$0x81] =	vst.msk $0xffff, v5  }
0x4e: {  	v63 =	vld [tilespmem:s16+$0xFFFFFFC0];
	[tilespmem:s18+$0x1020 ss:$0x81] =	vst.msk $0xffff, v58;
	s21 =	sadd.s32 $0xFFFAF770, s20;
	s20 =	ssub.s32 $0x50910, s20;
	s17 =	sshrl.u32 s25, $0x9  }
0x4f: {  	[tilespmem:s18+$0x1830 ss:$0x81] =	vst.msk $0xffff, v59;
	p1 =	sgt.s32 s21, $0x7F;
	s27 =	smul.u32 $0x50910, s17;
	s17 =	ssub.s32 $0x80, s28  }
.Ltmp4:
0x50: {  	[tilespmem:s18+$0x2040 ss:$0x81] =	vst.msk $0xffff, v60;
	s20 =	simm.s32 @p1 $0x0;
	s17 =	simm.s32 @p2 $0x0;
	(pc) =	sbr.rel .LBB1_5-.Ltmp4, $4  }
0x51: {  	s30 =	sand.u32 $0xF, s29;
	[tilespmem:s18+$0x2850 ss:$0x81] =	vst.msk $0xffff, v61;
	s16 =	ssub.s32 s19, s27;
	s17 =	smul.u32 s17, s20  }
0x52: {  	[tilespmem:s18+$0x3060 ss:$0x81] =	vst.msk $0xffff, v62;
	s19 =	sadd.s32 s4, s30;
	s16 =	sshll.u32 s16, $0x4  }
0x53: {  	s31 =	sand.u32 $0x7, s9;
	[tilespmem:s18+$0x0 ss:$0x81] =	vst.msk $0xffff, v63;
	s17 =	sand.u32 $0x3FFFFFFF, s17;
	s16 =	sadd.s32 s16, s19  }
0x54: {  	[hbm4b:s16+s31] =	stream.linear.scatter [tilespmem:s15], [sflag:$0x2], s17, $0x20;
	[tilespmem:$0x10100] =	vst v63  }
.LBB1_6:
0x55: {  	_ =	sfence.sel $0x180000  }
0x56: {  	s2 =	simm.s32 $0x1;
	[bflag:$0x0] =	sbarrier.arrive $0xFFFF  }
0x57: {  	s31 =	simm.s32 $0x2;
	[sflag:s2] =	ssyncpa.u1 $0x1  }
0x58: {  	[sflag:s31] =	ssyncpa.u1 $0x1  }
0x59: {  	p0 =	sne.s32 s1, $0x0;
	_ =	strace $0x9000004A  }
0x5a: {  	s0 =	sadd.s32 @!p0 $0x100000, s0;
	[bflag:$0x2] =	sbarrier.arrive $0xFFFF  }
0x5b: {  	[sflag:s0] =	ssyncadd.tile.s32 @!p0 $0x1;
	_ =	shalt  }
.Lfunc_end1:
_tile_overlayer_lowered:
.L_overlay_start_2:
0x5c: {  	(tag) =	ssettag $0x2  }
0x5d: {  	s0 =	rddreg [dreg:$0x0];
	s2 =	stileid.u32  }
0x5e: {  	s1 =	rddreg [dreg:$0x1];
	p0 =	sne.s32 s2, $0x0  }
0x5f: {  	s3 =	rddreg [dreg:$0x2];
	[bflag:$0x3] =	sbarrier.arrive $0xFFFF;
	s2 =	simm.s32 @!p0 $0x1C01  }
0x60: {  	[timem:s3], [sflag:s2] =	dma.local @!p0 [hbm:s0], s1  }
0x61: {  	s0 =	simm.s32 @!p0 $0x1  }
0x62: {  	_ =	swait.ge @!p0 [sflag:s0], s1  }
0x63: {  	s1 =	ssub.s32 @!p0 $0x0, s1;
	[sflag:s0] =	ssyncset.done @!p0 $0x0  }
0x64: {  	[sflag:s0] =	ssyncadd.s32 @!p0 s1  }
0x65: {  	[bflag:$0x3] =	sbarrier.arrive $0xFFFF  }
0x66: {  	_ =	shalt  }

</sc_bundles>
